<compile_context>
chip_gen: v7x
topology: tpu7x:2x2x1
jax: 0.10.2.dev20260603
libtpu: 0.0.44.dev20260713+nightly
codegen_flags: <defaults>
</compile_context>

<pallas_src>
import jax
import jax.numpy as jnp
from jax import lax
from jax.experimental import pallas as pl
from jax.experimental.pallas import tpu as pltpu
from jax.experimental.pallas import tpu_sc as plsc

NW = 32
F_CHUNK = 160
F_PAD = NW * F_CHUNK
NQ = 13
B_ATOM = 2048


def _sc_body(fx_h, fy_h, fz_h, px_h, py_h, pz_h, fid_h, tx_h, ty_h, tz_h,
             st_h, en_h, out_h,
             fx_v, fy_v, fz_v, px_v, py_v, pz_v, fid_v, tx_v, ty_v, tz_v,
             st_v, en_v, accs, sem):
    wid = lax.axis_index("c") * 16 + lax.axis_index("s")
    base_f = pl.multiple_of(wid * F_CHUNK, 8)

    cps = [pltpu.async_copy(st_h, st_v, sem),
           pltpu.async_copy(en_h, en_v, sem),
           pltpu.async_copy(tx_h.at[pl.ds(base_f, F_CHUNK)], tx_v, sem),
           pltpu.async_copy(ty_h.at[pl.ds(base_f, F_CHUNK)], ty_v, sem),
           pltpu.async_copy(tz_h.at[pl.ds(base_f, F_CHUNK)], tz_v, sem)]

    def zero_row(k, carry):
        for a in accs:
            a[pl.ds(k * 16, 16)] = jnp.zeros((16,), jnp.float32)
        return carry

    lax.fori_loop(0, F_CHUNK // 16, zero_row, 0)
    for cp in cps:
        cp.wait()

    lanes = lax.iota(jnp.int32, 16)
    start = st_v[pl.ds(wid, 16)][0]
    end = en_v[pl.ds(wid, 16)][0]
    start_al = start & jnp.int32(-8)
    nbat = (end - start_al + (B_ATOM - 1)) // B_ATOM

    def batch(b, carry):
        a0 = pl.multiple_of(start_al + b * B_ATOM, 8)
        cbs = [pltpu.async_copy(fx_h.at[pl.ds(a0, B_ATOM)], fx_v, sem),
               pltpu.async_copy(fy_h.at[pl.ds(a0, B_ATOM)], fy_v, sem),
               pltpu.async_copy(fz_h.at[pl.ds(a0, B_ATOM)], fz_v, sem),
               pltpu.async_copy(px_h.at[pl.ds(a0, B_ATOM)], px_v, sem),
               pltpu.async_copy(py_h.at[pl.ds(a0, B_ATOM)], py_v, sem),
               pltpu.async_copy(pz_h.at[pl.ds(a0, B_ATOM)], pz_v, sem),
               pltpu.async_copy(fid_h.at[pl.ds(a0, B_ATOM)],
                                fid_v.at[pl.ds(0, B_ATOM)], sem)]
        for cb in cbs:
            cb.wait()

        def step(j, c2):
            o = j * 16
            aidx = (a0 + o) + lanes
            mf = jnp.where((aidx >= start) & (aidx < end),
                           jnp.float32(1.0), jnp.float32(0.0))
            rel = fid_v[pl.ds(o, 16)] - base_f
            rel = jnp.minimum(jnp.maximum(rel, 0), F_CHUNK - 1)
            reln = fid_v[pl.ds(o + 1, 16)] - base_f
            reln = jnp.minimum(jnp.maximum(reln, 0), F_CHUNK - 1)
            diff = rel != reln
            bmask = diff | (lanes == 15)
            b2mask = diff & (lanes != 15)
            fx = fx_v[pl.ds(o, 16)] * mf
            fy = fy_v[pl.ds(o, 16)] * mf
            fz = fz_v[pl.ds(o, 16)] * mf
            tqx_ = plsc.load_gather(tx_v, [rel])
            tqy_ = plsc.load_gather(ty_v, [rel])
            tqz_ = plsc.load_gather(tz_v, [rel])
            rx = px_v[pl.ds(o, 16)] - tqx_
            ry = py_v[pl.ds(o, 16)] - tqy_
            rz = pz_v[pl.ds(o, 16)] - tqz_
            cx = ry * fz - rz * fy
            cy = rz * fx - rx * fz
            cz = rx * fy - ry * fx
            xx = rx * rx * mf
            xy = rx * ry * mf
            xz = rx * rz * mf
            yy = ry * ry * mf
            yz = ry * rz * mf
            zz = rz * rz * mf
            vals = (mf, fx, fy, fz, cx, cy, cz, xx, xy, xz, yy, yz, zz)
            for a, v in zip(accs, vals):
                s = plsc.cumsum(v)
                plsc.addupdate_scatter(a, [rel], s, mask=bmask)
                plsc.addupdate_scatter(a, [reln], -s, mask=b2mask)
            return c2

        lax.fori_loop(0, B_ATOM // 16, step, 0)
        return carry

    lax.fori_loop(0, nbat, batch, 0)
    ocs = [pltpu.async_copy(
        a, out_h.at[pl.ds(pl.multiple_of(q * F_PAD + wid * F_CHUNK, 8),
                          F_CHUNK)], sem)
        for q, a in enumerate(accs)]
    for oc in ocs:
        oc.wait()


def _sc_stage1(fx, fy, fz, px, py, pz, fid, tx, ty, tz, starts, ends):
    mesh = plsc.VectorSubcoreMesh(core_axis_name="c", subcore_axis_name="s")
    f32 = jnp.float32
    run = pl.kernel(
        _sc_body,
        out_type=jax.ShapeDtypeStruct((NQ * F_PAD,), f32),
        mesh=mesh,
        compiler_params=pltpu.CompilerParams(needs_layout_passes=False),
        scratch_types=[
            pltpu.VMEM((B_ATOM,), f32), pltpu.VMEM((B_ATOM,), f32),
            pltpu.VMEM((B_ATOM,), f32), pltpu.VMEM((B_ATOM,), f32),
            pltpu.VMEM((B_ATOM,), f32), pltpu.VMEM((B_ATOM,), f32),
            pltpu.VMEM((B_ATOM + 16,), jnp.int32),
            pltpu.VMEM((F_CHUNK,), f32), pltpu.VMEM((F_CHUNK,), f32),
            pltpu.VMEM((F_CHUNK,), f32),
            pltpu.VMEM((NW + 16,), jnp.int32),
            pltpu.VMEM((NW + 16,), jnp.int32),
            [pltpu.VMEM((F_CHUNK,), f32)] * NQ,
            pltpu.SemaphoreType.DMA,
        ],
    )
    return run(fx, fy, fz, px, py, pz, fid, tx, ty, tz, starts, ends)


def _tc_body(s_ref, fsz_ref, val_ref, out_ref):
    cnt = s_ref[0]
    one = jnp.ones_like(cnt)
    zero = jnp.zeros_like(cnt)
    inv_cnt = 1.0 / jnp.maximum(cnt, one)
    tqx = s_ref[4]
    tqy = s_ref[5]
    tqz = s_ref[6]
    xx = s_ref[7]
    yy = s_ref[10]
    zz = s_ref[12]
    a00 = yy + zz
    a01 = -s_ref[8]
    a02 = -s_ref[9]
    a11 = xx + zz
    a12 = -s_ref[11]
    a22 = xx + yy
    v00 = one; v01 = zero; v02 = zero
    v10 = zero; v11 = one; v12 = zero
    v20 = zero; v21 = zero; v22 = one

    def rot(app, aqq, apq, aop, aoq, vpq):
        nz = jnp.abs(apq) > 0.0
        apq_s = jnp.where(nz, apq, one)
        tau = (aqq - app) / (2.0 * apq_s)
        t = jnp.sign(tau) / (jnp.abs(tau) + jnp.sqrt(1.0 + tau * tau))
        t = jnp.where(tau == 0.0, one, t)
        t = jnp.where(nz, t, zero)
        c = 1.0 / jnp.sqrt(1.0 + t * t)
        s = t * c
        app2 = app - t * apq
        aqq2 = aqq + t * apq
        aop2 = c * aop - s * aoq
        aoq2 = s * aop + c * aoq
        vp = [c * a - s * b for a, b in vpq]
        vq = [s * a + c * b for a, b in vpq]
        return app2, aqq2, aop2, aoq2, vp, vq

    for _ in range(7):
        a00, a11, a02, a12, vp, vq = rot(
            a00, a11, a01, a02, a12, [(v00, v01), (v10, v11), (v20, v21)])
        a01 = zero
        (v00, v10, v20), (v01, v11, v21) = vp, vq
        a00, a22, a01, a12, vp, vq = rot(
            a00, a22, a02, a01, a12, [(v00, v02), (v10, v12), (v20, v22)])
        a02 = zero
        (v00, v10, v20), (v02, v12, v22) = vp, vq
        a11, a22, a01, a02, vp, vq = rot(
            a11, a22, a12, a01, a02, [(v01, v02), (v11, v12), (v21, v22)])
        a12 = zero
        (v01, v11, v21), (v02, v12, v22) = vp, vq

    l0, l1, l2 = a00, a11, a22
    max_eig = jnp.maximum(jnp.maximum(l0, l1), jnp.maximum(l2, 1e-8))
    thr = 0.01 * max_eig
    not_single = jnp.where(fsz_ref[...] <= 1.0, zero, one)
    obs0 = jnp.where(l0 > thr, not_single, zero)
    obs1 = jnp.where(l1 > thr, not_single, zero)
    obs2 = jnp.where(l2 > thr, not_single, zero)
    te0 = v00 * tqx + v10 * tqy + v20 * tqz
    te1 = v01 * tqx + v11 * tqy + v21 * tqz
    te2 = v02 * tqx + v12 * tqy + v22 * tqz
    oe0 = te0 / jnp.maximum(l0, 1e-6) * obs0
    oe1 = te1 / jnp.maximum(l1, 1e-6) * obs1
    oe2 = te2 / jnp.maximum(l2, 1e-6) * obs2
    val = val_ref[...]
    out_ref[0] = s_ref[1] * inv_cnt * val
    out_ref[1] = s_ref[2] * inv_cnt * val
    out_ref[2] = s_ref[3] * inv_cnt * val
    out_ref[3] = (v00 * oe0 + v01 * oe1 + v02 * oe2) * val
    out_ref[4] = (v10 * oe0 + v11 * oe1 + v12 * oe2) * val
    out_ref[5] = (v20 * oe0 + v21 * oe1 + v22 * oe2) * val
    w0 = obs0 * val
    w1 = obs1 * val
    w2 = obs2 * val
    p01 = v00 * v10 * w0 + v01 * v11 * w1 + v02 * v12 * w2
    p02 = v00 * v20 * w0 + v01 * v21 * w1 + v02 * v22 * w2
    p12 = v10 * v20 * w0 + v11 * v21 * w1 + v12 * v22 * w2
    out_ref[6] = v00 * v00 * w0 + v01 * v01 * w1 + v02 * v02 * w2
    out_ref[7] = p01
    out_ref[8] = p02
    out_ref[9] = p01
    out_ref[10] = v10 * v10 * w0 + v11 * v11 * w1 + v12 * v12 * w2
    out_ref[11] = p12
    out_ref[12] = p02
    out_ref[13] = p12
    out_ref[14] = v20 * v20 * w0 + v21 * v21 * w1 + v22 * v22 * w2


def _tc_stage2(sums, fsz, val):
    R = F_PAD // 128
    out = pl.pallas_call(
        _tc_body,
        out_shape=jax.ShapeDtypeStruct((15, R, 128), jnp.float32),
    )(sums.reshape(NQ, R, 128),
      fsz.reshape(R, 128), val.reshape(R, 128))
    return out


def kernel(f_atom, atom_pos, T_frag, frag_id, n_frag, frag_sizes):
    N = f_atom.shape[0]
    F = T_frag.shape[0]
    f32 = jnp.float32
    fid = frag_id.astype(jnp.int32)

    ft = jnp.concatenate(
        [f_atom.astype(f32), jnp.zeros((B_ATOM, 3), f32)], axis=0).T
    pt = jnp.concatenate(
        [atom_pos.astype(f32), jnp.zeros((B_ATOM, 3), f32)], axis=0).T
    fidp = jnp.concatenate([fid, jnp.zeros((B_ATOM,), jnp.int32)])
    tt = jnp.concatenate(
        [T_frag.astype(f32), jnp.zeros((F_PAD - F, 3), f32)], axis=0).T

    blk = (fid // F_CHUNK).astype(jnp.int32)
    counts = jnp.sum(
        (blk[:, None] == jnp.arange(NW, dtype=jnp.int32)[None, :])
        .astype(jnp.int32), axis=0)
    cuts = jnp.concatenate(
        [jnp.zeros((1,), jnp.int32), jnp.cumsum(counts).astype(jnp.int32)])
    pad16 = jnp.zeros((16,), jnp.int32)
    starts = jnp.concatenate([cuts[:-1], pad16])
    ends = jnp.concatenate([cuts[1:], pad16])

    sums = _sc_stage1(ft[0], ft[1], ft[2], pt[0], pt[1], pt[2], fidp,
                      tt[0], tt[1], tt[2], starts, ends)

    fszp = jnp.concatenate(
        [frag_sizes.astype(f32), jnp.zeros((F_PAD - F,), f32)])
    val = (jnp.arange(F_PAD) < n_frag).astype(f32)

    out = _tc_stage2(sums, fszp, val).reshape(15, F_PAD)
    v_frag = out[0:3].T[:F]
    omega = out[3:6].T[:F]
    P = out[6:15].reshape(3, 3, F_PAD).transpose(2, 0, 1)[:F]
    return (v_frag, omega, P)

# --- scband reference (transcript-rebuilt; emitter-appended) ---
"""Pipeline reference for scband-unified-flow-frag-7421703488097 (READ-ONLY COPY).

The authoritative reference and input builder live on the scoring server;
editing this copy changes nothing except your own understanding.
"""

import jax, jax.numpy as jnp
import numpy as np


def setup_inputs(seed: int = 0) -> dict:
    key = jax.random.key(seed)
    k1, k2, k3, k4, k5 = jax.random.split(key, 5)
    N = 50000
    F = 5000
    f_atom = jax.random.normal(k1, (N, 3), dtype=jnp.float32)
    atom_pos = jax.random.normal(k2, (N, 3), dtype=jnp.float32) * 5.0
    T_frag = jax.random.normal(k3, (F, 3), dtype=jnp.float32) * 5.0
    frag_id = jnp.sort(jax.random.randint(k4, (N,), 0, F, dtype=jnp.int64))
    frag_sizes = jax.random.randint(k5, (F,), 0, 20, dtype=jnp.int64)
    return {"f_atom": f_atom, "atom_pos": atom_pos, "T_frag": T_frag,
            "frag_id": frag_id, "n_frag": F, "frag_sizes": frag_sizes}


def reference(f_atom, atom_pos, T_frag, frag_id, n_frag, frag_sizes):
    eig_threshold = 0.01
    dtype = f_atom.dtype
    n_seg = frag_sizes.shape[0]
    valid = jnp.arange(n_seg) < n_frag
    # scatter_mean(f_atom, frag_id, n_frag)
    counts = jax.ops.segment_sum(jnp.ones((f_atom.shape[0],), dtype=dtype), frag_id, num_segments=n_seg)
    f_sum = jax.ops.segment_sum(f_atom, frag_id, num_segments=n_seg)
    v_frag = f_sum / jnp.clip(counts, 1.0)[:, None]
    # lever arms and torques
    r_arm = atom_pos - T_frag[frag_id]
    torque_per_atom = jnp.cross(r_arm, f_atom)
    torque = jax.ops.segment_sum(torque_per_atom, frag_id, num_segments=n_seg)
    # inertia tensor: diag_embed(sum r^2) - sum r r^T
    r2 = (r_arm * r_arm).sum(-1)
    I_diag = jax.ops.segment_sum(r2, frag_id, num_segments=n_seg)
    rr = r_arm[:, :, None] * r_arm[:, None, :]
    I_off = jax.ops.segment_sum(rr, frag_id, num_segments=n_seg)
    I_tensor = I_diag[:, None, None] * jnp.eye(3, dtype=dtype)[None] - I_off
    eigenvalues, eigenvectors = jnp.linalg.eigh(I_tensor)
    max_eig = jnp.clip(eigenvalues.max(axis=-1, keepdims=True), 1e-08)
    observable = (eigenvalues > eig_threshold * max_eig).astype(dtype)
    single_mask = (frag_sizes <= 1)[:, None]
    observable = jnp.where(single_mask, jnp.zeros_like(observable), observable)
    torque_eig = jnp.einsum('nji,nj->ni', eigenvectors, torque)
    safe_eig = jnp.clip(eigenvalues, 1e-06)
    omega_eig = torque_eig / safe_eig * observable
    omega_frag = jnp.einsum('nij,nj->ni', eigenvectors, omega_eig)
    P_observable = jnp.einsum('nij,nj,nkj->nik', eigenvectors, observable, eigenvectors)
    v_frag = jnp.where(valid[:, None], v_frag, jnp.zeros_like(v_frag))
    omega_frag = jnp.where(valid[:, None], omega_frag, jnp.zeros_like(omega_frag))
    P_observable = jnp.where(valid[:, None, None], P_observable, jnp.zeros_like(P_observable))
    return (v_frag, omega_frag, P_observable)

if __name__ == "__main__":
    import jax
    _d = setup_inputs()
    print(jax.jit(kernel)(*tuple(_d.values())))

</pallas_src>

<mosaic_0001>
#map = affine_map<(d0, d1) -> (0)>
module attributes {stable_mosaic.version = 14 : i64} {
  func.func @_sc_body(%arg0: i32, %arg1: i32, %arg2: memref<52048xf32, #tpu.memory_space<hbm>>, %arg3: memref<52048xf32, #tpu.memory_space<hbm>>, %arg4: memref<52048xf32, #tpu.memory_space<hbm>>, %arg5: memref<52048xf32, #tpu.memory_space<hbm>>, %arg6: memref<52048xf32, #tpu.memory_space<hbm>>, %arg7: memref<52048xf32, #tpu.memory_space<hbm>>, %arg8: memref<52048xi32, #tpu.memory_space<hbm>>, %arg9: memref<5120xf32, #tpu.memory_space<hbm>>, %arg10: memref<5120xf32, #tpu.memory_space<hbm>>, %arg11: memref<5120xf32, #tpu.memory_space<hbm>>, %arg12: memref<48xi32, #tpu.memory_space<hbm>>, %arg13: memref<48xi32, #tpu.memory_space<hbm>>, %arg14: memref<66560xf32, #tpu.memory_space<hbm>>, %arg15: memref<2048xf32, #tpu.memory_space<vmem>>, %arg16: memref<2048xf32, #tpu.memory_space<vmem>>, %arg17: memref<2048xf32, #tpu.memory_space<vmem>>, %arg18: memref<2048xf32, #tpu.memory_space<vmem>>, %arg19: memref<2048xf32, #tpu.memory_space<vmem>>, %arg20: memref<2048xf32, #tpu.memory_space<vmem>>, %arg21: memref<2064xi32, #tpu.memory_space<vmem>>, %arg22: memref<160xf32, #tpu.memory_space<vmem>>, %arg23: memref<160xf32, #tpu.memory_space<vmem>>, %arg24: memref<160xf32, #tpu.memory_space<vmem>>, %arg25: memref<48xi32, #tpu.memory_space<vmem>>, %arg26: memref<48xi32, #tpu.memory_space<vmem>>, %arg27: memref<160xf32, #tpu.memory_space<vmem>>, %arg28: memref<160xf32, #tpu.memory_space<vmem>>, %arg29: memref<160xf32, #tpu.memory_space<vmem>>, %arg30: memref<160xf32, #tpu.memory_space<vmem>>, %arg31: memref<160xf32, #tpu.memory_space<vmem>>, %arg32: memref<160xf32, #tpu.memory_space<vmem>>, %arg33: memref<160xf32, #tpu.memory_space<vmem>>, %arg34: memref<160xf32, #tpu.memory_space<vmem>>, %arg35: memref<160xf32, #tpu.memory_space<vmem>>, %arg36: memref<160xf32, #tpu.memory_space<vmem>>, %arg37: memref<160xf32, #tpu.memory_space<vmem>>, %arg38: memref<160xf32, #tpu.memory_space<vmem>>, %arg39: memref<160xf32, #tpu.memory_space<vmem>>, %arg40: memref<!tpu.dma_semaphore, #tpu.memory_space<semaphore_mem>>) attributes {dimension_semantics = [#tpu.dimension_semantics<core_parallel>, #tpu.dimension_semantics<subcore_parallel>], iteration_bounds = array<i64: 2, 16>, scalar_prefetch = 0 : i64, scratch_operands = 26 : i64, tpu.core_type = #tpu.core_type<sc_vector_subcore>, window_params = [{transform_indices = #map}, {transform_indices = #map}, {transform_indices = #map}, {transform_indices = #map}, {transform_indices = #map}, {transform_indices = #map}, {transform_indices = #map}, {transform_indices = #map}, {transform_indices = #map}, {transform_indices = #map}, {transform_indices = #map}, {transform_indices = #map}, {transform_indices = #map}]} {
    %mul3A = arith.constant 16 : i32
    %mul3A_0 = arith.muli %arg0, %mul3A : i32
    %add3A = arith.addi %mul3A_0, %arg1 : i32
    %mul3A_1 = arith.constant 160 : i32
    %mul3A_2 = arith.muli %add3A, %mul3A_1 : i32
    %multiple_of3A = tpu.assume_multiple %mul3A_2, 8 : i32
    tpu.enqueue_dma source(%arg12 : memref<48xi32, #tpu.memory_space<hbm>>) target(%arg25 : memref<48xi32, #tpu.memory_space<vmem>>) target_semaphore(%arg40 : memref<!tpu.dma_semaphore, #tpu.memory_space<semaphore_mem>>)
    tpu.enqueue_dma source(%arg13 : memref<48xi32, #tpu.memory_space<hbm>>) target(%arg26 : memref<48xi32, #tpu.memory_space<vmem>>) target_semaphore(%arg40 : memref<!tpu.dma_semaphore, #tpu.memory_space<semaphore_mem>>)
    %dma_start3A = tpu.memref_slice %arg9[%multiple_of3A] : memref<5120xf32, #tpu.memory_space<hbm>> -> memref<160xf32, #tpu.memory_space<hbm>>
    %dma_start3A_3 = tpu.memref_slice %arg9[%multiple_of3A] : memref<5120xf32, #tpu.memory_space<hbm>> -> memref<160xf32, #tpu.memory_space<hbm>>
    tpu.enqueue_dma source(%dma_start3A_3 : memref<160xf32, #tpu.memory_space<hbm>>) target(%arg22 : memref<160xf32, #tpu.memory_space<vmem>>) target_semaphore(%arg40 : memref<!tpu.dma_semaphore, #tpu.memory_space<semaphore_mem>>)
    %dma_start3A_4 = tpu.memref_slice %arg10[%multiple_of3A] : memref<5120xf32, #tpu.memory_space<hbm>> -> memref<160xf32, #tpu.memory_space<hbm>>
    %dma_start3A_5 = tpu.memref_slice %arg10[%multiple_of3A] : memref<5120xf32, #tpu.memory_space<hbm>> -> memref<160xf32, #tpu.memory_space<hbm>>
    tpu.enqueue_dma source(%dma_start3A_5 : memref<160xf32, #tpu.memory_space<hbm>>) target(%arg23 : memref<160xf32, #tpu.memory_space<vmem>>) target_semaphore(%arg40 : memref<!tpu.dma_semaphore, #tpu.memory_space<semaphore_mem>>)
    %dma_start3A_6 = tpu.memref_slice %arg11[%multiple_of3A] : memref<5120xf32, #tpu.memory_space<hbm>> -> memref<160xf32, #tpu.memory_space<hbm>>
    %dma_start3A_7 = tpu.memref_slice %arg11[%multiple_of3A] : memref<5120xf32, #tpu.memory_space<hbm>> -> memref<160xf32, #tpu.memory_space<hbm>>
    tpu.enqueue_dma source(%dma_start3A_7 : memref<160xf32, #tpu.memory_space<hbm>>) target(%arg24 : memref<160xf32, #tpu.memory_space<vmem>>) target_semaphore(%arg40 : memref<!tpu.dma_semaphore, #tpu.memory_space<semaphore_mem>>)
    %scan3A = arith.constant 0 : i32
    %scan3A_8 = arith.constant 0 : i32
    %scan3A_9 = arith.constant 10 : i32
    %scan3A_10 = arith.addi %scan3A_8, %scan3A_9 : i32
    %scan3A_11 = arith.constant 1 : i32
    scf.for %scan3A_170 = %scan3A_8 to %scan3A_10 step %scan3A_11  : i32 {
      %broadcast_in_dim3A = arith.constant 0.000000e+00 : f32
      %broadcast_in_dim3A_171 = vector.broadcast %broadcast_in_dim3A : f32 to vector<16xf32>
      %mul3A_172 = arith.constant 16 : i32
      %mul3A_173 = arith.muli %scan3A_170, %mul3A_172 : i32
      %swap3A = arith.index_cast %mul3A_173 : i32 to index
      %swap3A_174 = tpu.vector_load %arg27[%swap3A] {strides = array<i32>} : memref<160xf32, #tpu.memory_space<vmem>>, vector<16xf32>,
      tpu.vector_store %arg27[%swap3A], %broadcast_in_dim3A_171 {strides = array<i32>} : memref<160xf32, #tpu.memory_space<vmem>>, vector<16xf32>,
      %broadcast_in_dim3A_175 = arith.constant 0.000000e+00 : f32
      %broadcast_in_dim3A_176 = vector.broadcast %broadcast_in_dim3A_175 : f32 to vector<16xf32>
      %mul3A_177 = arith.constant 16 : i32
      %mul3A_178 = arith.muli %scan3A_170, %mul3A_177 : i32
      %swap3A_179 = arith.index_cast %mul3A_178 : i32 to index
      %swap3A_180 = tpu.vector_load %arg28[%swap3A_179] {strides = array<i32>} : memref<160xf32, #tpu.memory_space<vmem>>, vector<16xf32>,
      tpu.vector_store %arg28[%swap3A_179], %broadcast_in_dim3A_176 {strides = array<i32>} : memref<160xf32, #tpu.memory_space<vmem>>, vector<16xf32>,
      %broadcast_in_dim3A_181 = arith.constant 0.000000e+00 : f32
      %broadcast_in_dim3A_182 = vector.broadcast %broadcast_in_dim3A_181 : f32 to vector<16xf32>
      %mul3A_183 = arith.constant 16 : i32
      %mul3A_184 = arith.muli %scan3A_170, %mul3A_183 : i32
      %swap3A_185 = arith.index_cast %mul3A_184 : i32 to index
      %swap3A_186 = tpu.vector_load %arg29[%swap3A_185] {strides = array<i32>} : memref<160xf32, #tpu.memory_space<vmem>>, vector<16xf32>,
      tpu.vector_store %arg29[%swap3A_185], %broadcast_in_dim3A_182 {strides = array<i32>} : memref<160xf32, #tpu.memory_space<vmem>>, vector<16xf32>,
      %broadcast_in_dim3A_187 = arith.constant 0.000000e+00 : f32
      %broadcast_in_dim3A_188 = vector.broadcast %broadcast_in_dim3A_187 : f32 to vector<16xf32>
      %mul3A_189 = arith.constant 16 : i32
      %mul3A_190 = arith.muli %scan3A_170, %mul3A_189 : i32
      %swap3A_191 = arith.index_cast %mul3A_190 : i32 to index
      %swap3A_192 = tpu.vector_load %arg30[%swap3A_191] {strides = array<i32>} : memref<160xf32, #tpu.memory_space<vmem>>, vector<16xf32>,
      tpu.vector_store %arg30[%swap3A_191], %broadcast_in_dim3A_188 {strides = array<i32>} : memref<160xf32, #tpu.memory_space<vmem>>, vector<16xf32>,
      %broadcast_in_dim3A_193 = arith.constant 0.000000e+00 : f32
      %broadcast_in_dim3A_194 = vector.broadcast %broadcast_in_dim3A_193 : f32 to vector<16xf32>
      %mul3A_195 = arith.constant 16 : i32
      %mul3A_196 = arith.muli %scan3A_170, %mul3A_195 : i32
      %swap3A_197 = arith.index_cast %mul3A_196 : i32 to index
      %swap3A_198 = tpu.vector_load %arg31[%swap3A_197] {strides = array<i32>} : memref<160xf32, #tpu.memory_space<vmem>>, vector<16xf32>,
      tpu.vector_store %arg31[%swap3A_197], %broadcast_in_dim3A_194 {strides = array<i32>} : memref<160xf32, #tpu.memory_space<vmem>>, vector<16xf32>,
      %broadcast_in_dim3A_199 = arith.constant 0.000000e+00 : f32
      %broadcast_in_dim3A_200 = vector.broadcast %broadcast_in_dim3A_199 : f32 to vector<16xf32>
      %mul3A_201 = arith.constant 16 : i32
      %mul3A_202 = arith.muli %scan3A_170, %mul3A_201 : i32
      %swap3A_203 = arith.index_cast %mul3A_202 : i32 to index
      %swap3A_204 = tpu.vector_load %arg32[%swap3A_203] {strides = array<i32>} : memref<160xf32, #tpu.memory_space<vmem>>, vector<16xf32>,
      tpu.vector_store %arg32[%swap3A_203], %broadcast_in_dim3A_200 {strides = array<i32>} : memref<160xf32, #tpu.memory_space<vmem>>, vector<16xf32>,
      %broadcast_in_dim3A_205 = arith.constant 0.000000e+00 : f32
      %broadcast_in_dim3A_206 = vector.broadcast %broadcast_in_dim3A_205 : f32 to vector<16xf32>
      %mul3A_207 = arith.constant 16 : i32
      %mul3A_208 = arith.muli %scan3A_170, %mul3A_207 : i32
      %swap3A_209 = arith.index_cast %mul3A_208 : i32 to index
      %swap3A_210 = tpu.vector_load %arg33[%swap3A_209] {strides = array<i32>} : memref<160xf32, #tpu.memory_space<vmem>>, vector<16xf32>,
      tpu.vector_store %arg33[%swap3A_209], %broadcast_in_dim3A_206 {strides = array<i32>} : memref<160xf32, #tpu.memory_space<vmem>>, vector<16xf32>,
      %broadcast_in_dim3A_211 = arith.constant 0.000000e+00 : f32
      %broadcast_in_dim3A_212 = vector.broadcast %broadcast_in_dim3A_211 : f32 to vector<16xf32>
      %mul3A_213 = arith.constant 16 : i32
      %mul3A_214 = arith.muli %scan3A_170, %mul3A_213 : i32
      %swap3A_215 = arith.index_cast %mul3A_214 : i32 to index
      %swap3A_216 = tpu.vector_load %arg34[%swap3A_215] {strides = array<i32>} : memref<160xf32, #tpu.memory_space<vmem>>, vector<16xf32>,
      tpu.vector_store %arg34[%swap3A_215], %broadcast_in_dim3A_212 {strides = array<i32>} : memref<160xf32, #tpu.memory_space<vmem>>, vector<16xf32>,
      %broadcast_in_dim3A_217 = arith.constant 0.000000e+00 : f32
      %broadcast_in_dim3A_218 = vector.broadcast %broadcast_in_dim3A_217 : f32 to vector<16xf32>
      %mul3A_219 = arith.constant 16 : i32
      %mul3A_220 = arith.muli %scan3A_170, %mul3A_219 : i32
      %swap3A_221 = arith.index_cast %mul3A_220 : i32 to index
      %swap3A_222 = tpu.vector_load %arg35[%swap3A_221] {strides = array<i32>} : memref<160xf32, #tpu.memory_space<vmem>>, vector<16xf32>,
      tpu.vector_store %arg35[%swap3A_221], %broadcast_in_dim3A_218 {strides = array<i32>} : memref<160xf32, #tpu.memory_space<vmem>>, vector<16xf32>,
      %broadcast_in_dim3A_223 = arith.constant 0.000000e+00 : f32
      %broadcast_in_dim3A_224 = vector.broadcast %broadcast_in_dim3A_223 : f32 to vector<16xf32>
      %mul3A_225 = arith.constant 16 : i32
      %mul3A_226 = arith.muli %scan3A_170, %mul3A_225 : i32
      %swap3A_227 = arith.index_cast %mul3A_226 : i32 to index
      %swap3A_228 = tpu.vector_load %arg36[%swap3A_227] {strides = array<i32>} : memref<160xf32, #tpu.memory_space<vmem>>, vector<16xf32>,
      tpu.vector_store %arg36[%swap3A_227], %broadcast_in_dim3A_224 {strides = array<i32>} : memref<160xf32, #tpu.memory_space<vmem>>, vector<16xf32>,
      %broadcast_in_dim3A_229 = arith.constant 0.000000e+00 : f32
      %broadcast_in_dim3A_230 = vector.broadcast %broadcast_in_dim3A_229 : f32 to vector<16xf32>
      %mul3A_231 = arith.constant 16 : i32
      %mul3A_232 = arith.muli %scan3A_170, %mul3A_231 : i32
      %swap3A_233 = arith.index_cast %mul3A_232 : i32 to index
      %swap3A_234 = tpu.vector_load %arg37[%swap3A_233] {strides = array<i32>} : memref<160xf32, #tpu.memory_space<vmem>>, vector<16xf32>,
      tpu.vector_store %arg37[%swap3A_233], %broadcast_in_dim3A_230 {strides = array<i32>} : memref<160xf32, #tpu.memory_space<vmem>>, vector<16xf32>,
      %broadcast_in_dim3A_235 = arith.constant 0.000000e+00 : f32
      %broadcast_in_dim3A_236 = vector.broadcast %broadcast_in_dim3A_235 : f32 to vector<16xf32>
      %mul3A_237 = arith.constant 16 : i32
      %mul3A_238 = arith.muli %scan3A_170, %mul3A_237 : i32
      %swap3A_239 = arith.index_cast %mul3A_238 : i32 to index
      %swap3A_240 = tpu.vector_load %arg38[%swap3A_239] {strides = array<i32>} : memref<160xf32, #tpu.memory_space<vmem>>, vector<16xf32>,
      tpu.vector_store %arg38[%swap3A_239], %broadcast_in_dim3A_236 {strides = array<i32>} : memref<160xf32, #tpu.memory_space<vmem>>, vector<16xf32>,
      %broadcast_in_dim3A_241 = arith.constant 0.000000e+00 : f32
      %broadcast_in_dim3A_242 = vector.broadcast %broadcast_in_dim3A_241 : f32 to vector<16xf32>
      %mul3A_243 = arith.constant 16 : i32
      %mul3A_244 = arith.muli %scan3A_170, %mul3A_243 : i32
      %swap3A_245 = arith.index_cast %mul3A_244 : i32 to index
      %swap3A_246 = tpu.vector_load %arg39[%swap3A_245] {strides = array<i32>} : memref<160xf32, #tpu.memory_space<vmem>>, vector<16xf32>,
      tpu.vector_store %arg39[%swap3A_245], %broadcast_in_dim3A_242 {strides = array<i32>} : memref<160xf32, #tpu.memory_space<vmem>>, vector<16xf32>,
    }
    %scan3A_12 = arith.constant 10 : i32
    tpu.wait_dma2 semaphore(%arg40 : memref<!tpu.dma_semaphore, #tpu.memory_space<semaphore_mem>>) src(%arg12 : memref<48xi32, #tpu.memory_space<hbm>>) dst(%arg25 : memref<48xi32, #tpu.memory_space<vmem>>)
    tpu.wait_dma2 semaphore(%arg40 : memref<!tpu.dma_semaphore, #tpu.memory_space<semaphore_mem>>) src(%arg13 : memref<48xi32, #tpu.memory_space<hbm>>) dst(%arg26 : memref<48xi32, #tpu.memory_space<vmem>>)
    %dma_wait3A = tpu.memref_slice %arg9[%multiple_of3A] : memref<5120xf32, #tpu.memory_space<hbm>> -> memref<160xf32, #tpu.memory_space<hbm>>
    %dma_wait3A_13 = tpu.memref_slice %arg9[%multiple_of3A] : memref<5120xf32, #tpu.memory_space<hbm>> -> memref<160xf32, #tpu.memory_space<hbm>>
    tpu.wait_dma2 semaphore(%arg40 : memref<!tpu.dma_semaphore, #tpu.memory_space<semaphore_mem>>) src(%dma_wait3A_13 : memref<160xf32, #tpu.memory_space<hbm>>) dst(%arg22 : memref<160xf32, #tpu.memory_space<vmem>>)
    %dma_wait3A_14 = tpu.memref_slice %arg10[%multiple_of3A] : memref<5120xf32, #tpu.memory_space<hbm>> -> memref<160xf32, #tpu.memory_space<hbm>>
    %dma_wait3A_15 = tpu.memref_slice %arg10[%multiple_of3A] : memref<5120xf32, #tpu.memory_space<hbm>> -> memref<160xf32, #tpu.memory_space<hbm>>
    tpu.wait_dma2 semaphore(%arg40 : memref<!tpu.dma_semaphore, #tpu.memory_space<semaphore_mem>>) src(%dma_wait3A_15 : memref<160xf32, #tpu.memory_space<hbm>>) dst(%arg23 : memref<160xf32, #tpu.memory_space<vmem>>)
    %dma_wait3A_16 = tpu.memref_slice %arg11[%multiple_of3A] : memref<5120xf32, #tpu.memory_space<hbm>> -> memref<160xf32, #tpu.memory_space<hbm>>
    %dma_wait3A_17 = tpu.memref_slice %arg11[%multiple_of3A] : memref<5120xf32, #tpu.memory_space<hbm>> -> memref<160xf32, #tpu.memory_space<hbm>>
    tpu.wait_dma2 semaphore(%arg40 : memref<!tpu.dma_semaphore, #tpu.memory_space<semaphore_mem>>) src(%dma_wait3A_17 : memref<160xf32, #tpu.memory_space<hbm>>) dst(%arg24 : memref<160xf32, #tpu.memory_space<vmem>>)
    %iota3A = tpu.iota {dimensions = array<i32: 0>} : vector<16xi32>
    %get3A = arith.index_cast %add3A : i32 to index
    %get3A_18 = tpu.vector_load %arg25[%get3A] {strides = array<i32>} : memref<48xi32, #tpu.memory_space<vmem>>, vector<16xi32>,
    %slice3A = vector.extract_strided_slice %get3A_18 {offsets = [0], sizes = [1], strides = [1]} : vector<16xi32> to vector<1xi32>
    %squeeze3A = vector.extract %slice3A[0] : i32 from vector<1xi32>
    %get3A_19 = arith.index_cast %add3A : i32 to index
    %get3A_20 = tpu.vector_load %arg26[%get3A_19] {strides = array<i32>} : memref<48xi32, #tpu.memory_space<vmem>>, vector<16xi32>,
    %slice3A_21 = vector.extract_strided_slice %get3A_20 {offsets = [0], sizes = [1], strides = [1]} : vector<16xi32> to vector<1xi32>
    %squeeze3A_22 = vector.extract %slice3A_21[0] : i32 from vector<1xi32>
    %and3A = arith.constant -8 : i32
    %and3A_23 = arith.andi %squeeze3A, %and3A : i32
    %sub3A = arith.subi %squeeze3A_22, %and3A_23 : i32
    %add3A_24 = arith.constant 2047 : i32
    %add3A_25 = arith.addi %sub3A, %add3A_24 : i32
    %jit3A = arith.constant 2048 : i32
    %div3A = arith.divsi %add3A_25, %jit3A : i32
    %sign3A = arith.constant 0 : i32
    %sign3A_26 = arith.cmpi sgt, %add3A_25, %sign3A : i32
    %sign3A_27 = arith.extui %sign3A_26 : i1 to i32
    %sign3A_28 = arith.constant 0 : i32
    %sign3A_29 = arith.cmpi slt, %add3A_25, %sign3A_28 : i32
    %sign3A_30 = arith.extui %sign3A_29 : i1 to i32
    %sign3A_31 = arith.subi %sign3A_27, %sign3A_30 : i32
    %sign3A_32 = arith.constant 0 : i32
    %sign3A_33 = arith.cmpi sgt, %jit3A, %sign3A_32 : i32
    %sign3A_34 = arith.extui %sign3A_33 : i1 to i32
    %sign3A_35 = arith.constant 0 : i32
    %sign3A_36 = arith.cmpi slt, %jit3A, %sign3A_35 : i32
    %sign3A_37 = arith.extui %sign3A_36 : i1 to i32
    %sign3A_38 = arith.subi %sign3A_34, %sign3A_37 : i32
    %ne3A = arith.cmpi ne, %sign3A_31, %sign3A_38 : i32
    %rem3A = arith.remsi %add3A_25, %jit3A : i32
    %ne3A_39 = arith.constant 0 : i32
    %ne3A_40 = arith.cmpi ne, %rem3A, %ne3A_39 : i32
    %and3A_41 = arith.andi %ne3A, %ne3A_40 : i1
    %sub3A_42 = arith.constant 1 : i32
    %sub3A_43 = arith.subi %div3A, %sub3A_42 : i32
    %select_n3A = arith.select %and3A_41, %sub3A_43, %div3A : i32
    %while3A = arith.constant 0 : i32
    %while3A_44 = arith.constant 0 : i32
    %while3A_45 = arith.subi %select_n3A, %while3A_44 : i32
    %while3A_46 = arith.addi %while3A_44, %while3A_45 : i32
    %while3A_47 = arith.constant 1 : i32
    %while3A_48 = arith.divsi %while3A_45, %while3A_47 : i32
    %while3A_49 = arith.muli %while3A_48, %while3A_47 : i32
    %while3A_50 = arith.addi %while3A_44, %while3A_49 : i32
    %while3A_51 = arith.constant 1 : i32
    scf.for %while3A_170 = %while3A_44 to %while3A_50 step %while3A_51  : i32 {
      %mul3A_171 = arith.constant 2048 : i32
      %mul3A_172 = arith.muli %while3A_170, %mul3A_171 : i32
      %add3A_173 = arith.addi %and3A_23, %mul3A_172 : i32
      %multiple_of3A_174 = tpu.assume_multiple %add3A_173, 8 : i32
      %dma_start3A_175 = tpu.memref_slice %arg2[%multiple_of3A_174] : memref<52048xf32, #tpu.memory_space<hbm>> -> memref<2048xf32, #tpu.memory_space<hbm>>
      %dma_start3A_176 = tpu.memref_slice %arg2[%multiple_of3A_174] : memref<52048xf32, #tpu.memory_space<hbm>> -> memref<2048xf32, #tpu.memory_space<hbm>>
      tpu.enqueue_dma source(%dma_start3A_176 : memref<2048xf32, #tpu.memory_space<hbm>>) target(%arg15 : memref<2048xf32, #tpu.memory_space<vmem>>) target_semaphore(%arg40 : memref<!tpu.dma_semaphore, #tpu.memory_space<semaphore_mem>>)
      %dma_start3A_177 = tpu.memref_slice %arg3[%multiple_of3A_174] : memref<52048xf32, #tpu.memory_space<hbm>> -> memref<2048xf32, #tpu.memory_space<hbm>>
      %dma_start3A_178 = tpu.memref_slice %arg3[%multiple_of3A_174] : memref<52048xf32, #tpu.memory_space<hbm>> -> memref<2048xf32, #tpu.memory_space<hbm>>
      tpu.enqueue_dma source(%dma_start3A_178 : memref<2048xf32, #tpu.memory_space<hbm>>) target(%arg16 : memref<2048xf32, #tpu.memory_space<vmem>>) target_semaphore(%arg40 : memref<!tpu.dma_semaphore, #tpu.memory_space<semaphore_mem>>)
      %dma_start3A_179 = tpu.memref_slice %arg4[%multiple_of3A_174] : memref<52048xf32, #tpu.memory_space<hbm>> -> memref<2048xf32, #tpu.memory_space<hbm>>
      %dma_start3A_180 = tpu.memref_slice %arg4[%multiple_of3A_174] : memref<52048xf32, #tpu.memory_space<hbm>> -> memref<2048xf32, #tpu.memory_space<hbm>>
      tpu.enqueue_dma source(%dma_start3A_180 : memref<2048xf32, #tpu.memory_space<hbm>>) target(%arg17 : memref<2048xf32, #tpu.memory_space<vmem>>) target_semaphore(%arg40 : memref<!tpu.dma_semaphore, #tpu.memory_space<semaphore_mem>>)
      %dma_start3A_181 = tpu.memref_slice %arg5[%multiple_of3A_174] : memref<52048xf32, #tpu.memory_space<hbm>> -> memref<2048xf32, #tpu.memory_space<hbm>>
      %dma_start3A_182 = tpu.memref_slice %arg5[%multiple_of3A_174] : memref<52048xf32, #tpu.memory_space<hbm>> -> memref<2048xf32, #tpu.memory_space<hbm>>
      tpu.enqueue_dma source(%dma_start3A_182 : memref<2048xf32, #tpu.memory_space<hbm>>) target(%arg18 : memref<2048xf32, #tpu.memory_space<vmem>>) target_semaphore(%arg40 : memref<!tpu.dma_semaphore, #tpu.memory_space<semaphore_mem>>)
      %dma_start3A_183 = tpu.memref_slice %arg6[%multiple_of3A_174] : memref<52048xf32, #tpu.memory_space<hbm>> -> memref<2048xf32, #tpu.memory_space<hbm>>
      %dma_start3A_184 = tpu.memref_slice %arg6[%multiple_of3A_174] : memref<52048xf32, #tpu.memory_space<hbm>> -> memref<2048xf32, #tpu.memory_space<hbm>>
      tpu.enqueue_dma source(%dma_start3A_184 : memref<2048xf32, #tpu.memory_space<hbm>>) target(%arg19 : memref<2048xf32, #tpu.memory_space<vmem>>) target_semaphore(%arg40 : memref<!tpu.dma_semaphore, #tpu.memory_space<semaphore_mem>>)
      %dma_start3A_185 = tpu.memref_slice %arg7[%multiple_of3A_174] : memref<52048xf32, #tpu.memory_space<hbm>> -> memref<2048xf32, #tpu.memory_space<hbm>>
      %dma_start3A_186 = tpu.memref_slice %arg7[%multiple_of3A_174] : memref<52048xf32, #tpu.memory_space<hbm>> -> memref<2048xf32, #tpu.memory_space<hbm>>
      tpu.enqueue_dma source(%dma_start3A_186 : memref<2048xf32, #tpu.memory_space<hbm>>) target(%arg20 : memref<2048xf32, #tpu.memory_space<vmem>>) target_semaphore(%arg40 : memref<!tpu.dma_semaphore, #tpu.memory_space<semaphore_mem>>)
      %dma_start3A_187 = arith.constant 0 : i32
      %dma_start3A_188 = tpu.memref_slice %arg21[%dma_start3A_187] : memref<2064xi32, #tpu.memory_space<vmem>> -> memref<2048xi32, #tpu.memory_space<vmem>>
      %dma_start3A_189 = tpu.memref_slice %arg8[%multiple_of3A_174] : memref<52048xi32, #tpu.memory_space<hbm>> -> memref<2048xi32, #tpu.memory_space<hbm>>
      %dma_start3A_190 = arith.constant 0 : i32
      %dma_start3A_191 = tpu.memref_slice %arg21[%dma_start3A_190] : memref<2064xi32, #tpu.memory_space<vmem>> -> memref<2048xi32, #tpu.memory_space<vmem>>
      %dma_start3A_192 = tpu.memref_slice %arg8[%multiple_of3A_174] : memref<52048xi32, #tpu.memory_space<hbm>> -> memref<2048xi32, #tpu.memory_space<hbm>>
      tpu.enqueue_dma source(%dma_start3A_192 : memref<2048xi32, #tpu.memory_space<hbm>>) target(%dma_start3A_191 : memref<2048xi32, #tpu.memory_space<vmem>>) target_semaphore(%arg40 : memref<!tpu.dma_semaphore, #tpu.memory_space<semaphore_mem>>)
      %dma_wait3A_193 = tpu.memref_slice %arg2[%multiple_of3A_174] : memref<52048xf32, #tpu.memory_space<hbm>> -> memref<2048xf32, #tpu.memory_space<hbm>>
      %dma_wait3A_194 = tpu.memref_slice %arg2[%multiple_of3A_174] : memref<52048xf32, #tpu.memory_space<hbm>> -> memref<2048xf32, #tpu.memory_space<hbm>>
      tpu.wait_dma2 semaphore(%arg40 : memref<!tpu.dma_semaphore, #tpu.memory_space<semaphore_mem>>) src(%dma_wait3A_194 : memref<2048xf32, #tpu.memory_space<hbm>>) dst(%arg15 : memref<2048xf32, #tpu.memory_space<vmem>>)
      %dma_wait3A_195 = tpu.memref_slice %arg3[%multiple_of3A_174] : memref<52048xf32, #tpu.memory_space<hbm>> -> memref<2048xf32, #tpu.memory_space<hbm>>
      %dma_wait3A_196 = tpu.memref_slice %arg3[%multiple_of3A_174] : memref<52048xf32, #tpu.memory_space<hbm>> -> memref<2048xf32, #tpu.memory_space<hbm>>
      tpu.wait_dma2 semaphore(%arg40 : memref<!tpu.dma_semaphore, #tpu.memory_space<semaphore_mem>>) src(%dma_wait3A_196 : memref<2048xf32, #tpu.memory_space<hbm>>) dst(%arg16 : memref<2048xf32, #tpu.memory_space<vmem>>)
      %dma_wait3A_197 = tpu.memref_slice %arg4[%multiple_of3A_174] : memref<52048xf32, #tpu.memory_space<hbm>> -> memref<2048xf32, #tpu.memory_space<hbm>>
      %dma_wait3A_198 = tpu.memref_slice %arg4[%multiple_of3A_174] : memref<52048xf32, #tpu.memory_space<hbm>> -> memref<2048xf32, #tpu.memory_space<hbm>>
      tpu.wait_dma2 semaphore(%arg40 : memref<!tpu.dma_semaphore, #tpu.memory_space<semaphore_mem>>) src(%dma_wait3A_198 : memref<2048xf32, #tpu.memory_space<hbm>>) dst(%arg17 : memref<2048xf32, #tpu.memory_space<vmem>>)
      %dma_wait3A_199 = tpu.memref_slice %arg5[%multiple_of3A_174] : memref<52048xf32, #tpu.memory_space<hbm>> -> memref<2048xf32, #tpu.memory_space<hbm>>
      %dma_wait3A_200 = tpu.memref_slice %arg5[%multiple_of3A_174] : memref<52048xf32, #tpu.memory_space<hbm>> -> memref<2048xf32, #tpu.memory_space<hbm>>
      tpu.wait_dma2 semaphore(%arg40 : memref<!tpu.dma_semaphore, #tpu.memory_space<semaphore_mem>>) src(%dma_wait3A_200 : memref<2048xf32, #tpu.memory_space<hbm>>) dst(%arg18 : memref<2048xf32, #tpu.memory_space<vmem>>)
      %dma_wait3A_201 = tpu.memref_slice %arg6[%multiple_of3A_174] : memref<52048xf32, #tpu.memory_space<hbm>> -> memref<2048xf32, #tpu.memory_space<hbm>>
      %dma_wait3A_202 = tpu.memref_slice %arg6[%multiple_of3A_174] : memref<52048xf32, #tpu.memory_space<hbm>> -> memref<2048xf32, #tpu.memory_space<hbm>>
      tpu.wait_dma2 semaphore(%arg40 : memref<!tpu.dma_semaphore, #tpu.memory_space<semaphore_mem>>) src(%dma_wait3A_202 : memref<2048xf32, #tpu.memory_space<hbm>>) dst(%arg19 : memref<2048xf32, #tpu.memory_space<vmem>>)
      %dma_wait3A_203 = tpu.memref_slice %arg7[%multiple_of3A_174] : memref<52048xf32, #tpu.memory_space<hbm>> -> memref<2048xf32, #tpu.memory_space<hbm>>
      %dma_wait3A_204 = tpu.memref_slice %arg7[%multiple_of3A_174] : memref<52048xf32, #tpu.memory_space<hbm>> -> memref<2048xf32, #tpu.memory_space<hbm>>
      tpu.wait_dma2 semaphore(%arg40 : memref<!tpu.dma_semaphore, #tpu.memory_space<semaphore_mem>>) src(%dma_wait3A_204 : memref<2048xf32, #tpu.memory_space<hbm>>) dst(%arg20 : memref<2048xf32, #tpu.memory_space<vmem>>)
      %dma_wait3A_205 = arith.constant 0 : i32
      %dma_wait3A_206 = tpu.memref_slice %arg21[%dma_wait3A_205] : memref<2064xi32, #tpu.memory_space<vmem>> -> memref<2048xi32, #tpu.memory_space<vmem>>
      %dma_wait3A_207 = tpu.memref_slice %arg8[%multiple_of3A_174] : memref<52048xi32, #tpu.memory_space<hbm>> -> memref<2048xi32, #tpu.memory_space<hbm>>
      %dma_wait3A_208 = arith.constant 0 : i32
      %dma_wait3A_209 = tpu.memref_slice %arg21[%dma_wait3A_208] : memref<2064xi32, #tpu.memory_space<vmem>> -> memref<2048xi32, #tpu.memory_space<vmem>>
      %dma_wait3A_210 = tpu.memref_slice %arg8[%multiple_of3A_174] : memref<52048xi32, #tpu.memory_space<hbm>> -> memref<2048xi32, #tpu.memory_space<hbm>>
      tpu.wait_dma2 semaphore(%arg40 : memref<!tpu.dma_semaphore, #tpu.memory_space<semaphore_mem>>) src(%dma_wait3A_210 : memref<2048xi32, #tpu.memory_space<hbm>>) dst(%dma_wait3A_209 : memref<2048xi32, #tpu.memory_space<vmem>>)
      %scan3A_211 = arith.constant 0 : i32
      %scan3A_212 = arith.constant 0 : i32
      %scan3A_213 = arith.constant 128 : i32
      %scan3A_214 = arith.addi %scan3A_212, %scan3A_213 : i32
      %scan3A_215 = arith.constant 1 : i32
      scf.for %scan3A_217 = %scan3A_212 to %scan3A_214 step %scan3A_215  : i32 {
        %mul3A_218 = arith.constant 16 : i32
        %mul3A_219 = arith.muli %scan3A_217, %mul3A_218 : i32
        %add3A_220 = arith.addi %multiple_of3A_174, %mul3A_219 : i32
        %add3A_221 = vector.broadcast %add3A_220 : i32 to vector<16xi32>
        %add3A_222 = arith.addi %add3A_221, %iota3A : vector<16xi32>
        %ge3A = vector.broadcast %squeeze3A : i32 to vector<16xi32>
        %ge3A_223 = arith.cmpi sge, %add3A_222, %ge3A : vector<16xi32>
        %lt3A = vector.broadcast %squeeze3A_22 : i32 to vector<16xi32>
        %lt3A_224 = arith.cmpi slt, %add3A_222, %lt3A : vector<16xi32>
        %and3A_225 = arith.andi %ge3A_223, %lt3A_224 : vector<16xi1>
        %jit3A_226 = arith.constant 1.000000e+00 : f32
        %jit3A_227 = arith.constant 0.000000e+00 : f32
        %broadcast_in_dim3A = vector.broadcast %jit3A_226 : f32 to vector<16xf32>
        %broadcast_in_dim3A_228 = vector.broadcast %jit3A_227 : f32 to vector<16xf32>
        %select_n3A_229 = arith.select %and3A_225, %broadcast_in_dim3A, %broadcast_in_dim3A_228 : vector<16xi1>, vector<16xf32>
        %get3A_230 = arith.index_cast %mul3A_219 : i32 to index
        %get3A_231 = tpu.vector_load %arg21[%get3A_230] {strides = array<i32>} : memref<2064xi32, #tpu.memory_space<vmem>>, vector<16xi32>,
        %sub3A_232 = vector.broadcast %multiple_of3A : i32 to vector<16xi32>
        %sub3A_233 = arith.subi %get3A_231, %sub3A_232 : vector<16xi32>
        %max3A = arith.constant 0 : i32
        %max3A_234 = vector.broadcast %max3A : i32 to vector<16xi32>
        %max3A_235 = arith.maxsi %sub3A_233, %max3A_234 : vector<16xi32>
        %min3A = arith.constant 159 : i32
        %min3A_236 = vector.broadcast %min3A : i32 to vector<16xi32>
        %min3A_237 = arith.minsi %max3A_235, %min3A_236 : vector<16xi32>
        %add3A_238 = arith.constant 1 : i32
        %add3A_239 = arith.addi %mul3A_219, %add3A_238 : i32
        %get3A_240 = arith.index_cast %add3A_239 : i32 to index
        %get3A_241 = tpu.vector_load %arg21[%get3A_240] {strides = array<i32>} : memref<2064xi32, #tpu.memory_space<vmem>>, vector<16xi32>,
        %sub3A_242 = vector.broadcast %multiple_of3A : i32 to vector<16xi32>
        %sub3A_243 = arith.subi %get3A_241, %sub3A_242 : vector<16xi32>
        %max3A_244 = arith.constant 0 : i32
        %max3A_245 = vector.broadcast %max3A_244 : i32 to vector<16xi32>
        %max3A_246 = arith.maxsi %sub3A_243, %max3A_245 : vector<16xi32>
        %min3A_247 = arith.constant 159 : i32
        %min3A_248 = vector.broadcast %min3A_247 : i32 to vector<16xi32>
        %min3A_249 = arith.minsi %max3A_246, %min3A_248 : vector<16xi32>
        %ne3A_250 = arith.cmpi ne, %min3A_237, %min3A_249 : vector<16xi32>
        %eq3A = arith.constant 15 : i32
        %eq3A_251 = vector.broadcast %eq3A : i32 to vector<16xi32>
        %eq3A_252 = arith.cmpi eq, %iota3A, %eq3A_251 : vector<16xi32>
        %or3A = arith.ori %ne3A_250, %eq3A_252 : vector<16xi1>
        %ne3A_253 = arith.constant 15 : i32
        %ne3A_254 = vector.broadcast %ne3A_253 : i32 to vector<16xi32>
        %ne3A_255 = arith.cmpi ne, %iota3A, %ne3A_254 : vector<16xi32>
        %and3A_256 = arith.andi %ne3A_250, %ne3A_255 : vector<16xi1>
        %get3A_257 = arith.index_cast %mul3A_219 : i32 to index
        %get3A_258 = tpu.vector_load %arg15[%get3A_257] {strides = array<i32>} : memref<2048xf32, #tpu.memory_space<vmem>>, vector<16xf32>,
        %mul3A_259 = arith.mulf %get3A_258, %select_n3A_229 : vector<16xf32>
        %get3A_260 = arith.index_cast %mul3A_219 : i32 to index
        %get3A_261 = tpu.vector_load %arg16[%get3A_260] {strides = array<i32>} : memref<2048xf32, #tpu.memory_space<vmem>>, vector<16xf32>,
        %mul3A_262 = arith.mulf %get3A_261, %select_n3A_229 : vector<16xf32>
        %get3A_263 = arith.index_cast %mul3A_219 : i32 to index
        %get3A_264 = tpu.vector_load %arg17[%get3A_263] {strides = array<i32>} : memref<2048xf32, #tpu.memory_space<vmem>>, vector<16xf32>,
        %mul3A_265 = arith.mulf %get3A_264, %select_n3A_229 : vector<16xf32>
        %gather3A = tpu.vector_load_idx %arg22[%min3A_237] : memref<160xf32, #tpu.memory_space<vmem>>[vector<16xi32>], vector<16xf32>,
        %gather3A_266 = tpu.vector_load_idx %arg23[%min3A_237] : memref<160xf32, #tpu.memory_space<vmem>>[vector<16xi32>], vector<16xf32>,
        %gather3A_267 = tpu.vector_load_idx %arg24[%min3A_237] : memref<160xf32, #tpu.memory_space<vmem>>[vector<16xi32>], vector<16xf32>,
        %get3A_268 = arith.index_cast %mul3A_219 : i32 to index
        %get3A_269 = tpu.vector_load %arg18[%get3A_268] {strides = array<i32>} : memref<2048xf32, #tpu.memory_space<vmem>>, vector<16xf32>,
        %sub3A_270 = arith.subf %get3A_269, %gather3A : vector<16xf32>
        %get3A_271 = arith.index_cast %mul3A_219 : i32 to index
        %get3A_272 = tpu.vector_load %arg19[%get3A_271] {strides = array<i32>} : memref<2048xf32, #tpu.memory_space<vmem>>, vector<16xf32>,
        %sub3A_273 = arith.subf %get3A_272, %gather3A_266 : vector<16xf32>
        %get3A_274 = arith.index_cast %mul3A_219 : i32 to index
        %get3A_275 = tpu.vector_load %arg20[%get3A_274] {strides = array<i32>} : memref<2048xf32, #tpu.memory_space<vmem>>, vector<16xf32>,
        %sub3A_276 = arith.subf %get3A_275, %gather3A_267 : vector<16xf32>
        %mul3A_277 = arith.mulf %sub3A_273, %mul3A_265 : vector<16xf32>
        %mul3A_278 = arith.mulf %sub3A_276, %mul3A_262 : vector<16xf32>
        %sub3A_279 = arith.subf %mul3A_277, %mul3A_278 : vector<16xf32>
        %mul3A_280 = arith.mulf %sub3A_276, %mul3A_259 : vector<16xf32>
        %mul3A_281 = arith.mulf %sub3A_270, %mul3A_265 : vector<16xf32>
        %sub3A_282 = arith.subf %mul3A_280, %mul3A_281 : vector<16xf32>
        %mul3A_283 = arith.mulf %sub3A_270, %mul3A_262 : vector<16xf32>
        %mul3A_284 = arith.mulf %sub3A_273, %mul3A_259 : vector<16xf32>
        %sub3A_285 = arith.subf %mul3A_283, %mul3A_284 : vector<16xf32>
        %mul3A_286 = arith.mulf %sub3A_270, %sub3A_270 : vector<16xf32>
        %mul3A_287 = arith.mulf %mul3A_286, %select_n3A_229 : vector<16xf32>
        %mul3A_288 = arith.mulf %sub3A_270, %sub3A_273 : vector<16xf32>
        %mul3A_289 = arith.mulf %mul3A_288, %select_n3A_229 : vector<16xf32>
        %mul3A_290 = arith.mulf %sub3A_270, %sub3A_276 : vector<16xf32>
        %mul3A_291 = arith.mulf %mul3A_290, %select_n3A_229 : vector<16xf32>
        %mul3A_292 = arith.mulf %sub3A_273, %sub3A_273 : vector<16xf32>
        %mul3A_293 = arith.mulf %mul3A_292, %select_n3A_229 : vector<16xf32>
        %mul3A_294 = arith.mulf %sub3A_273, %sub3A_276 : vector<16xf32>
        %mul3A_295 = arith.mulf %mul3A_294, %select_n3A_229 : vector<16xf32>
        %mul3A_296 = arith.mulf %sub3A_276, %sub3A_276 : vector<16xf32>
        %mul3A_297 = arith.mulf %mul3A_296, %select_n3A_229 : vector<16xf32>
        %broadcast_in_dim3A_298 = arith.constant true
        %broadcast_in_dim3A_299 = vector.broadcast %broadcast_in_dim3A_298 : i1 to vector<16xi1>
        %masked_cumsum3A = tpu.scan <sum>, %select_n3A_229 masked %broadcast_in_dim3A_299 : vector<16xf32>, vector<16xi1> -> vector<16xf32>
        tpu.vector_store_idx %arg27[%min3A_237], %masked_cumsum3A masked %or3A {add = true} : memref<160xf32, #tpu.memory_space<vmem>>[vector<16xi32>], vector<16xf32>, vector<16xi1>
        %neg3A = arith.constant 0.000000e+00 : f32
        %neg3A_300 = vector.broadcast %neg3A : f32 to vector<16xf32>
        %neg3A_301 = arith.subf %neg3A_300, %masked_cumsum3A : vector<16xf32>
        tpu.vector_store_idx %arg27[%min3A_249], %neg3A_301 masked %and3A_256 {add = true} : memref<160xf32, #tpu.memory_space<vmem>>[vector<16xi32>], vector<16xf32>, vector<16xi1>
        %broadcast_in_dim3A_302 = arith.constant true
        %broadcast_in_dim3A_303 = vector.broadcast %broadcast_in_dim3A_302 : i1 to vector<16xi1>
        %masked_cumsum3A_304 = tpu.scan <sum>, %mul3A_259 masked %broadcast_in_dim3A_303 : vector<16xf32>, vector<16xi1> -> vector<16xf32>
        tpu.vector_store_idx %arg28[%min3A_237], %masked_cumsum3A_304 masked %or3A {add = true} : memref<160xf32, #tpu.memory_space<vmem>>[vector<16xi32>], vector<16xf32>, vector<16xi1>
        %neg3A_305 = arith.constant 0.000000e+00 : f32
        %neg3A_306 = vector.broadcast %neg3A_305 : f32 to vector<16xf32>
        %neg3A_307 = arith.subf %neg3A_306, %masked_cumsum3A_304 : vector<16xf32>
        tpu.vector_store_idx %arg28[%min3A_249], %neg3A_307 masked %and3A_256 {add = true} : memref<160xf32, #tpu.memory_space<vmem>>[vector<16xi32>], vector<16xf32>, vector<16xi1>
        %broadcast_in_dim3A_308 = arith.constant true
        %broadcast_in_dim3A_309 = vector.broadcast %broadcast_in_dim3A_308 : i1 to vector<16xi1>
        %masked_cumsum3A_310 = tpu.scan <sum>, %mul3A_262 masked %broadcast_in_dim3A_309 : vector<16xf32>, vector<16xi1> -> vector<16xf32>
        tpu.vector_store_idx %arg29[%min3A_237], %masked_cumsum3A_310 masked %or3A {add = true} : memref<160xf32, #tpu.memory_space<vmem>>[vector<16xi32>], vector<16xf32>, vector<16xi1>
        %neg3A_311 = arith.constant 0.000000e+00 : f32
        %neg3A_312 = vector.broadcast %neg3A_311 : f32 to vector<16xf32>
        %neg3A_313 = arith.subf %neg3A_312, %masked_cumsum3A_310 : vector<16xf32>
        tpu.vector_store_idx %arg29[%min3A_249], %neg3A_313 masked %and3A_256 {add = true} : memref<160xf32, #tpu.memory_space<vmem>>[vector<16xi32>], vector<16xf32>, vector<16xi1>
        %broadcast_in_dim3A_314 = arith.constant true
        %broadcast_in_dim3A_315 = vector.broadcast %broadcast_in_dim3A_314 : i1 to vector<16xi1>
        %masked_cumsum3A_316 = tpu.scan <sum>, %mul3A_265 masked %broadcast_in_dim3A_315 : vector<16xf32>, vector<16xi1> -> vector<16xf32>
        tpu.vector_store_idx %arg30[%min3A_237], %masked_cumsum3A_316 masked %or3A {add = true} : memref<160xf32, #tpu.memory_space<vmem>>[vector<16xi32>], vector<16xf32>, vector<16xi1>
        %neg3A_317 = arith.constant 0.000000e+00 : f32
        %neg3A_318 = vector.broadcast %neg3A_317 : f32 to vector<16xf32>
        %neg3A_319 = arith.subf %neg3A_318, %masked_cumsum3A_316 : vector<16xf32>
        tpu.vector_store_idx %arg30[%min3A_249], %neg3A_319 masked %and3A_256 {add = true} : memref<160xf32, #tpu.memory_space<vmem>>[vector<16xi32>], vector<16xf32>, vector<16xi1>
        %broadcast_in_dim3A_320 = arith.constant true
        %broadcast_in_dim3A_321 = vector.broadcast %broadcast_in_dim3A_320 : i1 to vector<16xi1>
        %masked_cumsum3A_322 = tpu.scan <sum>, %sub3A_279 masked %broadcast_in_dim3A_321 : vector<16xf32>, vector<16xi1> -> vector<16xf32>
        tpu.vector_store_idx %arg31[%min3A_237], %masked_cumsum3A_322 masked %or3A {add = true} : memref<160xf32, #tpu.memory_space<vmem>>[vector<16xi32>], vector<16xf32>, vector<16xi1>
        %neg3A_323 = arith.constant 0.000000e+00 : f32
        %neg3A_324 = vector.broadcast %neg3A_323 : f32 to vector<16xf32>
        %neg3A_325 = arith.subf %neg3A_324, %masked_cumsum3A_322 : vector<16xf32>
        tpu.vector_store_idx %arg31[%min3A_249], %neg3A_325 masked %and3A_256 {add = true} : memref<160xf32, #tpu.memory_space<vmem>>[vector<16xi32>], vector<16xf32>, vector<16xi1>
        %broadcast_in_dim3A_326 = arith.constant true
        %broadcast_in_dim3A_327 = vector.broadcast %broadcast_in_dim3A_326 : i1 to vector<16xi1>
        %masked_cumsum3A_328 = tpu.scan <sum>, %sub3A_282 masked %broadcast_in_dim3A_327 : vector<16xf32>, vector<16xi1> -> vector<16xf32>
        tpu.vector_store_idx %arg32[%min3A_237], %masked_cumsum3A_328 masked %or3A {add = true} : memref<160xf32, #tpu.memory_space<vmem>>[vector<16xi32>], vector<16xf32>, vector<16xi1>
        %neg3A_329 = arith.constant 0.000000e+00 : f32
        %neg3A_330 = vector.broadcast %neg3A_329 : f32 to vector<16xf32>
        %neg3A_331 = arith.subf %neg3A_330, %masked_cumsum3A_328 : vector<16xf32>
        tpu.vector_store_idx %arg32[%min3A_249], %neg3A_331 masked %and3A_256 {add = true} : memref<160xf32, #tpu.memory_space<vmem>>[vector<16xi32>], vector<16xf32>, vector<16xi1>
        %broadcast_in_dim3A_332 = arith.constant true
        %broadcast_in_dim3A_333 = vector.broadcast %broadcast_in_dim3A_332 : i1 to vector<16xi1>
        %masked_cumsum3A_334 = tpu.scan <sum>, %sub3A_285 masked %broadcast_in_dim3A_333 : vector<16xf32>, vector<16xi1> -> vector<16xf32>
        tpu.vector_store_idx %arg33[%min3A_237], %masked_cumsum3A_334 masked %or3A {add = true} : memref<160xf32, #tpu.memory_space<vmem>>[vector<16xi32>], vector<16xf32>, vector<16xi1>
        %neg3A_335 = arith.constant 0.000000e+00 : f32
        %neg3A_336 = vector.broadcast %neg3A_335 : f32 to vector<16xf32>
        %neg3A_337 = arith.subf %neg3A_336, %masked_cumsum3A_334 : vector<16xf32>
        tpu.vector_store_idx %arg33[%min3A_249], %neg3A_337 masked %and3A_256 {add = true} : memref<160xf32, #tpu.memory_space<vmem>>[vector<16xi32>], vector<16xf32>, vector<16xi1>
        %broadcast_in_dim3A_338 = arith.constant true
        %broadcast_in_dim3A_339 = vector.broadcast %broadcast_in_dim3A_338 : i1 to vector<16xi1>
        %masked_cumsum3A_340 = tpu.scan <sum>, %mul3A_287 masked %broadcast_in_dim3A_339 : vector<16xf32>, vector<16xi1> -> vector<16xf32>
        tpu.vector_store_idx %arg34[%min3A_237], %masked_cumsum3A_340 masked %or3A {add = true} : memref<160xf32, #tpu.memory_space<vmem>>[vector<16xi32>], vector<16xf32>, vector<16xi1>
        %neg3A_341 = arith.constant 0.000000e+00 : f32
        %neg3A_342 = vector.broadcast %neg3A_341 : f32 to vector<16xf32>
        %neg3A_343 = arith.subf %neg3A_342, %masked_cumsum3A_340 : vector<16xf32>
        tpu.vector_store_idx %arg34[%min3A_249], %neg3A_343 masked %and3A_256 {add = true} : memref<160xf32, #tpu.memory_space<vmem>>[vector<16xi32>], vector<16xf32>, vector<16xi1>
        %broadcast_in_dim3A_344 = arith.constant true
        %broadcast_in_dim3A_345 = vector.broadcast %broadcast_in_dim3A_344 : i1 to vector<16xi1>
        %masked_cumsum3A_346 = tpu.scan <sum>, %mul3A_289 masked %broadcast_in_dim3A_345 : vector<16xf32>, vector<16xi1> -> vector<16xf32>
        tpu.vector_store_idx %arg35[%min3A_237], %masked_cumsum3A_346 masked %or3A {add = true} : memref<160xf32, #tpu.memory_space<vmem>>[vector<16xi32>], vector<16xf32>, vector<16xi1>
        %neg3A_347 = arith.constant 0.000000e+00 : f32
        %neg3A_348 = vector.broadcast %neg3A_347 : f32 to vector<16xf32>
        %neg3A_349 = arith.subf %neg3A_348, %masked_cumsum3A_346 : vector<16xf32>
        tpu.vector_store_idx %arg35[%min3A_249], %neg3A_349 masked %and3A_256 {add = true} : memref<160xf32, #tpu.memory_space<vmem>>[vector<16xi32>], vector<16xf32>, vector<16xi1>
        %broadcast_in_dim3A_350 = arith.constant true
        %broadcast_in_dim3A_351 = vector.broadcast %broadcast_in_dim3A_350 : i1 to vector<16xi1>
        %masked_cumsum3A_352 = tpu.scan <sum>, %mul3A_291 masked %broadcast_in_dim3A_351 : vector<16xf32>, vector<16xi1> -> vector<16xf32>
        tpu.vector_store_idx %arg36[%min3A_237], %masked_cumsum3A_352 masked %or3A {add = true} : memref<160xf32, #tpu.memory_space<vmem>>[vector<16xi32>], vector<16xf32>, vector<16xi1>
        %neg3A_353 = arith.constant 0.000000e+00 : f32
        %neg3A_354 = vector.broadcast %neg3A_353 : f32 to vector<16xf32>
        %neg3A_355 = arith.subf %neg3A_354, %masked_cumsum3A_352 : vector<16xf32>
        tpu.vector_store_idx %arg36[%min3A_249], %neg3A_355 masked %and3A_256 {add = true} : memref<160xf32, #tpu.memory_space<vmem>>[vector<16xi32>], vector<16xf32>, vector<16xi1>
        %broadcast_in_dim3A_356 = arith.constant true
        %broadcast_in_dim3A_357 = vector.broadcast %broadcast_in_dim3A_356 : i1 to vector<16xi1>
        %masked_cumsum3A_358 = tpu.scan <sum>, %mul3A_293 masked %broadcast_in_dim3A_357 : vector<16xf32>, vector<16xi1> -> vector<16xf32>
        tpu.vector_store_idx %arg37[%min3A_237], %masked_cumsum3A_358 masked %or3A {add = true} : memref<160xf32, #tpu.memory_space<vmem>>[vector<16xi32>], vector<16xf32>, vector<16xi1>
        %neg3A_359 = arith.constant 0.000000e+00 : f32
        %neg3A_360 = vector.broadcast %neg3A_359 : f32 to vector<16xf32>
        %neg3A_361 = arith.subf %neg3A_360, %masked_cumsum3A_358 : vector<16xf32>
        tpu.vector_store_idx %arg37[%min3A_249], %neg3A_361 masked %and3A_256 {add = true} : memref<160xf32, #tpu.memory_space<vmem>>[vector<16xi32>], vector<16xf32>, vector<16xi1>
        %broadcast_in_dim3A_362 = arith.constant true
        %broadcast_in_dim3A_363 = vector.broadcast %broadcast_in_dim3A_362 : i1 to vector<16xi1>
        %masked_cumsum3A_364 = tpu.scan <sum>, %mul3A_295 masked %broadcast_in_dim3A_363 : vector<16xf32>, vector<16xi1> -> vector<16xf32>
        tpu.vector_store_idx %arg38[%min3A_237], %masked_cumsum3A_364 masked %or3A {add = true} : memref<160xf32, #tpu.memory_space<vmem>>[vector<16xi32>], vector<16xf32>, vector<16xi1>
        %neg3A_365 = arith.constant 0.000000e+00 : f32
        %neg3A_366 = vector.broadcast %neg3A_365 : f32 to vector<16xf32>
        %neg3A_367 = arith.subf %neg3A_366, %masked_cumsum3A_364 : vector<16xf32>
        tpu.vector_store_idx %arg38[%min3A_249], %neg3A_367 masked %and3A_256 {add = true} : memref<160xf32, #tpu.memory_space<vmem>>[vector<16xi32>], vector<16xf32>, vector<16xi1>
        %broadcast_in_dim3A_368 = arith.constant true
        %broadcast_in_dim3A_369 = vector.broadcast %broadcast_in_dim3A_368 : i1 to vector<16xi1>
        %masked_cumsum3A_370 = tpu.scan <sum>, %mul3A_297 masked %broadcast_in_dim3A_369 : vector<16xf32>, vector<16xi1> -> vector<16xf32>
        tpu.vector_store_idx %arg39[%min3A_237], %masked_cumsum3A_370 masked %or3A {add = true} : memref<160xf32, #tpu.memory_space<vmem>>[vector<16xi32>], vector<16xf32>, vector<16xi1>
        %neg3A_371 = arith.constant 0.000000e+00 : f32
        %neg3A_372 = vector.broadcast %neg3A_371 : f32 to vector<16xf32>
        %neg3A_373 = arith.subf %neg3A_372, %masked_cumsum3A_370 : vector<16xf32>
        tpu.vector_store_idx %arg39[%min3A_249], %neg3A_373 masked %and3A_256 {add = true} : memref<160xf32, #tpu.memory_space<vmem>>[vector<16xi32>], vector<16xf32>, vector<16xi1>
      }
      %scan3A_216 = arith.constant 128 : i32
    }
    %while3A_52 = arith.constant 1 : i32
    scf.for %while3A_170 = %while3A_50 to %while3A_46 step %while3A_52  : i32 {
      %mul3A_171 = arith.constant 2048 : i32
      %mul3A_172 = arith.muli %while3A_170, %mul3A_171 : i32
      %add3A_173 = arith.addi %and3A_23, %mul3A_172 : i32
      %multiple_of3A_174 = tpu.assume_multiple %add3A_173, 8 : i32
      %dma_start3A_175 = tpu.memref_slice %arg2[%multiple_of3A_174] : memref<52048xf32, #tpu.memory_space<hbm>> -> memref<2048xf32, #tpu.memory_space<hbm>>
      %dma_start3A_176 = tpu.memref_slice %arg2[%multiple_of3A_174] : memref<52048xf32, #tpu.memory_space<hbm>> -> memref<2048xf32, #tpu.memory_space<hbm>>
      tpu.enqueue_dma source(%dma_start3A_176 : memref<2048xf32, #tpu.memory_space<hbm>>) target(%arg15 : memref<2048xf32, #tpu.memory_space<vmem>>) target_semaphore(%arg40 : memref<!tpu.dma_semaphore, #tpu.memory_space<semaphore_mem>>)
      %dma_start3A_177 = tpu.memref_slice %arg3[%multiple_of3A_174] : memref<52048xf32, #tpu.memory_space<hbm>> -> memref<2048xf32, #tpu.memory_space<hbm>>
      %dma_start3A_178 = tpu.memref_slice %arg3[%multiple_of3A_174] : memref<52048xf32, #tpu.memory_space<hbm>> -> memref<2048xf32, #tpu.memory_space<hbm>>
      tpu.enqueue_dma source(%dma_start3A_178 : memref<2048xf32, #tpu.memory_space<hbm>>) target(%arg16 : memref<2048xf32, #tpu.memory_space<vmem>>) target_semaphore(%arg40 : memref<!tpu.dma_semaphore, #tpu.memory_space<semaphore_mem>>)
      %dma_start3A_179 = tpu.memref_slice %arg4[%multiple_of3A_174] : memref<52048xf32, #tpu.memory_space<hbm>> -> memref<2048xf32, #tpu.memory_space<hbm>>
      %dma_start3A_180 = tpu.memref_slice %arg4[%multiple_of3A_174] : memref<52048xf32, #tpu.memory_space<hbm>> -> memref<2048xf32, #tpu.memory_space<hbm>>
      tpu.enqueue_dma source(%dma_start3A_180 : memref<2048xf32, #tpu.memory_space<hbm>>) target(%arg17 : memref<2048xf32, #tpu.memory_space<vmem>>) target_semaphore(%arg40 : memref<!tpu.dma_semaphore, #tpu.memory_space<semaphore_mem>>)
      %dma_start3A_181 = tpu.memref_slice %arg5[%multiple_of3A_174] : memref<52048xf32, #tpu.memory_space<hbm>> -> memref<2048xf32, #tpu.memory_space<hbm>>
      %dma_start3A_182 = tpu.memref_slice %arg5[%multiple_of3A_174] : memref<52048xf32, #tpu.memory_space<hbm>> -> memref<2048xf32, #tpu.memory_space<hbm>>
      tpu.enqueue_dma source(%dma_start3A_182 : memref<2048xf32, #tpu.memory_space<hbm>>) target(%arg18 : memref<2048xf32, #tpu.memory_space<vmem>>) target_semaphore(%arg40 : memref<!tpu.dma_semaphore, #tpu.memory_space<semaphore_mem>>)
      %dma_start3A_183 = tpu.memref_slice %arg6[%multiple_of3A_174] : memref<52048xf32, #tpu.memory_space<hbm>> -> memref<2048xf32, #tpu.memory_space<hbm>>
      %dma_start3A_184 = tpu.memref_slice %arg6[%multiple_of3A_174] : memref<52048xf32, #tpu.memory_space<hbm>> -> memref<2048xf32, #tpu.memory_space<hbm>>
      tpu.enqueue_dma source(%dma_start3A_184 : memref<2048xf32, #tpu.memory_space<hbm>>) target(%arg19 : memref<2048xf32, #tpu.memory_space<vmem>>) target_semaphore(%arg40 : memref<!tpu.dma_semaphore, #tpu.memory_space<semaphore_mem>>)
      %dma_start3A_185 = tpu.memref_slice %arg7[%multiple_of3A_174] : memref<52048xf32, #tpu.memory_space<hbm>> -> memref<2048xf32, #tpu.memory_space<hbm>>
      %dma_start3A_186 = tpu.memref_slice %arg7[%multiple_of3A_174] : memref<52048xf32, #tpu.memory_space<hbm>> -> memref<2048xf32, #tpu.memory_space<hbm>>
      tpu.enqueue_dma source(%dma_start3A_186 : memref<2048xf32, #tpu.memory_space<hbm>>) target(%arg20 : memref<2048xf32, #tpu.memory_space<vmem>>) target_semaphore(%arg40 : memref<!tpu.dma_semaphore, #tpu.memory_space<semaphore_mem>>)
      %dma_start3A_187 = arith.constant 0 : i32
      %dma_start3A_188 = tpu.memref_slice %arg21[%dma_start3A_187] : memref<2064xi32, #tpu.memory_space<vmem>> -> memref<2048xi32, #tpu.memory_space<vmem>>
      %dma_start3A_189 = tpu.memref_slice %arg8[%multiple_of3A_174] : memref<52048xi32, #tpu.memory_space<hbm>> -> memref<2048xi32, #tpu.memory_space<hbm>>
      %dma_start3A_190 = arith.constant 0 : i32
      %dma_start3A_191 = tpu.memref_slice %arg21[%dma_start3A_190] : memref<2064xi32, #tpu.memory_space<vmem>> -> memref<2048xi32, #tpu.memory_space<vmem>>
      %dma_start3A_192 = tpu.memref_slice %arg8[%multiple_of3A_174] : memref<52048xi32, #tpu.memory_space<hbm>> -> memref<2048xi32, #tpu.memory_space<hbm>>
      tpu.enqueue_dma source(%dma_start3A_192 : memref<2048xi32, #tpu.memory_space<hbm>>) target(%dma_start3A_191 : memref<2048xi32, #tpu.memory_space<vmem>>) target_semaphore(%arg40 : memref<!tpu.dma_semaphore, #tpu.memory_space<semaphore_mem>>)
      %dma_wait3A_193 = tpu.memref_slice %arg2[%multiple_of3A_174] : memref<52048xf32, #tpu.memory_space<hbm>> -> memref<2048xf32, #tpu.memory_space<hbm>>
      %dma_wait3A_194 = tpu.memref_slice %arg2[%multiple_of3A_174] : memref<52048xf32, #tpu.memory_space<hbm>> -> memref<2048xf32, #tpu.memory_space<hbm>>
      tpu.wait_dma2 semaphore(%arg40 : memref<!tpu.dma_semaphore, #tpu.memory_space<semaphore_mem>>) src(%dma_wait3A_194 : memref<2048xf32, #tpu.memory_space<hbm>>) dst(%arg15 : memref<2048xf32, #tpu.memory_space<vmem>>)
      %dma_wait3A_195 = tpu.memref_slice %arg3[%multiple_of3A_174] : memref<52048xf32, #tpu.memory_space<hbm>> -> memref<2048xf32, #tpu.memory_space<hbm>>
      %dma_wait3A_196 = tpu.memref_slice %arg3[%multiple_of3A_174] : memref<52048xf32, #tpu.memory_space<hbm>> -> memref<2048xf32, #tpu.memory_space<hbm>>
      tpu.wait_dma2 semaphore(%arg40 : memref<!tpu.dma_semaphore, #tpu.memory_space<semaphore_mem>>) src(%dma_wait3A_196 : memref<2048xf32, #tpu.memory_space<hbm>>) dst(%arg16 : memref<2048xf32, #tpu.memory_space<vmem>>)
      %dma_wait3A_197 = tpu.memref_slice %arg4[%multiple_of3A_174] : memref<52048xf32, #tpu.memory_space<hbm>> -> memref<2048xf32, #tpu.memory_space<hbm>>
      %dma_wait3A_198 = tpu.memref_slice %arg4[%multiple_of3A_174] : memref<52048xf32, #tpu.memory_space<hbm>> -> memref<2048xf32, #tpu.memory_space<hbm>>
      tpu.wait_dma2 semaphore(%arg40 : memref<!tpu.dma_semaphore, #tpu.memory_space<semaphore_mem>>) src(%dma_wait3A_198 : memref<2048xf32, #tpu.memory_space<hbm>>) dst(%arg17 : memref<2048xf32, #tpu.memory_space<vmem>>)
      %dma_wait3A_199 = tpu.memref_slice %arg5[%multiple_of3A_174] : memref<52048xf32, #tpu.memory_space<hbm>> -> memref<2048xf32, #tpu.memory_space<hbm>>
      %dma_wait3A_200 = tpu.memref_slice %arg5[%multiple_of3A_174] : memref<52048xf32, #tpu.memory_space<hbm>> -> memref<2048xf32, #tpu.memory_space<hbm>>
      tpu.wait_dma2 semaphore(%arg40 : memref<!tpu.dma_semaphore, #tpu.memory_space<semaphore_mem>>) src(%dma_wait3A_200 : memref<2048xf32, #tpu.memory_space<hbm>>) dst(%arg18 : memref<2048xf32, #tpu.memory_space<vmem>>)
      %dma_wait3A_201 = tpu.memref_slice %arg6[%multiple_of3A_174] : memref<52048xf32, #tpu.memory_space<hbm>> -> memref<2048xf32, #tpu.memory_space<hbm>>
      %dma_wait3A_202 = tpu.memref_slice %arg6[%multiple_of3A_174] : memref<52048xf32, #tpu.memory_space<hbm>> -> memref<2048xf32, #tpu.memory_space<hbm>>
      tpu.wait_dma2 semaphore(%arg40 : memref<!tpu.dma_semaphore, #tpu.memory_space<semaphore_mem>>) src(%dma_wait3A_202 : memref<2048xf32, #tpu.memory_space<hbm>>) dst(%arg19 : memref<2048xf32, #tpu.memory_space<vmem>>)
      %dma_wait3A_203 = tpu.memref_slice %arg7[%multiple_of3A_174] : memref<52048xf32, #tpu.memory_space<hbm>> -> memref<2048xf32, #tpu.memory_space<hbm>>
      %dma_wait3A_204 = tpu.memref_slice %arg7[%multiple_of3A_174] : memref<52048xf32, #tpu.memory_space<hbm>> -> memref<2048xf32, #tpu.memory_space<hbm>>
      tpu.wait_dma2 semaphore(%arg40 : memref<!tpu.dma_semaphore, #tpu.memory_space<semaphore_mem>>) src(%dma_wait3A_204 : memref<2048xf32, #tpu.memory_space<hbm>>) dst(%arg20 : memref<2048xf32, #tpu.memory_space<vmem>>)
      %dma_wait3A_205 = arith.constant 0 : i32
      %dma_wait3A_206 = tpu.memref_slice %arg21[%dma_wait3A_205] : memref<2064xi32, #tpu.memory_space<vmem>> -> memref<2048xi32, #tpu.memory_space<vmem>>
      %dma_wait3A_207 = tpu.memref_slice %arg8[%multiple_of3A_174] : memref<52048xi32, #tpu.memory_space<hbm>> -> memref<2048xi32, #tpu.memory_space<hbm>>
      %dma_wait3A_208 = arith.constant 0 : i32
      %dma_wait3A_209 = tpu.memref_slice %arg21[%dma_wait3A_208] : memref<2064xi32, #tpu.memory_space<vmem>> -> memref<2048xi32, #tpu.memory_space<vmem>>
      %dma_wait3A_210 = tpu.memref_slice %arg8[%multiple_of3A_174] : memref<52048xi32, #tpu.memory_space<hbm>> -> memref<2048xi32, #tpu.memory_space<hbm>>
      tpu.wait_dma2 semaphore(%arg40 : memref<!tpu.dma_semaphore, #tpu.memory_space<semaphore_mem>>) src(%dma_wait3A_210 : memref<2048xi32, #tpu.memory_space<hbm>>) dst(%dma_wait3A_209 : memref<2048xi32, #tpu.memory_space<vmem>>)
      %scan3A_211 = arith.constant 0 : i32
      %scan3A_212 = arith.constant 0 : i32
      %scan3A_213 = arith.constant 128 : i32
      %scan3A_214 = arith.addi %scan3A_212, %scan3A_213 : i32
      %scan3A_215 = arith.constant 1 : i32
      scf.for %scan3A_217 = %scan3A_212 to %scan3A_214 step %scan3A_215  : i32 {
        %mul3A_218 = arith.constant 16 : i32
        %mul3A_219 = arith.muli %scan3A_217, %mul3A_218 : i32
        %add3A_220 = arith.addi %multiple_of3A_174, %mul3A_219 : i32
        %add3A_221 = vector.broadcast %add3A_220 : i32 to vector<16xi32>
        %add3A_222 = arith.addi %add3A_221, %iota3A : vector<16xi32>
        %ge3A = vector.broadcast %squeeze3A : i32 to vector<16xi32>
        %ge3A_223 = arith.cmpi sge, %add3A_222, %ge3A : vector<16xi32>
        %lt3A = vector.broadcast %squeeze3A_22 : i32 to vector<16xi32>
        %lt3A_224 = arith.cmpi slt, %add3A_222, %lt3A : vector<16xi32>
        %and3A_225 = arith.andi %ge3A_223, %lt3A_224 : vector<16xi1>
        %jit3A_226 = arith.constant 1.000000e+00 : f32
        %jit3A_227 = arith.constant 0.000000e+00 : f32
        %broadcast_in_dim3A = vector.broadcast %jit3A_226 : f32 to vector<16xf32>
        %broadcast_in_dim3A_228 = vector.broadcast %jit3A_227 : f32 to vector<16xf32>
        %select_n3A_229 = arith.select %and3A_225, %broadcast_in_dim3A, %broadcast_in_dim3A_228 : vector<16xi1>, vector<16xf32>
        %get3A_230 = arith.index_cast %mul3A_219 : i32 to index
        %get3A_231 = tpu.vector_load %arg21[%get3A_230] {strides = array<i32>} : memref<2064xi32, #tpu.memory_space<vmem>>, vector<16xi32>,
        %sub3A_232 = vector.broadcast %multiple_of3A : i32 to vector<16xi32>
        %sub3A_233 = arith.subi %get3A_231, %sub3A_232 : vector<16xi32>
        %max3A = arith.constant 0 : i32
        %max3A_234 = vector.broadcast %max3A : i32 to vector<16xi32>
        %max3A_235 = arith.maxsi %sub3A_233, %max3A_234 : vector<16xi32>
        %min3A = arith.constant 159 : i32
        %min3A_236 = vector.broadcast %min3A : i32 to vector<16xi32>
        %min3A_237 = arith.minsi %max3A_235, %min3A_236 : vector<16xi32>
        %add3A_238 = arith.constant 1 : i32
        %add3A_239 = arith.addi %mul3A_219, %add3A_238 : i32
        %get3A_240 = arith.index_cast %add3A_239 : i32 to index
        %get3A_241 = tpu.vector_load %arg21[%get3A_240] {strides = array<i32>} : memref<2064xi32, #tpu.memory_space<vmem>>, vector<16xi32>,
        %sub3A_242 = vector.broadcast %multiple_of3A : i32 to vector<16xi32>
        %sub3A_243 = arith.subi %get3A_241, %sub3A_242 : vector<16xi32>
        %max3A_244 = arith.constant 0 : i32
        %max3A_245 = vector.broadcast %max3A_244 : i32 to vector<16xi32>
        %max3A_246 = arith.maxsi %sub3A_243, %max3A_245 : vector<16xi32>
        %min3A_247 = arith.constant 159 : i32
        %min3A_248 = vector.broadcast %min3A_247 : i32 to vector<16xi32>
        %min3A_249 = arith.minsi %max3A_246, %min3A_248 : vector<16xi32>
        %ne3A_250 = arith.cmpi ne, %min3A_237, %min3A_249 : vector<16xi32>
        %eq3A = arith.constant 15 : i32
        %eq3A_251 = vector.broadcast %eq3A : i32 to vector<16xi32>
        %eq3A_252 = arith.cmpi eq, %iota3A, %eq3A_251 : vector<16xi32>
        %or3A = arith.ori %ne3A_250, %eq3A_252 : vector<16xi1>
        %ne3A_253 = arith.constant 15 : i32
        %ne3A_254 = vector.broadcast %ne3A_253 : i32 to vector<16xi32>
        %ne3A_255 = arith.cmpi ne, %iota3A, %ne3A_254 : vector<16xi32>
        %and3A_256 = arith.andi %ne3A_250, %ne3A_255 : vector<16xi1>
        %get3A_257 = arith.index_cast %mul3A_219 : i32 to index
        %get3A_258 = tpu.vector_load %arg15[%get3A_257] {strides = array<i32>} : memref<2048xf32, #tpu.memory_space<vmem>>, vector<16xf32>,
        %mul3A_259 = arith.mulf %get3A_258, %select_n3A_229 : vector<16xf32>
        %get3A_260 = arith.index_cast %mul3A_219 : i32 to index
        %get3A_261 = tpu.vector_load %arg16[%get3A_260] {strides = array<i32>} : memref<2048xf32, #tpu.memory_space<vmem>>, vector<16xf32>,
        %mul3A_262 = arith.mulf %get3A_261, %select_n3A_229 : vector<16xf32>
        %get3A_263 = arith.index_cast %mul3A_219 : i32 to index
        %get3A_264 = tpu.vector_load %arg17[%get3A_263] {strides = array<i32>} : memref<2048xf32, #tpu.memory_space<vmem>>, vector<16xf32>,
        %mul3A_265 = arith.mulf %get3A_264, %select_n3A_229 : vector<16xf32>
        %gather3A = tpu.vector_load_idx %arg22[%min3A_237] : memref<160xf32, #tpu.memory_space<vmem>>[vector<16xi32>], vector<16xf32>,
        %gather3A_266 = tpu.vector_load_idx %arg23[%min3A_237] : memref<160xf32, #tpu.memory_space<vmem>>[vector<16xi32>], vector<16xf32>,
        %gather3A_267 = tpu.vector_load_idx %arg24[%min3A_237] : memref<160xf32, #tpu.memory_space<vmem>>[vector<16xi32>], vector<16xf32>,
        %get3A_268 = arith.index_cast %mul3A_219 : i32 to index
        %get3A_269 = tpu.vector_load %arg18[%get3A_268] {strides = array<i32>} : memref<2048xf32, #tpu.memory_space<vmem>>, vector<16xf32>,
        %sub3A_270 = arith.subf %get3A_269, %gather3A : vector<16xf32>
        %get3A_271 = arith.index_cast %mul3A_219 : i32 to index
        %get3A_272 = tpu.vector_load %arg19[%get3A_271] {strides = array<i32>} : memref<2048xf32, #tpu.memory_space<vmem>>, vector<16xf32>,
        %sub3A_273 = arith.subf %get3A_272, %gather3A_266 : vector<16xf32>
        %get3A_274 = arith.index_cast %mul3A_219 : i32 to index
        %get3A_275 = tpu.vector_load %arg20[%get3A_274] {strides = array<i32>} : memref<2048xf32, #tpu.memory_space<vmem>>, vector<16xf32>,
        %sub3A_276 = arith.subf %get3A_275, %gather3A_267 : vector<16xf32>
        %mul3A_277 = arith.mulf %sub3A_273, %mul3A_265 : vector<16xf32>
        %mul3A_278 = arith.mulf %sub3A_276, %mul3A_262 : vector<16xf32>
        %sub3A_279 = arith.subf %mul3A_277, %mul3A_278 : vector<16xf32>
        %mul3A_280 = arith.mulf %sub3A_276, %mul3A_259 : vector<16xf32>
        %mul3A_281 = arith.mulf %sub3A_270, %mul3A_265 : vector<16xf32>
        %sub3A_282 = arith.subf %mul3A_280, %mul3A_281 : vector<16xf32>
        %mul3A_283 = arith.mulf %sub3A_270, %mul3A_262 : vector<16xf32>
        %mul3A_284 = arith.mulf %sub3A_273, %mul3A_259 : vector<16xf32>
        %sub3A_285 = arith.subf %mul3A_283, %mul3A_284 : vector<16xf32>
        %mul3A_286 = arith.mulf %sub3A_270, %sub3A_270 : vector<16xf32>
        %mul3A_287 = arith.mulf %mul3A_286, %select_n3A_229 : vector<16xf32>
        %mul3A_288 = arith.mulf %sub3A_270, %sub3A_273 : vector<16xf32>
        %mul3A_289 = arith.mulf %mul3A_288, %select_n3A_229 : vector<16xf32>
        %mul3A_290 = arith.mulf %sub3A_270, %sub3A_276 : vector<16xf32>
        %mul3A_291 = arith.mulf %mul3A_290, %select_n3A_229 : vector<16xf32>
        %mul3A_292 = arith.mulf %sub3A_273, %sub3A_273 : vector<16xf32>
        %mul3A_293 = arith.mulf %mul3A_292, %select_n3A_229 : vector<16xf32>
        %mul3A_294 = arith.mulf %sub3A_273, %sub3A_276 : vector<16xf32>
        %mul3A_295 = arith.mulf %mul3A_294, %select_n3A_229 : vector<16xf32>
        %mul3A_296 = arith.mulf %sub3A_276, %sub3A_276 : vector<16xf32>
        %mul3A_297 = arith.mulf %mul3A_296, %select_n3A_229 : vector<16xf32>
        %broadcast_in_dim3A_298 = arith.constant true
        %broadcast_in_dim3A_299 = vector.broadcast %broadcast_in_dim3A_298 : i1 to vector<16xi1>
        %masked_cumsum3A = tpu.scan <sum>, %select_n3A_229 masked %broadcast_in_dim3A_299 : vector<16xf32>, vector<16xi1> -> vector<16xf32>
        tpu.vector_store_idx %arg27[%min3A_237], %masked_cumsum3A masked %or3A {add = true} : memref<160xf32, #tpu.memory_space<vmem>>[vector<16xi32>], vector<16xf32>, vector<16xi1>
        %neg3A = arith.constant 0.000000e+00 : f32
        %neg3A_300 = vector.broadcast %neg3A : f32 to vector<16xf32>
        %neg3A_301 = arith.subf %neg3A_300, %masked_cumsum3A : vector<16xf32>
        tpu.vector_store_idx %arg27[%min3A_249], %neg3A_301 masked %and3A_256 {add = true} : memref<160xf32, #tpu.memory_space<vmem>>[vector<16xi32>], vector<16xf32>, vector<16xi1>
        %broadcast_in_dim3A_302 = arith.constant true
        %broadcast_in_dim3A_303 = vector.broadcast %broadcast_in_dim3A_302 : i1 to vector<16xi1>
        %masked_cumsum3A_304 = tpu.scan <sum>, %mul3A_259 masked %broadcast_in_dim3A_303 : vector<16xf32>, vector<16xi1> -> vector<16xf32>
        tpu.vector_store_idx %arg28[%min3A_237], %masked_cumsum3A_304 masked %or3A {add = true} : memref<160xf32, #tpu.memory_space<vmem>>[vector<16xi32>], vector<16xf32>, vector<16xi1>
        %neg3A_305 = arith.constant 0.000000e+00 : f32
        %neg3A_306 = vector.broadcast %neg3A_305 : f32 to vector<16xf32>
        %neg3A_307 = arith.subf %neg3A_306, %masked_cumsum3A_304 : vector<16xf32>
        tpu.vector_store_idx %arg28[%min3A_249], %neg3A_307 masked %and3A_256 {add = true} : memref<160xf32, #tpu.memory_space<vmem>>[vector<16xi32>], vector<16xf32>, vector<16xi1>
        %broadcast_in_dim3A_308 = arith.constant true
        %broadcast_in_dim3A_309 = vector.broadcast %broadcast_in_dim3A_308 : i1 to vector<16xi1>
        %masked_cumsum3A_310 = tpu.scan <sum>, %mul3A_262 masked %broadcast_in_dim3A_309 : vector<16xf32>, vector<16xi1> -> vector<16xf32>
        tpu.vector_store_idx %arg29[%min3A_237], %masked_cumsum3A_310 masked %or3A {add = true} : memref<160xf32, #tpu.memory_space<vmem>>[vector<16xi32>], vector<16xf32>, vector<16xi1>
        %neg3A_311 = arith.constant 0.000000e+00 : f32
        %neg3A_312 = vector.broadcast %neg3A_311 : f32 to vector<16xf32>
        %neg3A_313 = arith.subf %neg3A_312, %masked_cumsum3A_310 : vector<16xf32>
        tpu.vector_store_idx %arg29[%min3A_249], %neg3A_313 masked %and3A_256 {add = true} : memref<160xf32, #tpu.memory_space<vmem>>[vector<16xi32>], vector<16xf32>, vector<16xi1>
        %broadcast_in_dim3A_314 = arith.constant true
        %broadcast_in_dim3A_315 = vector.broadcast %broadcast_in_dim3A_314 : i1 to vector<16xi1>
        %masked_cumsum3A_316 = tpu.scan <sum>, %mul3A_265 masked %broadcast_in_dim3A_315 : vector<16xf32>, vector<16xi1> -> vector<16xf32>
        tpu.vector_store_idx %arg30[%min3A_237], %masked_cumsum3A_316 masked %or3A {add = true} : memref<160xf32, #tpu.memory_space<vmem>>[vector<16xi32>], vector<16xf32>, vector<16xi1>
        %neg3A_317 = arith.constant 0.000000e+00 : f32
        %neg3A_318 = vector.broadcast %neg3A_317 : f32 to vector<16xf32>
        %neg3A_319 = arith.subf %neg3A_318, %masked_cumsum3A_316 : vector<16xf32>
        tpu.vector_store_idx %arg30[%min3A_249], %neg3A_319 masked %and3A_256 {add = true} : memref<160xf32, #tpu.memory_space<vmem>>[vector<16xi32>], vector<16xf32>, vector<16xi1>
        %broadcast_in_dim3A_320 = arith.constant true
        %broadcast_in_dim3A_321 = vector.broadcast %broadcast_in_dim3A_320 : i1 to vector<16xi1>
        %masked_cumsum3A_322 = tpu.scan <sum>, %sub3A_279 masked %broadcast_in_dim3A_321 : vector<16xf32>, vector<16xi1> -> vector<16xf32>
        tpu.vector_store_idx %arg31[%min3A_237], %masked_cumsum3A_322 masked %or3A {add = true} : memref<160xf32, #tpu.memory_space<vmem>>[vector<16xi32>], vector<16xf32>, vector<16xi1>
        %neg3A_323 = arith.constant 0.000000e+00 : f32
        %neg3A_324 = vector.broadcast %neg3A_323 : f32 to vector<16xf32>
        %neg3A_325 = arith.subf %neg3A_324, %masked_cumsum3A_322 : vector<16xf32>
        tpu.vector_store_idx %arg31[%min3A_249], %neg3A_325 masked %and3A_256 {add = true} : memref<160xf32, #tpu.memory_space<vmem>>[vector<16xi32>], vector<16xf32>, vector<16xi1>
        %broadcast_in_dim3A_326 = arith.constant true
        %broadcast_in_dim3A_327 = vector.broadcast %broadcast_in_dim3A_326 : i1 to vector<16xi1>
        %masked_cumsum3A_328 = tpu.scan <sum>, %sub3A_282 masked %broadcast_in_dim3A_327 : vector<16xf32>, vector<16xi1> -> vector<16xf32>
        tpu.vector_store_idx %arg32[%min3A_237], %masked_cumsum3A_328 masked %or3A {add = true} : memref<160xf32, #tpu.memory_space<vmem>>[vector<16xi32>], vector<16xf32>, vector<16xi1>
        %neg3A_329 = arith.constant 0.000000e+00 : f32
        %neg3A_330 = vector.broadcast %neg3A_329 : f32 to vector<16xf32>
        %neg3A_331 = arith.subf %neg3A_330, %masked_cumsum3A_328 : vector<16xf32>
        tpu.vector_store_idx %arg32[%min3A_249], %neg3A_331 masked %and3A_256 {add = true} : memref<160xf32, #tpu.memory_space<vmem>>[vector<16xi32>], vector<16xf32>, vector<16xi1>
        %broadcast_in_dim3A_332 = arith.constant true
        %broadcast_in_dim3A_333 = vector.broadcast %broadcast_in_dim3A_332 : i1 to vector<16xi1>
        %masked_cumsum3A_334 = tpu.scan <sum>, %sub3A_285 masked %broadcast_in_dim3A_333 : vector<16xf32>, vector<16xi1> -> vector<16xf32>
        tpu.vector_store_idx %arg33[%min3A_237], %masked_cumsum3A_334 masked %or3A {add = true} : memref<160xf32, #tpu.memory_space<vmem>>[vector<16xi32>], vector<16xf32>, vector<16xi1>
        %neg3A_335 = arith.constant 0.000000e+00 : f32
        %neg3A_336 = vector.broadcast %neg3A_335 : f32 to vector<16xf32>
        %neg3A_337 = arith.subf %neg3A_336, %masked_cumsum3A_334 : vector<16xf32>
        tpu.vector_store_idx %arg33[%min3A_249], %neg3A_337 masked %and3A_256 {add = true} : memref<160xf32, #tpu.memory_space<vmem>>[vector<16xi32>], vector<16xf32>, vector<16xi1>
        %broadcast_in_dim3A_338 = arith.constant true
        %broadcast_in_dim3A_339 = vector.broadcast %broadcast_in_dim3A_338 : i1 to vector<16xi1>
        %masked_cumsum3A_340 = tpu.scan <sum>, %mul3A_287 masked %broadcast_in_dim3A_339 : vector<16xf32>, vector<16xi1> -> vector<16xf32>
        tpu.vector_store_idx %arg34[%min3A_237], %masked_cumsum3A_340 masked %or3A {add = true} : memref<160xf32, #tpu.memory_space<vmem>>[vector<16xi32>], vector<16xf32>, vector<16xi1>
        %neg3A_341 = arith.constant 0.000000e+00 : f32
        %neg3A_342 = vector.broadcast %neg3A_341 : f32 to vector<16xf32>
        %neg3A_343 = arith.subf %neg3A_342, %masked_cumsum3A_340 : vector<16xf32>
        tpu.vector_store_idx %arg34[%min3A_249], %neg3A_343 masked %and3A_256 {add = true} : memref<160xf32, #tpu.memory_space<vmem>>[vector<16xi32>], vector<16xf32>, vector<16xi1>
        %broadcast_in_dim3A_344 = arith.constant true
        %broadcast_in_dim3A_345 = vector.broadcast %broadcast_in_dim3A_344 : i1 to vector<16xi1>
        %masked_cumsum3A_346 = tpu.scan <sum>, %mul3A_289 masked %broadcast_in_dim3A_345 : vector<16xf32>, vector<16xi1> -> vector<16xf32>
        tpu.vector_store_idx %arg35[%min3A_237], %masked_cumsum3A_346 masked %or3A {add = true} : memref<160xf32, #tpu.memory_space<vmem>>[vector<16xi32>], vector<16xf32>, vector<16xi1>
        %neg3A_347 = arith.constant 0.000000e+00 : f32
        %neg3A_348 = vector.broadcast %neg3A_347 : f32 to vector<16xf32>
        %neg3A_349 = arith.subf %neg3A_348, %masked_cumsum3A_346 : vector<16xf32>
        tpu.vector_store_idx %arg35[%min3A_249], %neg3A_349 masked %and3A_256 {add = true} : memref<160xf32, #tpu.memory_space<vmem>>[vector<16xi32>], vector<16xf32>, vector<16xi1>
        %broadcast_in_dim3A_350 = arith.constant true
        %broadcast_in_dim3A_351 = vector.broadcast %broadcast_in_dim3A_350 : i1 to vector<16xi1>
        %masked_cumsum3A_352 = tpu.scan <sum>, %mul3A_291 masked %broadcast_in_dim3A_351 : vector<16xf32>, vector<16xi1> -> vector<16xf32>
        tpu.vector_store_idx %arg36[%min3A_237], %masked_cumsum3A_352 masked %or3A {add = true} : memref<160xf32, #tpu.memory_space<vmem>>[vector<16xi32>], vector<16xf32>, vector<16xi1>
        %neg3A_353 = arith.constant 0.000000e+00 : f32
        %neg3A_354 = vector.broadcast %neg3A_353 : f32 to vector<16xf32>
        %neg3A_355 = arith.subf %neg3A_354, %masked_cumsum3A_352 : vector<16xf32>
        tpu.vector_store_idx %arg36[%min3A_249], %neg3A_355 masked %and3A_256 {add = true} : memref<160xf32, #tpu.memory_space<vmem>>[vector<16xi32>], vector<16xf32>, vector<16xi1>
        %broadcast_in_dim3A_356 = arith.constant true
        %broadcast_in_dim3A_357 = vector.broadcast %broadcast_in_dim3A_356 : i1 to vector<16xi1>
        %masked_cumsum3A_358 = tpu.scan <sum>, %mul3A_293 masked %broadcast_in_dim3A_357 : vector<16xf32>, vector<16xi1> -> vector<16xf32>
        tpu.vector_store_idx %arg37[%min3A_237], %masked_cumsum3A_358 masked %or3A {add = true} : memref<160xf32, #tpu.memory_space<vmem>>[vector<16xi32>], vector<16xf32>, vector<16xi1>
        %neg3A_359 = arith.constant 0.000000e+00 : f32
        %neg3A_360 = vector.broadcast %neg3A_359 : f32 to vector<16xf32>
        %neg3A_361 = arith.subf %neg3A_360, %masked_cumsum3A_358 : vector<16xf32>
        tpu.vector_store_idx %arg37[%min3A_249], %neg3A_361 masked %and3A_256 {add = true} : memref<160xf32, #tpu.memory_space<vmem>>[vector<16xi32>], vector<16xf32>, vector<16xi1>
        %broadcast_in_dim3A_362 = arith.constant true
        %broadcast_in_dim3A_363 = vector.broadcast %broadcast_in_dim3A_362 : i1 to vector<16xi1>
        %masked_cumsum3A_364 = tpu.scan <sum>, %mul3A_295 masked %broadcast_in_dim3A_363 : vector<16xf32>, vector<16xi1> -> vector<16xf32>
        tpu.vector_store_idx %arg38[%min3A_237], %masked_cumsum3A_364 masked %or3A {add = true} : memref<160xf32, #tpu.memory_space<vmem>>[vector<16xi32>], vector<16xf32>, vector<16xi1>
        %neg3A_365 = arith.constant 0.000000e+00 : f32
        %neg3A_366 = vector.broadcast %neg3A_365 : f32 to vector<16xf32>
        %neg3A_367 = arith.subf %neg3A_366, %masked_cumsum3A_364 : vector<16xf32>
        tpu.vector_store_idx %arg38[%min3A_249], %neg3A_367 masked %and3A_256 {add = true} : memref<160xf32, #tpu.memory_space<vmem>>[vector<16xi32>], vector<16xf32>, vector<16xi1>
        %broadcast_in_dim3A_368 = arith.constant true
        %broadcast_in_dim3A_369 = vector.broadcast %broadcast_in_dim3A_368 : i1 to vector<16xi1>
        %masked_cumsum3A_370 = tpu.scan <sum>, %mul3A_297 masked %broadcast_in_dim3A_369 : vector<16xf32>, vector<16xi1> -> vector<16xf32>
        tpu.vector_store_idx %arg39[%min3A_237], %masked_cumsum3A_370 masked %or3A {add = true} : memref<160xf32, #tpu.memory_space<vmem>>[vector<16xi32>], vector<16xf32>, vector<16xi1>
        %neg3A_371 = arith.constant 0.000000e+00 : f32
        %neg3A_372 = vector.broadcast %neg3A_371 : f32 to vector<16xf32>
        %neg3A_373 = arith.subf %neg3A_372, %masked_cumsum3A_370 : vector<16xf32>
        tpu.vector_store_idx %arg39[%min3A_249], %neg3A_373 masked %and3A_256 {add = true} : memref<160xf32, #tpu.memory_space<vmem>>[vector<16xi32>], vector<16xf32>, vector<16xi1>
      }
      %scan3A_216 = arith.constant 128 : i32
    }
    %mul3A_53 = arith.constant 160 : i32
    %mul3A_54 = arith.muli %add3A, %mul3A_53 : i32
    %add3A_55 = arith.constant 0 : i32
    %add3A_56 = arith.addi %add3A_55, %mul3A_54 : i32
    %multiple_of3A_57 = tpu.assume_multiple %add3A_56, 8 : i32
    %dma_start3A_58 = tpu.memref_slice %arg14[%multiple_of3A_57] : memref<66560xf32, #tpu.memory_space<hbm>> -> memref<160xf32, #tpu.memory_space<hbm>>
    %dma_start3A_59 = tpu.memref_slice %arg14[%multiple_of3A_57] : memref<66560xf32, #tpu.memory_space<hbm>> -> memref<160xf32, #tpu.memory_space<hbm>>
    tpu.enqueue_dma source(%arg27 : memref<160xf32, #tpu.memory_space<vmem>>) target(%dma_start3A_59 : memref<160xf32, #tpu.memory_space<hbm>>) target_semaphore(%arg40 : memref<!tpu.dma_semaphore, #tpu.memory_space<semaphore_mem>>)
    %mul3A_60 = arith.constant 160 : i32
    %mul3A_61 = arith.muli %add3A, %mul3A_60 : i32
    %add3A_62 = arith.constant 5120 : i32
    %add3A_63 = arith.addi %add3A_62, %mul3A_61 : i32
    %multiple_of3A_64 = tpu.assume_multiple %add3A_63, 8 : i32
    %dma_start3A_65 = tpu.memref_slice %arg14[%multiple_of3A_64] : memref<66560xf32, #tpu.memory_space<hbm>> -> memref<160xf32, #tpu.memory_space<hbm>>
    %dma_start3A_66 = tpu.memref_slice %arg14[%multiple_of3A_64] : memref<66560xf32, #tpu.memory_space<hbm>> -> memref<160xf32, #tpu.memory_space<hbm>>
    tpu.enqueue_dma source(%arg28 : memref<160xf32, #tpu.memory_space<vmem>>) target(%dma_start3A_66 : memref<160xf32, #tpu.memory_space<hbm>>) target_semaphore(%arg40 : memref<!tpu.dma_semaphore, #tpu.memory_space<semaphore_mem>>)
    %mul3A_67 = arith.constant 160 : i32
    %mul3A_68 = arith.muli %add3A, %mul3A_67 : i32
    %add3A_69 = arith.constant 10240 : i32
    %add3A_70 = arith.addi %add3A_69, %mul3A_68 : i32
    %multiple_of3A_71 = tpu.assume_multiple %add3A_70, 8 : i32
    %dma_start3A_72 = tpu.memref_slice %arg14[%multiple_of3A_71] : memref<66560xf32, #tpu.memory_space<hbm>> -> memref<160xf32, #tpu.memory_space<hbm>>
    %dma_start3A_73 = tpu.memref_slice %arg14[%multiple_of3A_71] : memref<66560xf32, #tpu.memory_space<hbm>> -> memref<160xf32, #tpu.memory_space<hbm>>
    tpu.enqueue_dma source(%arg29 : memref<160xf32, #tpu.memory_space<vmem>>) target(%dma_start3A_73 : memref<160xf32, #tpu.memory_space<hbm>>) target_semaphore(%arg40 : memref<!tpu.dma_semaphore, #tpu.memory_space<semaphore_mem>>)
    %mul3A_74 = arith.constant 160 : i32
    %mul3A_75 = arith.muli %add3A, %mul3A_74 : i32
    %add3A_76 = arith.constant 15360 : i32
    %add3A_77 = arith.addi %add3A_76, %mul3A_75 : i32
    %multiple_of3A_78 = tpu.assume_multiple %add3A_77, 8 : i32
    %dma_start3A_79 = tpu.memref_slice %arg14[%multiple_of3A_78] : memref<66560xf32, #tpu.memory_space<hbm>> -> memref<160xf32, #tpu.memory_space<hbm>>
    %dma_start3A_80 = tpu.memref_slice %arg14[%multiple_of3A_78] : memref<66560xf32, #tpu.memory_space<hbm>> -> memref<160xf32, #tpu.memory_space<hbm>>
    tpu.enqueue_dma source(%arg30 : memref<160xf32, #tpu.memory_space<vmem>>) target(%dma_start3A_80 : memref<160xf32, #tpu.memory_space<hbm>>) target_semaphore(%arg40 : memref<!tpu.dma_semaphore, #tpu.memory_space<semaphore_mem>>)
    %mul3A_81 = arith.constant 160 : i32
    %mul3A_82 = arith.muli %add3A, %mul3A_81 : i32
    %add3A_83 = arith.constant 20480 : i32
    %add3A_84 = arith.addi %add3A_83, %mul3A_82 : i32
    %multiple_of3A_85 = tpu.assume_multiple %add3A_84, 8 : i32
    %dma_start3A_86 = tpu.memref_slice %arg14[%multiple_of3A_85] : memref<66560xf32, #tpu.memory_space<hbm>> -> memref<160xf32, #tpu.memory_space<hbm>>
    %dma_start3A_87 = tpu.memref_slice %arg14[%multiple_of3A_85] : memref<66560xf32, #tpu.memory_space<hbm>> -> memref<160xf32, #tpu.memory_space<hbm>>
    tpu.enqueue_dma source(%arg31 : memref<160xf32, #tpu.memory_space<vmem>>) target(%dma_start3A_87 : memref<160xf32, #tpu.memory_space<hbm>>) target_semaphore(%arg40 : memref<!tpu.dma_semaphore, #tpu.memory_space<semaphore_mem>>)
    %mul3A_88 = arith.constant 160 : i32
    %mul3A_89 = arith.muli %add3A, %mul3A_88 : i32
    %add3A_90 = arith.constant 25600 : i32
    %add3A_91 = arith.addi %add3A_90, %mul3A_89 : i32
    %multiple_of3A_92 = tpu.assume_multiple %add3A_91, 8 : i32
    %dma_start3A_93 = tpu.memref_slice %arg14[%multiple_of3A_92] : memref<66560xf32, #tpu.memory_space<hbm>> -> memref<160xf32, #tpu.memory_space<hbm>>
    %dma_start3A_94 = tpu.memref_slice %arg14[%multiple_of3A_92] : memref<66560xf32, #tpu.memory_space<hbm>> -> memref<160xf32, #tpu.memory_space<hbm>>
    tpu.enqueue_dma source(%arg32 : memref<160xf32, #tpu.memory_space<vmem>>) target(%dma_start3A_94 : memref<160xf32, #tpu.memory_space<hbm>>) target_semaphore(%arg40 : memref<!tpu.dma_semaphore, #tpu.memory_space<semaphore_mem>>)
    %mul3A_95 = arith.constant 160 : i32
    %mul3A_96 = arith.muli %add3A, %mul3A_95 : i32
    %add3A_97 = arith.constant 30720 : i32
    %add3A_98 = arith.addi %add3A_97, %mul3A_96 : i32
    %multiple_of3A_99 = tpu.assume_multiple %add3A_98, 8 : i32
    %dma_start3A_100 = tpu.memref_slice %arg14[%multiple_of3A_99] : memref<66560xf32, #tpu.memory_space<hbm>> -> memref<160xf32, #tpu.memory_space<hbm>>
    %dma_start3A_101 = tpu.memref_slice %arg14[%multiple_of3A_99] : memref<66560xf32, #tpu.memory_space<hbm>> -> memref<160xf32, #tpu.memory_space<hbm>>
    tpu.enqueue_dma source(%arg33 : memref<160xf32, #tpu.memory_space<vmem>>) target(%dma_start3A_101 : memref<160xf32, #tpu.memory_space<hbm>>) target_semaphore(%arg40 : memref<!tpu.dma_semaphore, #tpu.memory_space<semaphore_mem>>)
    %mul3A_102 = arith.constant 160 : i32
    %mul3A_103 = arith.muli %add3A, %mul3A_102 : i32
    %add3A_104 = arith.constant 35840 : i32
    %add3A_105 = arith.addi %add3A_104, %mul3A_103 : i32
    %multiple_of3A_106 = tpu.assume_multiple %add3A_105, 8 : i32
    %dma_start3A_107 = tpu.memref_slice %arg14[%multiple_of3A_106] : memref<66560xf32, #tpu.memory_space<hbm>> -> memref<160xf32, #tpu.memory_space<hbm>>
    %dma_start3A_108 = tpu.memref_slice %arg14[%multiple_of3A_106] : memref<66560xf32, #tpu.memory_space<hbm>> -> memref<160xf32, #tpu.memory_space<hbm>>
    tpu.enqueue_dma source(%arg34 : memref<160xf32, #tpu.memory_space<vmem>>) target(%dma_start3A_108 : memref<160xf32, #tpu.memory_space<hbm>>) target_semaphore(%arg40 : memref<!tpu.dma_semaphore, #tpu.memory_space<semaphore_mem>>)
    %mul3A_109 = arith.constant 160 : i32
    %mul3A_110 = arith.muli %add3A, %mul3A_109 : i32
    %add3A_111 = arith.constant 40960 : i32
    %add3A_112 = arith.addi %add3A_111, %mul3A_110 : i32
    %multiple_of3A_113 = tpu.assume_multiple %add3A_112, 8 : i32
    %dma_start3A_114 = tpu.memref_slice %arg14[%multiple_of3A_113] : memref<66560xf32, #tpu.memory_space<hbm>> -> memref<160xf32, #tpu.memory_space<hbm>>
    %dma_start3A_115 = tpu.memref_slice %arg14[%multiple_of3A_113] : memref<66560xf32, #tpu.memory_space<hbm>> -> memref<160xf32, #tpu.memory_space<hbm>>
    tpu.enqueue_dma source(%arg35 : memref<160xf32, #tpu.memory_space<vmem>>) target(%dma_start3A_115 : memref<160xf32, #tpu.memory_space<hbm>>) target_semaphore(%arg40 : memref<!tpu.dma_semaphore, #tpu.memory_space<semaphore_mem>>)
    %mul3A_116 = arith.constant 160 : i32
    %mul3A_117 = arith.muli %add3A, %mul3A_116 : i32
    %add3A_118 = arith.constant 46080 : i32
    %add3A_119 = arith.addi %add3A_118, %mul3A_117 : i32
    %multiple_of3A_120 = tpu.assume_multiple %add3A_119, 8 : i32
    %dma_start3A_121 = tpu.memref_slice %arg14[%multiple_of3A_120] : memref<66560xf32, #tpu.memory_space<hbm>> -> memref<160xf32, #tpu.memory_space<hbm>>
    %dma_start3A_122 = tpu.memref_slice %arg14[%multiple_of3A_120] : memref<66560xf32, #tpu.memory_space<hbm>> -> memref<160xf32, #tpu.memory_space<hbm>>
    tpu.enqueue_dma source(%arg36 : memref<160xf32, #tpu.memory_space<vmem>>) target(%dma_start3A_122 : memref<160xf32, #tpu.memory_space<hbm>>) target_semaphore(%arg40 : memref<!tpu.dma_semaphore, #tpu.memory_space<semaphore_mem>>)
    %mul3A_123 = arith.constant 160 : i32
    %mul3A_124 = arith.muli %add3A, %mul3A_123 : i32
    %add3A_125 = arith.constant 51200 : i32
    %add3A_126 = arith.addi %add3A_125, %mul3A_124 : i32
    %multiple_of3A_127 = tpu.assume_multiple %add3A_126, 8 : i32
    %dma_start3A_128 = tpu.memref_slice %arg14[%multiple_of3A_127] : memref<66560xf32, #tpu.memory_space<hbm>> -> memref<160xf32, #tpu.memory_space<hbm>>
    %dma_start3A_129 = tpu.memref_slice %arg14[%multiple_of3A_127] : memref<66560xf32, #tpu.memory_space<hbm>> -> memref<160xf32, #tpu.memory_space<hbm>>
    tpu.enqueue_dma source(%arg37 : memref<160xf32, #tpu.memory_space<vmem>>) target(%dma_start3A_129 : memref<160xf32, #tpu.memory_space<hbm>>) target_semaphore(%arg40 : memref<!tpu.dma_semaphore, #tpu.memory_space<semaphore_mem>>)
    %mul3A_130 = arith.constant 160 : i32
    %mul3A_131 = arith.muli %add3A, %mul3A_130 : i32
    %add3A_132 = arith.constant 56320 : i32
    %add3A_133 = arith.addi %add3A_132, %mul3A_131 : i32
    %multiple_of3A_134 = tpu.assume_multiple %add3A_133, 8 : i32
    %dma_start3A_135 = tpu.memref_slice %arg14[%multiple_of3A_134] : memref<66560xf32, #tpu.memory_space<hbm>> -> memref<160xf32, #tpu.memory_space<hbm>>
    %dma_start3A_136 = tpu.memref_slice %arg14[%multiple_of3A_134] : memref<66560xf32, #tpu.memory_space<hbm>> -> memref<160xf32, #tpu.memory_space<hbm>>
    tpu.enqueue_dma source(%arg38 : memref<160xf32, #tpu.memory_space<vmem>>) target(%dma_start3A_136 : memref<160xf32, #tpu.memory_space<hbm>>) target_semaphore(%arg40 : memref<!tpu.dma_semaphore, #tpu.memory_space<semaphore_mem>>)
    %mul3A_137 = arith.constant 160 : i32
    %mul3A_138 = arith.muli %add3A, %mul3A_137 : i32
    %add3A_139 = arith.constant 61440 : i32
    %add3A_140 = arith.addi %add3A_139, %mul3A_138 : i32
    %multiple_of3A_141 = tpu.assume_multiple %add3A_140, 8 : i32
    %dma_start3A_142 = tpu.memref_slice %arg14[%multiple_of3A_141] : memref<66560xf32, #tpu.memory_space<hbm>> -> memref<160xf32, #tpu.memory_space<hbm>>
    %dma_start3A_143 = tpu.memref_slice %arg14[%multiple_of3A_141] : memref<66560xf32, #tpu.memory_space<hbm>> -> memref<160xf32, #tpu.memory_space<hbm>>
    tpu.enqueue_dma source(%arg39 : memref<160xf32, #tpu.memory_space<vmem>>) target(%dma_start3A_143 : memref<160xf32, #tpu.memory_space<hbm>>) target_semaphore(%arg40 : memref<!tpu.dma_semaphore, #tpu.memory_space<semaphore_mem>>)
    %dma_wait3A_144 = tpu.memref_slice %arg14[%multiple_of3A_57] : memref<66560xf32, #tpu.memory_space<hbm>> -> memref<160xf32, #tpu.memory_space<hbm>>
    %dma_wait3A_145 = tpu.memref_slice %arg14[%multiple_of3A_57] : memref<66560xf32, #tpu.memory_space<hbm>> -> memref<160xf32, #tpu.memory_space<hbm>>
    tpu.wait_dma2 semaphore(%arg40 : memref<!tpu.dma_semaphore, #tpu.memory_space<semaphore_mem>>) src(%arg27 : memref<160xf32, #tpu.memory_space<vmem>>) dst(%dma_wait3A_145 : memref<160xf32, #tpu.memory_space<hbm>>)
    %dma_wait3A_146 = tpu.memref_slice %arg14[%multiple_of3A_64] : memref<66560xf32, #tpu.memory_space<hbm>> -> memref<160xf32, #tpu.memory_space<hbm>>
    %dma_wait3A_147 = tpu.memref_slice %arg14[%multiple_of3A_64] : memref<66560xf32, #tpu.memory_space<hbm>> -> memref<160xf32, #tpu.memory_space<hbm>>
    tpu.wait_dma2 semaphore(%arg40 : memref<!tpu.dma_semaphore, #tpu.memory_space<semaphore_mem>>) src(%arg28 : memref<160xf32, #tpu.memory_space<vmem>>) dst(%dma_wait3A_147 : memref<160xf32, #tpu.memory_space<hbm>>)
    %dma_wait3A_148 = tpu.memref_slice %arg14[%multiple_of3A_71] : memref<66560xf32, #tpu.memory_space<hbm>> -> memref<160xf32, #tpu.memory_space<hbm>>
    %dma_wait3A_149 = tpu.memref_slice %arg14[%multiple_of3A_71] : memref<66560xf32, #tpu.memory_space<hbm>> -> memref<160xf32, #tpu.memory_space<hbm>>
    tpu.wait_dma2 semaphore(%arg40 : memref<!tpu.dma_semaphore, #tpu.memory_space<semaphore_mem>>) src(%arg29 : memref<160xf32, #tpu.memory_space<vmem>>) dst(%dma_wait3A_149 : memref<160xf32, #tpu.memory_space<hbm>>)
    %dma_wait3A_150 = tpu.memref_slice %arg14[%multiple_of3A_78] : memref<66560xf32, #tpu.memory_space<hbm>> -> memref<160xf32, #tpu.memory_space<hbm>>
    %dma_wait3A_151 = tpu.memref_slice %arg14[%multiple_of3A_78] : memref<66560xf32, #tpu.memory_space<hbm>> -> memref<160xf32, #tpu.memory_space<hbm>>
    tpu.wait_dma2 semaphore(%arg40 : memref<!tpu.dma_semaphore, #tpu.memory_space<semaphore_mem>>) src(%arg30 : memref<160xf32, #tpu.memory_space<vmem>>) dst(%dma_wait3A_151 : memref<160xf32, #tpu.memory_space<hbm>>)
    %dma_wait3A_152 = tpu.memref_slice %arg14[%multiple_of3A_85] : memref<66560xf32, #tpu.memory_space<hbm>> -> memref<160xf32, #tpu.memory_space<hbm>>
    %dma_wait3A_153 = tpu.memref_slice %arg14[%multiple_of3A_85] : memref<66560xf32, #tpu.memory_space<hbm>> -> memref<160xf32, #tpu.memory_space<hbm>>
    tpu.wait_dma2 semaphore(%arg40 : memref<!tpu.dma_semaphore, #tpu.memory_space<semaphore_mem>>) src(%arg31 : memref<160xf32, #tpu.memory_space<vmem>>) dst(%dma_wait3A_153 : memref<160xf32, #tpu.memory_space<hbm>>)
    %dma_wait3A_154 = tpu.memref_slice %arg14[%multiple_of3A_92] : memref<66560xf32, #tpu.memory_space<hbm>> -> memref<160xf32, #tpu.memory_space<hbm>>
    %dma_wait3A_155 = tpu.memref_slice %arg14[%multiple_of3A_92] : memref<66560xf32, #tpu.memory_space<hbm>> -> memref<160xf32, #tpu.memory_space<hbm>>
    tpu.wait_dma2 semaphore(%arg40 : memref<!tpu.dma_semaphore, #tpu.memory_space<semaphore_mem>>) src(%arg32 : memref<160xf32, #tpu.memory_space<vmem>>) dst(%dma_wait3A_155 : memref<160xf32, #tpu.memory_space<hbm>>)
    %dma_wait3A_156 = tpu.memref_slice %arg14[%multiple_of3A_99] : memref<66560xf32, #tpu.memory_space<hbm>> -> memref<160xf32, #tpu.memory_space<hbm>>
    %dma_wait3A_157 = tpu.memref_slice %arg14[%multiple_of3A_99] : memref<66560xf32, #tpu.memory_space<hbm>> -> memref<160xf32, #tpu.memory_space<hbm>>
    tpu.wait_dma2 semaphore(%arg40 : memref<!tpu.dma_semaphore, #tpu.memory_space<semaphore_mem>>) src(%arg33 : memref<160xf32, #tpu.memory_space<vmem>>) dst(%dma_wait3A_157 : memref<160xf32, #tpu.memory_space<hbm>>)
    %dma_wait3A_158 = tpu.memref_slice %arg14[%multiple_of3A_106] : memref<66560xf32, #tpu.memory_space<hbm>> -> memref<160xf32, #tpu.memory_space<hbm>>
    %dma_wait3A_159 = tpu.memref_slice %arg14[%multiple_of3A_106] : memref<66560xf32, #tpu.memory_space<hbm>> -> memref<160xf32, #tpu.memory_space<hbm>>
    tpu.wait_dma2 semaphore(%arg40 : memref<!tpu.dma_semaphore, #tpu.memory_space<semaphore_mem>>) src(%arg34 : memref<160xf32, #tpu.memory_space<vmem>>) dst(%dma_wait3A_159 : memref<160xf32, #tpu.memory_space<hbm>>)
    %dma_wait3A_160 = tpu.memref_slice %arg14[%multiple_of3A_113] : memref<66560xf32, #tpu.memory_space<hbm>> -> memref<160xf32, #tpu.memory_space<hbm>>
    %dma_wait3A_161 = tpu.memref_slice %arg14[%multiple_of3A_113] : memref<66560xf32, #tpu.memory_space<hbm>> -> memref<160xf32, #tpu.memory_space<hbm>>
    tpu.wait_dma2 semaphore(%arg40 : memref<!tpu.dma_semaphore, #tpu.memory_space<semaphore_mem>>) src(%arg35 : memref<160xf32, #tpu.memory_space<vmem>>) dst(%dma_wait3A_161 : memref<160xf32, #tpu.memory_space<hbm>>)
    %dma_wait3A_162 = tpu.memref_slice %arg14[%multiple_of3A_120] : memref<66560xf32, #tpu.memory_space<hbm>> -> memref<160xf32, #tpu.memory_space<hbm>>
    %dma_wait3A_163 = tpu.memref_slice %arg14[%multiple_of3A_120] : memref<66560xf32, #tpu.memory_space<hbm>> -> memref<160xf32, #tpu.memory_space<hbm>>
    tpu.wait_dma2 semaphore(%arg40 : memref<!tpu.dma_semaphore, #tpu.memory_space<semaphore_mem>>) src(%arg36 : memref<160xf32, #tpu.memory_space<vmem>>) dst(%dma_wait3A_163 : memref<160xf32, #tpu.memory_space<hbm>>)
    %dma_wait3A_164 = tpu.memref_slice %arg14[%multiple_of3A_127] : memref<66560xf32, #tpu.memory_space<hbm>> -> memref<160xf32, #tpu.memory_space<hbm>>
    %dma_wait3A_165 = tpu.memref_slice %arg14[%multiple_of3A_127] : memref<66560xf32, #tpu.memory_space<hbm>> -> memref<160xf32, #tpu.memory_space<hbm>>
    tpu.wait_dma2 semaphore(%arg40 : memref<!tpu.dma_semaphore, #tpu.memory_space<semaphore_mem>>) src(%arg37 : memref<160xf32, #tpu.memory_space<vmem>>) dst(%dma_wait3A_165 : memref<160xf32, #tpu.memory_space<hbm>>)
    %dma_wait3A_166 = tpu.memref_slice %arg14[%multiple_of3A_134] : memref<66560xf32, #tpu.memory_space<hbm>> -> memref<160xf32, #tpu.memory_space<hbm>>
    %dma_wait3A_167 = tpu.memref_slice %arg14[%multiple_of3A_134] : memref<66560xf32, #tpu.memory_space<hbm>> -> memref<160xf32, #tpu.memory_space<hbm>>
    tpu.wait_dma2 semaphore(%arg40 : memref<!tpu.dma_semaphore, #tpu.memory_space<semaphore_mem>>) src(%arg38 : memref<160xf32, #tpu.memory_space<vmem>>) dst(%dma_wait3A_167 : memref<160xf32, #tpu.memory_space<hbm>>)
    %dma_wait3A_168 = tpu.memref_slice %arg14[%multiple_of3A_141] : memref<66560xf32, #tpu.memory_space<hbm>> -> memref<160xf32, #tpu.memory_space<hbm>>
    %dma_wait3A_169 = tpu.memref_slice %arg14[%multiple_of3A_141] : memref<66560xf32, #tpu.memory_space<hbm>> -> memref<160xf32, #tpu.memory_space<hbm>>
    tpu.wait_dma2 semaphore(%arg40 : memref<!tpu.dma_semaphore, #tpu.memory_space<semaphore_mem>>) src(%arg39 : memref<160xf32, #tpu.memory_space<vmem>>) dst(%dma_wait3A_169 : memref<160xf32, #tpu.memory_space<hbm>>)
    return
  }
}

module attributes {stable_mosaic.version = 14 : i64} {
  func.func @_tc_body(%arg0: memref<13x40x128xf32, #tpu.memory_space<vmem>>, %arg1: memref<40x128xf32, #tpu.memory_space<vmem>>, %arg2: memref<40x128xf32, #tpu.memory_space<vmem>>, %arg3: memref<15x40x128xf32, #tpu.memory_space<vmem>>) attributes {dimension_semantics = [], scalar_prefetch = 0 : i64, scratch_operands = 0 : i64, tpu.core_type = #tpu.core_type<tc>} {
    %get3A = arith.constant 0 : index
    %get3A_0 = arith.constant 0 : index
    %get3A_1 = arith.constant 0 : index
    %get3A_2 = vector.load %arg0[%get3A, %get3A_0, %get3A_1] : memref<13x40x128xf32, #tpu.memory_space<vmem>>, vector<1x40x128xf32>
    %get3A_3 = vector.shape_cast %get3A_2 : vector<1x40x128xf32> to vector<40x128xf32>
    %broadcast_in_dim3A = arith.constant 1.000000e+00 : f32
    %broadcast_in_dim3A_4 = vector.broadcast %broadcast_in_dim3A : f32 to vector<40x128xf32>
    %broadcast_in_dim3A_5 = arith.constant 0.000000e+00 : f32
    %broadcast_in_dim3A_6 = vector.broadcast %broadcast_in_dim3A_5 : f32 to vector<40x128xf32>
    %max3A = arith.maximumf %get3A_3, %broadcast_in_dim3A_4 : vector<40x128xf32>
    %div3A = arith.constant 1.000000e+00 : f32
    %div3A_7 = vector.broadcast %div3A : f32 to vector<40x128xf32>
    %div3A_8 = arith.divf %div3A_7, %max3A : vector<40x128xf32>
    %get3A_9 = arith.constant 4 : index
    %get3A_10 = arith.constant 0 : index
    %get3A_11 = arith.constant 0 : index
    %get3A_12 = vector.load %arg0[%get3A_9, %get3A_10, %get3A_11] : memref<13x40x128xf32, #tpu.memory_space<vmem>>, vector<1x40x128xf32>
    %get3A_13 = vector.shape_cast %get3A_12 : vector<1x40x128xf32> to vector<40x128xf32>
    %get3A_14 = arith.constant 5 : index
    %get3A_15 = arith.constant 0 : index
    %get3A_16 = arith.constant 0 : index
    %get3A_17 = vector.load %arg0[%get3A_14, %get3A_15, %get3A_16] : memref<13x40x128xf32, #tpu.memory_space<vmem>>, vector<1x40x128xf32>
    %get3A_18 = vector.shape_cast %get3A_17 : vector<1x40x128xf32> to vector<40x128xf32>
    %get3A_19 = arith.constant 6 : index
    %get3A_20 = arith.constant 0 : index
    %get3A_21 = arith.constant 0 : index
    %get3A_22 = vector.load %arg0[%get3A_19, %get3A_20, %get3A_21] : memref<13x40x128xf32, #tpu.memory_space<vmem>>, vector<1x40x128xf32>
    %get3A_23 = vector.shape_cast %get3A_22 : vector<1x40x128xf32> to vector<40x128xf32>
    %get3A_24 = arith.constant 7 : index
    %get3A_25 = arith.constant 0 : index
    %get3A_26 = arith.constant 0 : index
    %get3A_27 = vector.load %arg0[%get3A_24, %get3A_25, %get3A_26] : memref<13x40x128xf32, #tpu.memory_space<vmem>>, vector<1x40x128xf32>
    %get3A_28 = vector.shape_cast %get3A_27 : vector<1x40x128xf32> to vector<40x128xf32>
    %get3A_29 = arith.constant 10 : index
    %get3A_30 = arith.constant 0 : index
    %get3A_31 = arith.constant 0 : index
    %get3A_32 = vector.load %arg0[%get3A_29, %get3A_30, %get3A_31] : memref<13x40x128xf32, #tpu.memory_space<vmem>>, vector<1x40x128xf32>
    %get3A_33 = vector.shape_cast %get3A_32 : vector<1x40x128xf32> to vector<40x128xf32>
    %get3A_34 = arith.constant 12 : index
    %get3A_35 = arith.constant 0 : index
    %get3A_36 = arith.constant 0 : index
    %get3A_37 = vector.load %arg0[%get3A_34, %get3A_35, %get3A_36] : memref<13x40x128xf32, #tpu.memory_space<vmem>>, vector<1x40x128xf32>
    %get3A_38 = vector.shape_cast %get3A_37 : vector<1x40x128xf32> to vector<40x128xf32>
    %add3A = arith.addf %get3A_33, %get3A_38 : vector<40x128xf32>
    %get3A_39 = arith.constant 8 : index
    %get3A_40 = arith.constant 0 : index
    %get3A_41 = arith.constant 0 : index
    %get3A_42 = vector.load %arg0[%get3A_39, %get3A_40, %get3A_41] : memref<13x40x128xf32, #tpu.memory_space<vmem>>, vector<1x40x128xf32>
    %get3A_43 = vector.shape_cast %get3A_42 : vector<1x40x128xf32> to vector<40x128xf32>
    %neg3A = arith.constant 0.000000e+00 : f32
    %neg3A_44 = vector.broadcast %neg3A : f32 to vector<40x128xf32>
    %neg3A_45 = arith.subf %neg3A_44, %get3A_43 : vector<40x128xf32>
    %get3A_46 = arith.constant 9 : index
    %get3A_47 = arith.constant 0 : index
    %get3A_48 = arith.constant 0 : index
    %get3A_49 = vector.load %arg0[%get3A_46, %get3A_47, %get3A_48] : memref<13x40x128xf32, #tpu.memory_space<vmem>>, vector<1x40x128xf32>
    %get3A_50 = vector.shape_cast %get3A_49 : vector<1x40x128xf32> to vector<40x128xf32>
    %neg3A_51 = arith.constant 0.000000e+00 : f32
    %neg3A_52 = vector.broadcast %neg3A_51 : f32 to vector<40x128xf32>
    %neg3A_53 = arith.subf %neg3A_52, %get3A_50 : vector<40x128xf32>
    %add3A_54 = arith.addf %get3A_28, %get3A_38 : vector<40x128xf32>
    %get3A_55 = arith.constant 11 : index
    %get3A_56 = arith.constant 0 : index
    %get3A_57 = arith.constant 0 : index
    %get3A_58 = vector.load %arg0[%get3A_55, %get3A_56, %get3A_57] : memref<13x40x128xf32, #tpu.memory_space<vmem>>, vector<1x40x128xf32>
    %get3A_59 = vector.shape_cast %get3A_58 : vector<1x40x128xf32> to vector<40x128xf32>
    %neg3A_60 = arith.constant 0.000000e+00 : f32
    %neg3A_61 = vector.broadcast %neg3A_60 : f32 to vector<40x128xf32>
    %neg3A_62 = arith.subf %neg3A_61, %get3A_59 : vector<40x128xf32>
    %add3A_63 = arith.addf %get3A_28, %get3A_33 : vector<40x128xf32>
    %abs3A = math.absf %neg3A_45 : vector<40x128xf32>
    %gt3A = arith.constant 0.000000e+00 : f32
    %gt3A_64 = vector.broadcast %gt3A : f32 to vector<40x128xf32>
    %gt3A_65 = arith.cmpf ogt, %abs3A, %gt3A_64 : vector<40x128xf32>
    %select_n3A = arith.select %gt3A_65, %neg3A_45, %broadcast_in_dim3A_4 : vector<40x128xi1>, vector<40x128xf32>
    %sub3A = arith.subf %add3A_54, %add3A : vector<40x128xf32>
    %mul3A = arith.constant 2.000000e+00 : f32
    %mul3A_66 = vector.broadcast %mul3A : f32 to vector<40x128xf32>
    %mul3A_67 = arith.mulf %mul3A_66, %select_n3A : vector<40x128xf32>
    %div3A_68 = arith.divf %sub3A, %mul3A_67 : vector<40x128xf32>
    %sign3A = tpu.bitcast %div3A_68 : vector<40x128xf32> -> vector<40x128xi32>
    %sign3A_69 = arith.constant -2147483648 : i32
    %sign3A_70 = vector.broadcast %sign3A_69 : i32 to vector<40x128xi32>
    %sign3A_71 = arith.andi %sign3A, %sign3A_70 : vector<40x128xi32>
    %sign3A_72 = arith.constant 1065353216 : i32
    %sign3A_73 = vector.broadcast %sign3A_72 : i32 to vector<40x128xi32>
    %sign3A_74 = arith.ori %sign3A_73, %sign3A_71 : vector<40x128xi32>
    %sign3A_75 = tpu.bitcast %sign3A_74 : vector<40x128xi32> -> vector<40x128xf32>
    %sign3A_76 = math.absf %div3A_68 : vector<40x128xf32>
    %sign3A_77 = arith.constant 0.000000e+00 : f32
    %sign3A_78 = vector.broadcast %sign3A_77 : f32 to vector<40x128xf32>
    %sign3A_79 = arith.cmpf ogt, %sign3A_76, %sign3A_78 : vector<40x128xf32>
    %sign3A_80 = arith.select %sign3A_79, %sign3A_75, %div3A_68 : vector<40x128xi1>, vector<40x128xf32>
    %abs3A_81 = math.absf %div3A_68 : vector<40x128xf32>
    %mul3A_82 = arith.mulf %div3A_68, %div3A_68 : vector<40x128xf32>
    %add3A_83 = arith.constant 1.000000e+00 : f32
    %add3A_84 = vector.broadcast %add3A_83 : f32 to vector<40x128xf32>
    %add3A_85 = arith.addf %add3A_84, %mul3A_82 : vector<40x128xf32>
    %sqrt3A = math.sqrt %add3A_85 : vector<40x128xf32>
    %add3A_86 = arith.addf %abs3A_81, %sqrt3A : vector<40x128xf32>
    %div3A_87 = arith.divf %sign3A_80, %add3A_86 : vector<40x128xf32>
    %eq3A = arith.constant 0.000000e+00 : f32
    %eq3A_88 = vector.broadcast %eq3A : f32 to vector<40x128xf32>
    %eq3A_89 = arith.cmpf oeq, %div3A_68, %eq3A_88 : vector<40x128xf32>
    %select_n3A_90 = arith.select %eq3A_89, %broadcast_in_dim3A_4, %div3A_87 : vector<40x128xi1>, vector<40x128xf32>
    %select_n3A_91 = arith.select %gt3A_65, %select_n3A_90, %broadcast_in_dim3A_6 : vector<40x128xi1>, vector<40x128xf32>
    %mul3A_92 = arith.mulf %select_n3A_91, %select_n3A_91 : vector<40x128xf32>
    %add3A_93 = arith.constant 1.000000e+00 : f32
    %add3A_94 = vector.broadcast %add3A_93 : f32 to vector<40x128xf32>
    %add3A_95 = arith.addf %add3A_94, %mul3A_92 : vector<40x128xf32>
    %sqrt3A_96 = math.sqrt %add3A_95 : vector<40x128xf32>
    %div3A_97 = arith.constant 1.000000e+00 : f32
    %div3A_98 = vector.broadcast %div3A_97 : f32 to vector<40x128xf32>
    %div3A_99 = arith.divf %div3A_98, %sqrt3A_96 : vector<40x128xf32>
    %mul3A_100 = arith.mulf %select_n3A_91, %div3A_99 : vector<40x128xf32>
    %mul3A_101 = arith.mulf %select_n3A_91, %neg3A_45 : vector<40x128xf32>
    %sub3A_102 = arith.subf %add3A, %mul3A_101 : vector<40x128xf32>
    %mul3A_103 = arith.mulf %select_n3A_91, %neg3A_45 : vector<40x128xf32>
    %add3A_104 = arith.addf %add3A_54, %mul3A_103 : vector<40x128xf32>
    %mul3A_105 = arith.mulf %div3A_99, %neg3A_53 : vector<40x128xf32>
    %mul3A_106 = arith.mulf %mul3A_100, %neg3A_62 : vector<40x128xf32>
    %sub3A_107 = arith.subf %mul3A_105, %mul3A_106 : vector<40x128xf32>
    %mul3A_108 = arith.mulf %mul3A_100, %neg3A_53 : vector<40x128xf32>
    %mul3A_109 = arith.mulf %div3A_99, %neg3A_62 : vector<40x128xf32>
    %add3A_110 = arith.addf %mul3A_108, %mul3A_109 : vector<40x128xf32>
    %mul3A_111 = arith.mulf %div3A_99, %broadcast_in_dim3A_4 : vector<40x128xf32>
    %mul3A_112 = arith.mulf %mul3A_100, %broadcast_in_dim3A_6 : vector<40x128xf32>
    %sub3A_113 = arith.subf %mul3A_111, %mul3A_112 : vector<40x128xf32>
    %mul3A_114 = arith.mulf %div3A_99, %broadcast_in_dim3A_6 : vector<40x128xf32>
    %mul3A_115 = arith.mulf %mul3A_100, %broadcast_in_dim3A_4 : vector<40x128xf32>
    %sub3A_116 = arith.subf %mul3A_114, %mul3A_115 : vector<40x128xf32>
    %mul3A_117 = arith.mulf %div3A_99, %broadcast_in_dim3A_6 : vector<40x128xf32>
    %mul3A_118 = arith.mulf %mul3A_100, %broadcast_in_dim3A_6 : vector<40x128xf32>
    %sub3A_119 = arith.subf %mul3A_117, %mul3A_118 : vector<40x128xf32>
    %mul3A_120 = arith.mulf %mul3A_100, %broadcast_in_dim3A_4 : vector<40x128xf32>
    %mul3A_121 = arith.mulf %div3A_99, %broadcast_in_dim3A_6 : vector<40x128xf32>
    %add3A_122 = arith.addf %mul3A_120, %mul3A_121 : vector<40x128xf32>
    %mul3A_123 = arith.mulf %mul3A_100, %broadcast_in_dim3A_6 : vector<40x128xf32>
    %mul3A_124 = arith.mulf %div3A_99, %broadcast_in_dim3A_4 : vector<40x128xf32>
    %add3A_125 = arith.addf %mul3A_123, %mul3A_124 : vector<40x128xf32>
    %mul3A_126 = arith.mulf %mul3A_100, %broadcast_in_dim3A_6 : vector<40x128xf32>
    %mul3A_127 = arith.mulf %div3A_99, %broadcast_in_dim3A_6 : vector<40x128xf32>
    %add3A_128 = arith.addf %mul3A_126, %mul3A_127 : vector<40x128xf32>
    %abs3A_129 = math.absf %sub3A_107 : vector<40x128xf32>
    %gt3A_130 = arith.constant 0.000000e+00 : f32
    %gt3A_131 = vector.broadcast %gt3A_130 : f32 to vector<40x128xf32>
    %gt3A_132 = arith.cmpf ogt, %abs3A_129, %gt3A_131 : vector<40x128xf32>
    %select_n3A_133 = arith.select %gt3A_132, %sub3A_107, %broadcast_in_dim3A_4 : vector<40x128xi1>, vector<40x128xf32>
    %sub3A_134 = arith.subf %add3A_63, %sub3A_102 : vector<40x128xf32>
    %mul3A_135 = arith.constant 2.000000e+00 : f32
    %mul3A_136 = vector.broadcast %mul3A_135 : f32 to vector<40x128xf32>
    %mul3A_137 = arith.mulf %mul3A_136, %select_n3A_133 : vector<40x128xf32>
    %div3A_138 = arith.divf %sub3A_134, %mul3A_137 : vector<40x128xf32>
    %sign3A_139 = tpu.bitcast %div3A_138 : vector<40x128xf32> -> vector<40x128xi32>
    %sign3A_140 = arith.constant -2147483648 : i32
    %sign3A_141 = vector.broadcast %sign3A_140 : i32 to vector<40x128xi32>
    %sign3A_142 = arith.andi %sign3A_139, %sign3A_141 : vector<40x128xi32>
    %sign3A_143 = arith.constant 1065353216 : i32
    %sign3A_144 = vector.broadcast %sign3A_143 : i32 to vector<40x128xi32>
    %sign3A_145 = arith.ori %sign3A_144, %sign3A_142 : vector<40x128xi32>
    %sign3A_146 = tpu.bitcast %sign3A_145 : vector<40x128xi32> -> vector<40x128xf32>
    %sign3A_147 = math.absf %div3A_138 : vector<40x128xf32>
    %sign3A_148 = arith.constant 0.000000e+00 : f32
    %sign3A_149 = vector.broadcast %sign3A_148 : f32 to vector<40x128xf32>
    %sign3A_150 = arith.cmpf ogt, %sign3A_147, %sign3A_149 : vector<40x128xf32>
    %sign3A_151 = arith.select %sign3A_150, %sign3A_146, %div3A_138 : vector<40x128xi1>, vector<40x128xf32>
    %abs3A_152 = math.absf %div3A_138 : vector<40x128xf32>
    %mul3A_153 = arith.mulf %div3A_138, %div3A_138 : vector<40x128xf32>
    %add3A_154 = arith.constant 1.000000e+00 : f32
    %add3A_155 = vector.broadcast %add3A_154 : f32 to vector<40x128xf32>
    %add3A_156 = arith.addf %add3A_155, %mul3A_153 : vector<40x128xf32>
    %sqrt3A_157 = math.sqrt %add3A_156 : vector<40x128xf32>
    %add3A_158 = arith.addf %abs3A_152, %sqrt3A_157 : vector<40x128xf32>
    %div3A_159 = arith.divf %sign3A_151, %add3A_158 : vector<40x128xf32>
    %eq3A_160 = arith.constant 0.000000e+00 : f32
    %eq3A_161 = vector.broadcast %eq3A_160 : f32 to vector<40x128xf32>
    %eq3A_162 = arith.cmpf oeq, %div3A_138, %eq3A_161 : vector<40x128xf32>
    %select_n3A_163 = arith.select %eq3A_162, %broadcast_in_dim3A_4, %div3A_159 : vector<40x128xi1>, vector<40x128xf32>
    %select_n3A_164 = arith.select %gt3A_132, %select_n3A_163, %broadcast_in_dim3A_6 : vector<40x128xi1>, vector<40x128xf32>
    %mul3A_165 = arith.mulf %select_n3A_164, %select_n3A_164 : vector<40x128xf32>
    %add3A_166 = arith.constant 1.000000e+00 : f32
    %add3A_167 = vector.broadcast %add3A_166 : f32 to vector<40x128xf32>
    %add3A_168 = arith.addf %add3A_167, %mul3A_165 : vector<40x128xf32>
    %sqrt3A_169 = math.sqrt %add3A_168 : vector<40x128xf32>
    %div3A_170 = arith.constant 1.000000e+00 : f32
    %div3A_171 = vector.broadcast %div3A_170 : f32 to vector<40x128xf32>
    %div3A_172 = arith.divf %div3A_171, %sqrt3A_169 : vector<40x128xf32>
    %mul3A_173 = arith.mulf %select_n3A_164, %div3A_172 : vector<40x128xf32>
    %mul3A_174 = arith.mulf %select_n3A_164, %sub3A_107 : vector<40x128xf32>
    %sub3A_175 = arith.subf %sub3A_102, %mul3A_174 : vector<40x128xf32>
    %mul3A_176 = arith.mulf %select_n3A_164, %sub3A_107 : vector<40x128xf32>
    %add3A_177 = arith.addf %add3A_63, %mul3A_176 : vector<40x128xf32>
    %mul3A_178 = arith.mulf %div3A_172, %broadcast_in_dim3A_6 : vector<40x128xf32>
    %mul3A_179 = arith.mulf %mul3A_173, %add3A_110 : vector<40x128xf32>
    %sub3A_180 = arith.subf %mul3A_178, %mul3A_179 : vector<40x128xf32>
    %mul3A_181 = arith.mulf %mul3A_173, %broadcast_in_dim3A_6 : vector<40x128xf32>
    %mul3A_182 = arith.mulf %div3A_172, %add3A_110 : vector<40x128xf32>
    %add3A_183 = arith.addf %mul3A_181, %mul3A_182 : vector<40x128xf32>
    %mul3A_184 = arith.mulf %div3A_172, %sub3A_113 : vector<40x128xf32>
    %mul3A_185 = arith.mulf %mul3A_173, %broadcast_in_dim3A_6 : vector<40x128xf32>
    %sub3A_186 = arith.subf %mul3A_184, %mul3A_185 : vector<40x128xf32>
    %mul3A_187 = arith.mulf %div3A_172, %sub3A_116 : vector<40x128xf32>
    %mul3A_188 = arith.mulf %mul3A_173, %broadcast_in_dim3A_6 : vector<40x128xf32>
    %sub3A_189 = arith.subf %mul3A_187, %mul3A_188 : vector<40x128xf32>
    %mul3A_190 = arith.mulf %div3A_172, %sub3A_119 : vector<40x128xf32>
    %mul3A_191 = arith.mulf %mul3A_173, %broadcast_in_dim3A_4 : vector<40x128xf32>
    %sub3A_192 = arith.subf %mul3A_190, %mul3A_191 : vector<40x128xf32>
    %mul3A_193 = arith.mulf %mul3A_173, %sub3A_113 : vector<40x128xf32>
    %mul3A_194 = arith.mulf %div3A_172, %broadcast_in_dim3A_6 : vector<40x128xf32>
    %add3A_195 = arith.addf %mul3A_193, %mul3A_194 : vector<40x128xf32>
    %mul3A_196 = arith.mulf %mul3A_173, %sub3A_116 : vector<40x128xf32>
    %mul3A_197 = arith.mulf %div3A_172, %broadcast_in_dim3A_6 : vector<40x128xf32>
    %add3A_198 = arith.addf %mul3A_196, %mul3A_197 : vector<40x128xf32>
    %mul3A_199 = arith.mulf %mul3A_173, %sub3A_119 : vector<40x128xf32>
    %mul3A_200 = arith.mulf %div3A_172, %broadcast_in_dim3A_4 : vector<40x128xf32>
    %add3A_201 = arith.addf %mul3A_199, %mul3A_200 : vector<40x128xf32>
    %abs3A_202 = math.absf %add3A_183 : vector<40x128xf32>
    %gt3A_203 = arith.constant 0.000000e+00 : f32
    %gt3A_204 = vector.broadcast %gt3A_203 : f32 to vector<40x128xf32>
    %gt3A_205 = arith.cmpf ogt, %abs3A_202, %gt3A_204 : vector<40x128xf32>
    %select_n3A_206 = arith.select %gt3A_205, %add3A_183, %broadcast_in_dim3A_4 : vector<40x128xi1>, vector<40x128xf32>
    %sub3A_207 = arith.subf %add3A_177, %add3A_104 : vector<40x128xf32>
    %mul3A_208 = arith.constant 2.000000e+00 : f32
    %mul3A_209 = vector.broadcast %mul3A_208 : f32 to vector<40x128xf32>
    %mul3A_210 = arith.mulf %mul3A_209, %select_n3A_206 : vector<40x128xf32>
    %div3A_211 = arith.divf %sub3A_207, %mul3A_210 : vector<40x128xf32>
    %sign3A_212 = tpu.bitcast %div3A_211 : vector<40x128xf32> -> vector<40x128xi32>
    %sign3A_213 = arith.constant -2147483648 : i32
    %sign3A_214 = vector.broadcast %sign3A_213 : i32 to vector<40x128xi32>
    %sign3A_215 = arith.andi %sign3A_212, %sign3A_214 : vector<40x128xi32>
    %sign3A_216 = arith.constant 1065353216 : i32
    %sign3A_217 = vector.broadcast %sign3A_216 : i32 to vector<40x128xi32>
    %sign3A_218 = arith.ori %sign3A_217, %sign3A_215 : vector<40x128xi32>
    %sign3A_219 = tpu.bitcast %sign3A_218 : vector<40x128xi32> -> vector<40x128xf32>
    %sign3A_220 = math.absf %div3A_211 : vector<40x128xf32>
    %sign3A_221 = arith.constant 0.000000e+00 : f32
    %sign3A_222 = vector.broadcast %sign3A_221 : f32 to vector<40x128xf32>
    %sign3A_223 = arith.cmpf ogt, %sign3A_220, %sign3A_222 : vector<40x128xf32>
    %sign3A_224 = arith.select %sign3A_223, %sign3A_219, %div3A_211 : vector<40x128xi1>, vector<40x128xf32>
    %abs3A_225 = math.absf %div3A_211 : vector<40x128xf32>
    %mul3A_226 = arith.mulf %div3A_211, %div3A_211 : vector<40x128xf32>
    %add3A_227 = arith.constant 1.000000e+00 : f32
    %add3A_228 = vector.broadcast %add3A_227 : f32 to vector<40x128xf32>
    %add3A_229 = arith.addf %add3A_228, %mul3A_226 : vector<40x128xf32>
    %sqrt3A_230 = math.sqrt %add3A_229 : vector<40x128xf32>
    %add3A_231 = arith.addf %abs3A_225, %sqrt3A_230 : vector<40x128xf32>
    %div3A_232 = arith.divf %sign3A_224, %add3A_231 : vector<40x128xf32>
    %eq3A_233 = arith.constant 0.000000e+00 : f32
    %eq3A_234 = vector.broadcast %eq3A_233 : f32 to vector<40x128xf32>
    %eq3A_235 = arith.cmpf oeq, %div3A_211, %eq3A_234 : vector<40x128xf32>
    %select_n3A_236 = arith.select %eq3A_235, %broadcast_in_dim3A_4, %div3A_232 : vector<40x128xi1>, vector<40x128xf32>
    %select_n3A_237 = arith.select %gt3A_205, %select_n3A_236, %broadcast_in_dim3A_6 : vector<40x128xi1>, vector<40x128xf32>
    %mul3A_238 = arith.mulf %select_n3A_237, %select_n3A_237 : vector<40x128xf32>
    %add3A_239 = arith.constant 1.000000e+00 : f32
    %add3A_240 = vector.broadcast %add3A_239 : f32 to vector<40x128xf32>
    %add3A_241 = arith.addf %add3A_240, %mul3A_238 : vector<40x128xf32>
    %sqrt3A_242 = math.sqrt %add3A_241 : vector<40x128xf32>
    %div3A_243 = arith.constant 1.000000e+00 : f32
    %div3A_244 = vector.broadcast %div3A_243 : f32 to vector<40x128xf32>
    %div3A_245 = arith.divf %div3A_244, %sqrt3A_242 : vector<40x128xf32>
    %mul3A_246 = arith.mulf %select_n3A_237, %div3A_245 : vector<40x128xf32>
    %mul3A_247 = arith.mulf %select_n3A_237, %add3A_183 : vector<40x128xf32>
    %sub3A_248 = arith.subf %add3A_104, %mul3A_247 : vector<40x128xf32>
    %mul3A_249 = arith.mulf %select_n3A_237, %add3A_183 : vector<40x128xf32>
    %add3A_250 = arith.addf %add3A_177, %mul3A_249 : vector<40x128xf32>
    %mul3A_251 = arith.mulf %div3A_245, %sub3A_180 : vector<40x128xf32>
    %mul3A_252 = arith.mulf %mul3A_246, %broadcast_in_dim3A_6 : vector<40x128xf32>
    %sub3A_253 = arith.subf %mul3A_251, %mul3A_252 : vector<40x128xf32>
    %mul3A_254 = arith.mulf %mul3A_246, %sub3A_180 : vector<40x128xf32>
    %mul3A_255 = arith.mulf %div3A_245, %broadcast_in_dim3A_6 : vector<40x128xf32>
    %add3A_256 = arith.addf %mul3A_254, %mul3A_255 : vector<40x128xf32>
    %mul3A_257 = arith.mulf %div3A_245, %add3A_122 : vector<40x128xf32>
    %mul3A_258 = arith.mulf %mul3A_246, %add3A_195 : vector<40x128xf32>
    %sub3A_259 = arith.subf %mul3A_257, %mul3A_258 : vector<40x128xf32>
    %mul3A_260 = arith.mulf %div3A_245, %add3A_125 : vector<40x128xf32>
    %mul3A_261 = arith.mulf %mul3A_246, %add3A_198 : vector<40x128xf32>
    %sub3A_262 = arith.subf %mul3A_260, %mul3A_261 : vector<40x128xf32>
    %mul3A_263 = arith.mulf %div3A_245, %add3A_128 : vector<40x128xf32>
    %mul3A_264 = arith.mulf %mul3A_246, %add3A_201 : vector<40x128xf32>
    %sub3A_265 = arith.subf %mul3A_263, %mul3A_264 : vector<40x128xf32>
    %mul3A_266 = arith.mulf %mul3A_246, %add3A_122 : vector<40x128xf32>
    %mul3A_267 = arith.mulf %div3A_245, %add3A_195 : vector<40x128xf32>
    %add3A_268 = arith.addf %mul3A_266, %mul3A_267 : vector<40x128xf32>
    %mul3A_269 = arith.mulf %mul3A_246, %add3A_125 : vector<40x128xf32>
    %mul3A_270 = arith.mulf %div3A_245, %add3A_198 : vector<40x128xf32>
    %add3A_271 = arith.addf %mul3A_269, %mul3A_270 : vector<40x128xf32>
    %mul3A_272 = arith.mulf %mul3A_246, %add3A_128 : vector<40x128xf32>
    %mul3A_273 = arith.mulf %div3A_245, %add3A_201 : vector<40x128xf32>
    %add3A_274 = arith.addf %mul3A_272, %mul3A_273 : vector<40x128xf32>
    %abs3A_275 = math.absf %sub3A_253 : vector<40x128xf32>
    %gt3A_276 = arith.constant 0.000000e+00 : f32
    %gt3A_277 = vector.broadcast %gt3A_276 : f32 to vector<40x128xf32>
    %gt3A_278 = arith.cmpf ogt, %abs3A_275, %gt3A_277 : vector<40x128xf32>
    %select_n3A_279 = arith.select %gt3A_278, %sub3A_253, %broadcast_in_dim3A_4 : vector<40x128xi1>, vector<40x128xf32>
    %sub3A_280 = arith.subf %sub3A_248, %sub3A_175 : vector<40x128xf32>
    %mul3A_281 = arith.constant 2.000000e+00 : f32
    %mul3A_282 = vector.broadcast %mul3A_281 : f32 to vector<40x128xf32>
    %mul3A_283 = arith.mulf %mul3A_282, %select_n3A_279 : vector<40x128xf32>
    %div3A_284 = arith.divf %sub3A_280, %mul3A_283 : vector<40x128xf32>
    %sign3A_285 = tpu.bitcast %div3A_284 : vector<40x128xf32> -> vector<40x128xi32>
    %sign3A_286 = arith.constant -2147483648 : i32
    %sign3A_287 = vector.broadcast %sign3A_286 : i32 to vector<40x128xi32>
    %sign3A_288 = arith.andi %sign3A_285, %sign3A_287 : vector<40x128xi32>
    %sign3A_289 = arith.constant 1065353216 : i32
    %sign3A_290 = vector.broadcast %sign3A_289 : i32 to vector<40x128xi32>
    %sign3A_291 = arith.ori %sign3A_290, %sign3A_288 : vector<40x128xi32>
    %sign3A_292 = tpu.bitcast %sign3A_291 : vector<40x128xi32> -> vector<40x128xf32>
    %sign3A_293 = math.absf %div3A_284 : vector<40x128xf32>
    %sign3A_294 = arith.constant 0.000000e+00 : f32
    %sign3A_295 = vector.broadcast %sign3A_294 : f32 to vector<40x128xf32>
    %sign3A_296 = arith.cmpf ogt, %sign3A_293, %sign3A_295 : vector<40x128xf32>
    %sign3A_297 = arith.select %sign3A_296, %sign3A_292, %div3A_284 : vector<40x128xi1>, vector<40x128xf32>
    %abs3A_298 = math.absf %div3A_284 : vector<40x128xf32>
    %mul3A_299 = arith.mulf %div3A_284, %div3A_284 : vector<40x128xf32>
    %add3A_300 = arith.constant 1.000000e+00 : f32
    %add3A_301 = vector.broadcast %add3A_300 : f32 to vector<40x128xf32>
    %add3A_302 = arith.addf %add3A_301, %mul3A_299 : vector<40x128xf32>
    %sqrt3A_303 = math.sqrt %add3A_302 : vector<40x128xf32>
    %add3A_304 = arith.addf %abs3A_298, %sqrt3A_303 : vector<40x128xf32>
    %div3A_305 = arith.divf %sign3A_297, %add3A_304 : vector<40x128xf32>
    %eq3A_306 = arith.constant 0.000000e+00 : f32
    %eq3A_307 = vector.broadcast %eq3A_306 : f32 to vector<40x128xf32>
    %eq3A_308 = arith.cmpf oeq, %div3A_284, %eq3A_307 : vector<40x128xf32>
    %select_n3A_309 = arith.select %eq3A_308, %broadcast_in_dim3A_4, %div3A_305 : vector<40x128xi1>, vector<40x128xf32>
    %select_n3A_310 = arith.select %gt3A_278, %select_n3A_309, %broadcast_in_dim3A_6 : vector<40x128xi1>, vector<40x128xf32>
    %mul3A_311 = arith.mulf %select_n3A_310, %select_n3A_310 : vector<40x128xf32>
    %add3A_312 = arith.constant 1.000000e+00 : f32
    %add3A_313 = vector.broadcast %add3A_312 : f32 to vector<40x128xf32>
    %add3A_314 = arith.addf %add3A_313, %mul3A_311 : vector<40x128xf32>
    %sqrt3A_315 = math.sqrt %add3A_314 : vector<40x128xf32>
    %div3A_316 = arith.constant 1.000000e+00 : f32
    %div3A_317 = vector.broadcast %div3A_316 : f32 to vector<40x128xf32>
    %div3A_318 = arith.divf %div3A_317, %sqrt3A_315 : vector<40x128xf32>
    %mul3A_319 = arith.mulf %select_n3A_310, %div3A_318 : vector<40x128xf32>
    %mul3A_320 = arith.mulf %select_n3A_310, %sub3A_253 : vector<40x128xf32>
    %sub3A_321 = arith.subf %sub3A_175, %mul3A_320 : vector<40x128xf32>
    %mul3A_322 = arith.mulf %select_n3A_310, %sub3A_253 : vector<40x128xf32>
    %add3A_323 = arith.addf %sub3A_248, %mul3A_322 : vector<40x128xf32>
    %mul3A_324 = arith.mulf %div3A_318, %add3A_256 : vector<40x128xf32>
    %mul3A_325 = arith.mulf %mul3A_319, %broadcast_in_dim3A_6 : vector<40x128xf32>
    %sub3A_326 = arith.subf %mul3A_324, %mul3A_325 : vector<40x128xf32>
    %mul3A_327 = arith.mulf %mul3A_319, %add3A_256 : vector<40x128xf32>
    %mul3A_328 = arith.mulf %div3A_318, %broadcast_in_dim3A_6 : vector<40x128xf32>
    %add3A_329 = arith.addf %mul3A_327, %mul3A_328 : vector<40x128xf32>
    %mul3A_330 = arith.mulf %div3A_318, %sub3A_186 : vector<40x128xf32>
    %mul3A_331 = arith.mulf %mul3A_319, %sub3A_259 : vector<40x128xf32>
    %sub3A_332 = arith.subf %mul3A_330, %mul3A_331 : vector<40x128xf32>
    %mul3A_333 = arith.mulf %div3A_318, %sub3A_189 : vector<40x128xf32>
    %mul3A_334 = arith.mulf %mul3A_319, %sub3A_262 : vector<40x128xf32>
    %sub3A_335 = arith.subf %mul3A_333, %mul3A_334 : vector<40x128xf32>
    %mul3A_336 = arith.mulf %div3A_318, %sub3A_192 : vector<40x128xf32>
    %mul3A_337 = arith.mulf %mul3A_319, %sub3A_265 : vector<40x128xf32>
    %sub3A_338 = arith.subf %mul3A_336, %mul3A_337 : vector<40x128xf32>
    %mul3A_339 = arith.mulf %mul3A_319, %sub3A_186 : vector<40x128xf32>
    %mul3A_340 = arith.mulf %div3A_318, %sub3A_259 : vector<40x128xf32>
    %add3A_341 = arith.addf %mul3A_339, %mul3A_340 : vector<40x128xf32>
    %mul3A_342 = arith.mulf %mul3A_319, %sub3A_189 : vector<40x128xf32>
    %mul3A_343 = arith.mulf %div3A_318, %sub3A_262 : vector<40x128xf32>
    %add3A_344 = arith.addf %mul3A_342, %mul3A_343 : vector<40x128xf32>
    %mul3A_345 = arith.mulf %mul3A_319, %sub3A_192 : vector<40x128xf32>
    %mul3A_346 = arith.mulf %div3A_318, %sub3A_265 : vector<40x128xf32>
    %add3A_347 = arith.addf %mul3A_345, %mul3A_346 : vector<40x128xf32>
    %abs3A_348 = math.absf %sub3A_326 : vector<40x128xf32>
    %gt3A_349 = arith.constant 0.000000e+00 : f32
    %gt3A_350 = vector.broadcast %gt3A_349 : f32 to vector<40x128xf32>
    %gt3A_351 = arith.cmpf ogt, %abs3A_348, %gt3A_350 : vector<40x128xf32>
    %select_n3A_352 = arith.select %gt3A_351, %sub3A_326, %broadcast_in_dim3A_4 : vector<40x128xi1>, vector<40x128xf32>
    %sub3A_353 = arith.subf %add3A_250, %sub3A_321 : vector<40x128xf32>
    %mul3A_354 = arith.constant 2.000000e+00 : f32
    %mul3A_355 = vector.broadcast %mul3A_354 : f32 to vector<40x128xf32>
    %mul3A_356 = arith.mulf %mul3A_355, %select_n3A_352 : vector<40x128xf32>
    %div3A_357 = arith.divf %sub3A_353, %mul3A_356 : vector<40x128xf32>
    %sign3A_358 = tpu.bitcast %div3A_357 : vector<40x128xf32> -> vector<40x128xi32>
    %sign3A_359 = arith.constant -2147483648 : i32
    %sign3A_360 = vector.broadcast %sign3A_359 : i32 to vector<40x128xi32>
    %sign3A_361 = arith.andi %sign3A_358, %sign3A_360 : vector<40x128xi32>
    %sign3A_362 = arith.constant 1065353216 : i32
    %sign3A_363 = vector.broadcast %sign3A_362 : i32 to vector<40x128xi32>
    %sign3A_364 = arith.ori %sign3A_363, %sign3A_361 : vector<40x128xi32>
    %sign3A_365 = tpu.bitcast %sign3A_364 : vector<40x128xi32> -> vector<40x128xf32>
    %sign3A_366 = math.absf %div3A_357 : vector<40x128xf32>
    %sign3A_367 = arith.constant 0.000000e+00 : f32
    %sign3A_368 = vector.broadcast %sign3A_367 : f32 to vector<40x128xf32>
    %sign3A_369 = arith.cmpf ogt, %sign3A_366, %sign3A_368 : vector<40x128xf32>
    %sign3A_370 = arith.select %sign3A_369, %sign3A_365, %div3A_357 : vector<40x128xi1>, vector<40x128xf32>
    %abs3A_371 = math.absf %div3A_357 : vector<40x128xf32>
    %mul3A_372 = arith.mulf %div3A_357, %div3A_357 : vector<40x128xf32>
    %add3A_373 = arith.constant 1.000000e+00 : f32
    %add3A_374 = vector.broadcast %add3A_373 : f32 to vector<40x128xf32>
    %add3A_375 = arith.addf %add3A_374, %mul3A_372 : vector<40x128xf32>
    %sqrt3A_376 = math.sqrt %add3A_375 : vector<40x128xf32>
    %add3A_377 = arith.addf %abs3A_371, %sqrt3A_376 : vector<40x128xf32>
    %div3A_378 = arith.divf %sign3A_370, %add3A_377 : vector<40x128xf32>
    %eq3A_379 = arith.constant 0.000000e+00 : f32
    %eq3A_380 = vector.broadcast %eq3A_379 : f32 to vector<40x128xf32>
    %eq3A_381 = arith.cmpf oeq, %div3A_357, %eq3A_380 : vector<40x128xf32>
    %select_n3A_382 = arith.select %eq3A_381, %broadcast_in_dim3A_4, %div3A_378 : vector<40x128xi1>, vector<40x128xf32>
    %select_n3A_383 = arith.select %gt3A_351, %select_n3A_382, %broadcast_in_dim3A_6 : vector<40x128xi1>, vector<40x128xf32>
    %mul3A_384 = arith.mulf %select_n3A_383, %select_n3A_383 : vector<40x128xf32>
    %add3A_385 = arith.constant 1.000000e+00 : f32
    %add3A_386 = vector.broadcast %add3A_385 : f32 to vector<40x128xf32>
    %add3A_387 = arith.addf %add3A_386, %mul3A_384 : vector<40x128xf32>
    %sqrt3A_388 = math.sqrt %add3A_387 : vector<40x128xf32>
    %div3A_389 = arith.constant 1.000000e+00 : f32
    %div3A_390 = vector.broadcast %div3A_389 : f32 to vector<40x128xf32>
    %div3A_391 = arith.divf %div3A_390, %sqrt3A_388 : vector<40x128xf32>
    %mul3A_392 = arith.mulf %select_n3A_383, %div3A_391 : vector<40x128xf32>
    %mul3A_393 = arith.mulf %select_n3A_383, %sub3A_326 : vector<40x128xf32>
    %sub3A_394 = arith.subf %sub3A_321, %mul3A_393 : vector<40x128xf32>
    %mul3A_395 = arith.mulf %select_n3A_383, %sub3A_326 : vector<40x128xf32>
    %add3A_396 = arith.addf %add3A_250, %mul3A_395 : vector<40x128xf32>
    %mul3A_397 = arith.mulf %div3A_391, %broadcast_in_dim3A_6 : vector<40x128xf32>
    %mul3A_398 = arith.mulf %mul3A_392, %add3A_329 : vector<40x128xf32>
    %sub3A_399 = arith.subf %mul3A_397, %mul3A_398 : vector<40x128xf32>
    %mul3A_400 = arith.mulf %mul3A_392, %broadcast_in_dim3A_6 : vector<40x128xf32>
    %mul3A_401 = arith.mulf %div3A_391, %add3A_329 : vector<40x128xf32>
    %add3A_402 = arith.addf %mul3A_400, %mul3A_401 : vector<40x128xf32>
    %mul3A_403 = arith.mulf %div3A_391, %sub3A_332 : vector<40x128xf32>
    %mul3A_404 = arith.mulf %mul3A_392, %add3A_268 : vector<40x128xf32>
    %sub3A_405 = arith.subf %mul3A_403, %mul3A_404 : vector<40x128xf32>
    %mul3A_406 = arith.mulf %div3A_391, %sub3A_335 : vector<40x128xf32>
    %mul3A_407 = arith.mulf %mul3A_392, %add3A_271 : vector<40x128xf32>
    %sub3A_408 = arith.subf %mul3A_406, %mul3A_407 : vector<40x128xf32>
    %mul3A_409 = arith.mulf %div3A_391, %sub3A_338 : vector<40x128xf32>
    %mul3A_410 = arith.mulf %mul3A_392, %add3A_274 : vector<40x128xf32>
    %sub3A_411 = arith.subf %mul3A_409, %mul3A_410 : vector<40x128xf32>
    %mul3A_412 = arith.mulf %mul3A_392, %sub3A_332 : vector<40x128xf32>
    %mul3A_413 = arith.mulf %div3A_391, %add3A_268 : vector<40x128xf32>
    %add3A_414 = arith.addf %mul3A_412, %mul3A_413 : vector<40x128xf32>
    %mul3A_415 = arith.mulf %mul3A_392, %sub3A_335 : vector<40x128xf32>
    %mul3A_416 = arith.mulf %div3A_391, %add3A_271 : vector<40x128xf32>
    %add3A_417 = arith.addf %mul3A_415, %mul3A_416 : vector<40x128xf32>
    %mul3A_418 = arith.mulf %mul3A_392, %sub3A_338 : vector<40x128xf32>
    %mul3A_419 = arith.mulf %div3A_391, %add3A_274 : vector<40x128xf32>
    %add3A_420 = arith.addf %mul3A_418, %mul3A_419 : vector<40x128xf32>
    %abs3A_421 = math.absf %add3A_402 : vector<40x128xf32>
    %gt3A_422 = arith.constant 0.000000e+00 : f32
    %gt3A_423 = vector.broadcast %gt3A_422 : f32 to vector<40x128xf32>
    %gt3A_424 = arith.cmpf ogt, %abs3A_421, %gt3A_423 : vector<40x128xf32>
    %select_n3A_425 = arith.select %gt3A_424, %add3A_402, %broadcast_in_dim3A_4 : vector<40x128xi1>, vector<40x128xf32>
    %sub3A_426 = arith.subf %add3A_396, %add3A_323 : vector<40x128xf32>
    %mul3A_427 = arith.constant 2.000000e+00 : f32
    %mul3A_428 = vector.broadcast %mul3A_427 : f32 to vector<40x128xf32>
    %mul3A_429 = arith.mulf %mul3A_428, %select_n3A_425 : vector<40x128xf32>
    %div3A_430 = arith.divf %sub3A_426, %mul3A_429 : vector<40x128xf32>
    %sign3A_431 = tpu.bitcast %div3A_430 : vector<40x128xf32> -> vector<40x128xi32>
    %sign3A_432 = arith.constant -2147483648 : i32
    %sign3A_433 = vector.broadcast %sign3A_432 : i32 to vector<40x128xi32>
    %sign3A_434 = arith.andi %sign3A_431, %sign3A_433 : vector<40x128xi32>
    %sign3A_435 = arith.constant 1065353216 : i32
    %sign3A_436 = vector.broadcast %sign3A_435 : i32 to vector<40x128xi32>
    %sign3A_437 = arith.ori %sign3A_436, %sign3A_434 : vector<40x128xi32>
    %sign3A_438 = tpu.bitcast %sign3A_437 : vector<40x128xi32> -> vector<40x128xf32>
    %sign3A_439 = math.absf %div3A_430 : vector<40x128xf32>
    %sign3A_440 = arith.constant 0.000000e+00 : f32
    %sign3A_441 = vector.broadcast %sign3A_440 : f32 to vector<40x128xf32>
    %sign3A_442 = arith.cmpf ogt, %sign3A_439, %sign3A_441 : vector<40x128xf32>
    %sign3A_443 = arith.select %sign3A_442, %sign3A_438, %div3A_430 : vector<40x128xi1>, vector<40x128xf32>
    %abs3A_444 = math.absf %div3A_430 : vector<40x128xf32>
    %mul3A_445 = arith.mulf %div3A_430, %div3A_430 : vector<40x128xf32>
    %add3A_446 = arith.constant 1.000000e+00 : f32
    %add3A_447 = vector.broadcast %add3A_446 : f32 to vector<40x128xf32>
    %add3A_448 = arith.addf %add3A_447, %mul3A_445 : vector<40x128xf32>
    %sqrt3A_449 = math.sqrt %add3A_448 : vector<40x128xf32>
    %add3A_450 = arith.addf %abs3A_444, %sqrt3A_449 : vector<40x128xf32>
    %div3A_451 = arith.divf %sign3A_443, %add3A_450 : vector<40x128xf32>
    %eq3A_452 = arith.constant 0.000000e+00 : f32
    %eq3A_453 = vector.broadcast %eq3A_452 : f32 to vector<40x128xf32>
    %eq3A_454 = arith.cmpf oeq, %div3A_430, %eq3A_453 : vector<40x128xf32>
    %select_n3A_455 = arith.select %eq3A_454, %broadcast_in_dim3A_4, %div3A_451 : vector<40x128xi1>, vector<40x128xf32>
    %select_n3A_456 = arith.select %gt3A_424, %select_n3A_455, %broadcast_in_dim3A_6 : vector<40x128xi1>, vector<40x128xf32>
    %mul3A_457 = arith.mulf %select_n3A_456, %select_n3A_456 : vector<40x128xf32>
    %add3A_458 = arith.constant 1.000000e+00 : f32
    %add3A_459 = vector.broadcast %add3A_458 : f32 to vector<40x128xf32>
    %add3A_460 = arith.addf %add3A_459, %mul3A_457 : vector<40x128xf32>
    %sqrt3A_461 = math.sqrt %add3A_460 : vector<40x128xf32>
    %div3A_462 = arith.constant 1.000000e+00 : f32
    %div3A_463 = vector.broadcast %div3A_462 : f32 to vector<40x128xf32>
    %div3A_464 = arith.divf %div3A_463, %sqrt3A_461 : vector<40x128xf32>
    %mul3A_465 = arith.mulf %select_n3A_456, %div3A_464 : vector<40x128xf32>
    %mul3A_466 = arith.mulf %select_n3A_456, %add3A_402 : vector<40x128xf32>
    %sub3A_467 = arith.subf %add3A_323, %mul3A_466 : vector<40x128xf32>
    %mul3A_468 = arith.mulf %select_n3A_456, %add3A_402 : vector<40x128xf32>
    %add3A_469 = arith.addf %add3A_396, %mul3A_468 : vector<40x128xf32>
    %mul3A_470 = arith.mulf %div3A_464, %sub3A_399 : vector<40x128xf32>
    %mul3A_471 = arith.mulf %mul3A_465, %broadcast_in_dim3A_6 : vector<40x128xf32>
    %sub3A_472 = arith.subf %mul3A_470, %mul3A_471 : vector<40x128xf32>
    %mul3A_473 = arith.mulf %mul3A_465, %sub3A_399 : vector<40x128xf32>
    %mul3A_474 = arith.mulf %div3A_464, %broadcast_in_dim3A_6 : vector<40x128xf32>
    %add3A_475 = arith.addf %mul3A_473, %mul3A_474 : vector<40x128xf32>
    %mul3A_476 = arith.mulf %div3A_464, %add3A_341 : vector<40x128xf32>
    %mul3A_477 = arith.mulf %mul3A_465, %add3A_414 : vector<40x128xf32>
    %sub3A_478 = arith.subf %mul3A_476, %mul3A_477 : vector<40x128xf32>
    %mul3A_479 = arith.mulf %div3A_464, %add3A_344 : vector<40x128xf32>
    %mul3A_480 = arith.mulf %mul3A_465, %add3A_417 : vector<40x128xf32>
    %sub3A_481 = arith.subf %mul3A_479, %mul3A_480 : vector<40x128xf32>
    %mul3A_482 = arith.mulf %div3A_464, %add3A_347 : vector<40x128xf32>
    %mul3A_483 = arith.mulf %mul3A_465, %add3A_420 : vector<40x128xf32>
    %sub3A_484 = arith.subf %mul3A_482, %mul3A_483 : vector<40x128xf32>
    %mul3A_485 = arith.mulf %mul3A_465, %add3A_341 : vector<40x128xf32>
    %mul3A_486 = arith.mulf %div3A_464, %add3A_414 : vector<40x128xf32>
    %add3A_487 = arith.addf %mul3A_485, %mul3A_486 : vector<40x128xf32>
    %mul3A_488 = arith.mulf %mul3A_465, %add3A_344 : vector<40x128xf32>
    %mul3A_489 = arith.mulf %div3A_464, %add3A_417 : vector<40x128xf32>
    %add3A_490 = arith.addf %mul3A_488, %mul3A_489 : vector<40x128xf32>
    %mul3A_491 = arith.mulf %mul3A_465, %add3A_347 : vector<40x128xf32>
    %mul3A_492 = arith.mulf %div3A_464, %add3A_420 : vector<40x128xf32>
    %add3A_493 = arith.addf %mul3A_491, %mul3A_492 : vector<40x128xf32>
    %abs3A_494 = math.absf %sub3A_472 : vector<40x128xf32>
    %gt3A_495 = arith.constant 0.000000e+00 : f32
    %gt3A_496 = vector.broadcast %gt3A_495 : f32 to vector<40x128xf32>
    %gt3A_497 = arith.cmpf ogt, %abs3A_494, %gt3A_496 : vector<40x128xf32>
    %select_n3A_498 = arith.select %gt3A_497, %sub3A_472, %broadcast_in_dim3A_4 : vector<40x128xi1>, vector<40x128xf32>
    %sub3A_499 = arith.subf %sub3A_467, %sub3A_394 : vector<40x128xf32>
    %mul3A_500 = arith.constant 2.000000e+00 : f32
    %mul3A_501 = vector.broadcast %mul3A_500 : f32 to vector<40x128xf32>
    %mul3A_502 = arith.mulf %mul3A_501, %select_n3A_498 : vector<40x128xf32>
    %div3A_503 = arith.divf %sub3A_499, %mul3A_502 : vector<40x128xf32>
    %sign3A_504 = tpu.bitcast %div3A_503 : vector<40x128xf32> -> vector<40x128xi32>
    %sign3A_505 = arith.constant -2147483648 : i32
    %sign3A_506 = vector.broadcast %sign3A_505 : i32 to vector<40x128xi32>
    %sign3A_507 = arith.andi %sign3A_504, %sign3A_506 : vector<40x128xi32>
    %sign3A_508 = arith.constant 1065353216 : i32
    %sign3A_509 = vector.broadcast %sign3A_508 : i32 to vector<40x128xi32>
    %sign3A_510 = arith.ori %sign3A_509, %sign3A_507 : vector<40x128xi32>
    %sign3A_511 = tpu.bitcast %sign3A_510 : vector<40x128xi32> -> vector<40x128xf32>
    %sign3A_512 = math.absf %div3A_503 : vector<40x128xf32>
    %sign3A_513 = arith.constant 0.000000e+00 : f32
    %sign3A_514 = vector.broadcast %sign3A_513 : f32 to vector<40x128xf32>
    %sign3A_515 = arith.cmpf ogt, %sign3A_512, %sign3A_514 : vector<40x128xf32>
    %sign3A_516 = arith.select %sign3A_515, %sign3A_511, %div3A_503 : vector<40x128xi1>, vector<40x128xf32>
    %abs3A_517 = math.absf %div3A_503 : vector<40x128xf32>
    %mul3A_518 = arith.mulf %div3A_503, %div3A_503 : vector<40x128xf32>
    %add3A_519 = arith.constant 1.000000e+00 : f32
    %add3A_520 = vector.broadcast %add3A_519 : f32 to vector<40x128xf32>
    %add3A_521 = arith.addf %add3A_520, %mul3A_518 : vector<40x128xf32>
    %sqrt3A_522 = math.sqrt %add3A_521 : vector<40x128xf32>
    %add3A_523 = arith.addf %abs3A_517, %sqrt3A_522 : vector<40x128xf32>
    %div3A_524 = arith.divf %sign3A_516, %add3A_523 : vector<40x128xf32>
    %eq3A_525 = arith.constant 0.000000e+00 : f32
    %eq3A_526 = vector.broadcast %eq3A_525 : f32 to vector<40x128xf32>
    %eq3A_527 = arith.cmpf oeq, %div3A_503, %eq3A_526 : vector<40x128xf32>
    %select_n3A_528 = arith.select %eq3A_527, %broadcast_in_dim3A_4, %div3A_524 : vector<40x128xi1>, vector<40x128xf32>
    %select_n3A_529 = arith.select %gt3A_497, %select_n3A_528, %broadcast_in_dim3A_6 : vector<40x128xi1>, vector<40x128xf32>
    %mul3A_530 = arith.mulf %select_n3A_529, %select_n3A_529 : vector<40x128xf32>
    %add3A_531 = arith.constant 1.000000e+00 : f32
    %add3A_532 = vector.broadcast %add3A_531 : f32 to vector<40x128xf32>
    %add3A_533 = arith.addf %add3A_532, %mul3A_530 : vector<40x128xf32>
    %sqrt3A_534 = math.sqrt %add3A_533 : vector<40x128xf32>
    %div3A_535 = arith.constant 1.000000e+00 : f32
    %div3A_536 = vector.broadcast %div3A_535 : f32 to vector<40x128xf32>
    %div3A_537 = arith.divf %div3A_536, %sqrt3A_534 : vector<40x128xf32>
    %mul3A_538 = arith.mulf %select_n3A_529, %div3A_537 : vector<40x128xf32>
    %mul3A_539 = arith.mulf %select_n3A_529, %sub3A_472 : vector<40x128xf32>
    %sub3A_540 = arith.subf %sub3A_394, %mul3A_539 : vector<40x128xf32>
    %mul3A_541 = arith.mulf %select_n3A_529, %sub3A_472 : vector<40x128xf32>
    %add3A_542 = arith.addf %sub3A_467, %mul3A_541 : vector<40x128xf32>
    %mul3A_543 = arith.mulf %div3A_537, %add3A_475 : vector<40x128xf32>
    %mul3A_544 = arith.mulf %mul3A_538, %broadcast_in_dim3A_6 : vector<40x128xf32>
    %sub3A_545 = arith.subf %mul3A_543, %mul3A_544 : vector<40x128xf32>
    %mul3A_546 = arith.mulf %mul3A_538, %add3A_475 : vector<40x128xf32>
    %mul3A_547 = arith.mulf %div3A_537, %broadcast_in_dim3A_6 : vector<40x128xf32>
    %add3A_548 = arith.addf %mul3A_546, %mul3A_547 : vector<40x128xf32>
    %mul3A_549 = arith.mulf %div3A_537, %sub3A_405 : vector<40x128xf32>
    %mul3A_550 = arith.mulf %mul3A_538, %sub3A_478 : vector<40x128xf32>
    %sub3A_551 = arith.subf %mul3A_549, %mul3A_550 : vector<40x128xf32>
    %mul3A_552 = arith.mulf %div3A_537, %sub3A_408 : vector<40x128xf32>
    %mul3A_553 = arith.mulf %mul3A_538, %sub3A_481 : vector<40x128xf32>
    %sub3A_554 = arith.subf %mul3A_552, %mul3A_553 : vector<40x128xf32>
    %mul3A_555 = arith.mulf %div3A_537, %sub3A_411 : vector<40x128xf32>
    %mul3A_556 = arith.mulf %mul3A_538, %sub3A_484 : vector<40x128xf32>
    %sub3A_557 = arith.subf %mul3A_555, %mul3A_556 : vector<40x128xf32>
    %mul3A_558 = arith.mulf %mul3A_538, %sub3A_405 : vector<40x128xf32>
    %mul3A_559 = arith.mulf %div3A_537, %sub3A_478 : vector<40x128xf32>
    %add3A_560 = arith.addf %mul3A_558, %mul3A_559 : vector<40x128xf32>
    %mul3A_561 = arith.mulf %mul3A_538, %sub3A_408 : vector<40x128xf32>
    %mul3A_562 = arith.mulf %div3A_537, %sub3A_481 : vector<40x128xf32>
    %add3A_563 = arith.addf %mul3A_561, %mul3A_562 : vector<40x128xf32>
    %mul3A_564 = arith.mulf %mul3A_538, %sub3A_411 : vector<40x128xf32>
    %mul3A_565 = arith.mulf %div3A_537, %sub3A_484 : vector<40x128xf32>
    %add3A_566 = arith.addf %mul3A_564, %mul3A_565 : vector<40x128xf32>
    %abs3A_567 = math.absf %sub3A_545 : vector<40x128xf32>
    %gt3A_568 = arith.constant 0.000000e+00 : f32
    %gt3A_569 = vector.broadcast %gt3A_568 : f32 to vector<40x128xf32>
    %gt3A_570 = arith.cmpf ogt, %abs3A_567, %gt3A_569 : vector<40x128xf32>
    %select_n3A_571 = arith.select %gt3A_570, %sub3A_545, %broadcast_in_dim3A_4 : vector<40x128xi1>, vector<40x128xf32>
    %sub3A_572 = arith.subf %add3A_469, %sub3A_540 : vector<40x128xf32>
    %mul3A_573 = arith.constant 2.000000e+00 : f32
    %mul3A_574 = vector.broadcast %mul3A_573 : f32 to vector<40x128xf32>
    %mul3A_575 = arith.mulf %mul3A_574, %select_n3A_571 : vector<40x128xf32>
    %div3A_576 = arith.divf %sub3A_572, %mul3A_575 : vector<40x128xf32>
    %sign3A_577 = tpu.bitcast %div3A_576 : vector<40x128xf32> -> vector<40x128xi32>
    %sign3A_578 = arith.constant -2147483648 : i32
    %sign3A_579 = vector.broadcast %sign3A_578 : i32 to vector<40x128xi32>
    %sign3A_580 = arith.andi %sign3A_577, %sign3A_579 : vector<40x128xi32>
    %sign3A_581 = arith.constant 1065353216 : i32
    %sign3A_582 = vector.broadcast %sign3A_581 : i32 to vector<40x128xi32>
    %sign3A_583 = arith.ori %sign3A_582, %sign3A_580 : vector<40x128xi32>
    %sign3A_584 = tpu.bitcast %sign3A_583 : vector<40x128xi32> -> vector<40x128xf32>
    %sign3A_585 = math.absf %div3A_576 : vector<40x128xf32>
    %sign3A_586 = arith.constant 0.000000e+00 : f32
    %sign3A_587 = vector.broadcast %sign3A_586 : f32 to vector<40x128xf32>
    %sign3A_588 = arith.cmpf ogt, %sign3A_585, %sign3A_587 : vector<40x128xf32>
    %sign3A_589 = arith.select %sign3A_588, %sign3A_584, %div3A_576 : vector<40x128xi1>, vector<40x128xf32>
    %abs3A_590 = math.absf %div3A_576 : vector<40x128xf32>
    %mul3A_591 = arith.mulf %div3A_576, %div3A_576 : vector<40x128xf32>
    %add3A_592 = arith.constant 1.000000e+00 : f32
    %add3A_593 = vector.broadcast %add3A_592 : f32 to vector<40x128xf32>
    %add3A_594 = arith.addf %add3A_593, %mul3A_591 : vector<40x128xf32>
    %sqrt3A_595 = math.sqrt %add3A_594 : vector<40x128xf32>
    %add3A_596 = arith.addf %abs3A_590, %sqrt3A_595 : vector<40x128xf32>
    %div3A_597 = arith.divf %sign3A_589, %add3A_596 : vector<40x128xf32>
    %eq3A_598 = arith.constant 0.000000e+00 : f32
    %eq3A_599 = vector.broadcast %eq3A_598 : f32 to vector<40x128xf32>
    %eq3A_600 = arith.cmpf oeq, %div3A_576, %eq3A_599 : vector<40x128xf32>
    %select_n3A_601 = arith.select %eq3A_600, %broadcast_in_dim3A_4, %div3A_597 : vector<40x128xi1>, vector<40x128xf32>
    %select_n3A_602 = arith.select %gt3A_570, %select_n3A_601, %broadcast_in_dim3A_6 : vector<40x128xi1>, vector<40x128xf32>
    %mul3A_603 = arith.mulf %select_n3A_602, %select_n3A_602 : vector<40x128xf32>
    %add3A_604 = arith.constant 1.000000e+00 : f32
    %add3A_605 = vector.broadcast %add3A_604 : f32 to vector<40x128xf32>
    %add3A_606 = arith.addf %add3A_605, %mul3A_603 : vector<40x128xf32>
    %sqrt3A_607 = math.sqrt %add3A_606 : vector<40x128xf32>
    %div3A_608 = arith.constant 1.000000e+00 : f32
    %div3A_609 = vector.broadcast %div3A_608 : f32 to vector<40x128xf32>
    %div3A_610 = arith.divf %div3A_609, %sqrt3A_607 : vector<40x128xf32>
    %mul3A_611 = arith.mulf %select_n3A_602, %div3A_610 : vector<40x128xf32>
    %mul3A_612 = arith.mulf %select_n3A_602, %sub3A_545 : vector<40x128xf32>
    %sub3A_613 = arith.subf %sub3A_540, %mul3A_612 : vector<40x128xf32>
    %mul3A_614 = arith.mulf %select_n3A_602, %sub3A_545 : vector<40x128xf32>
    %add3A_615 = arith.addf %add3A_469, %mul3A_614 : vector<40x128xf32>
    %mul3A_616 = arith.mulf %div3A_610, %broadcast_in_dim3A_6 : vector<40x128xf32>
    %mul3A_617 = arith.mulf %mul3A_611, %add3A_548 : vector<40x128xf32>
    %sub3A_618 = arith.subf %mul3A_616, %mul3A_617 : vector<40x128xf32>
    %mul3A_619 = arith.mulf %mul3A_611, %broadcast_in_dim3A_6 : vector<40x128xf32>
    %mul3A_620 = arith.mulf %div3A_610, %add3A_548 : vector<40x128xf32>
    %add3A_621 = arith.addf %mul3A_619, %mul3A_620 : vector<40x128xf32>
    %mul3A_622 = arith.mulf %div3A_610, %sub3A_551 : vector<40x128xf32>
    %mul3A_623 = arith.mulf %mul3A_611, %add3A_487 : vector<40x128xf32>
    %sub3A_624 = arith.subf %mul3A_622, %mul3A_623 : vector<40x128xf32>
    %mul3A_625 = arith.mulf %div3A_610, %sub3A_554 : vector<40x128xf32>
    %mul3A_626 = arith.mulf %mul3A_611, %add3A_490 : vector<40x128xf32>
    %sub3A_627 = arith.subf %mul3A_625, %mul3A_626 : vector<40x128xf32>
    %mul3A_628 = arith.mulf %div3A_610, %sub3A_557 : vector<40x128xf32>
    %mul3A_629 = arith.mulf %mul3A_611, %add3A_493 : vector<40x128xf32>
    %sub3A_630 = arith.subf %mul3A_628, %mul3A_629 : vector<40x128xf32>
    %mul3A_631 = arith.mulf %mul3A_611, %sub3A_551 : vector<40x128xf32>
    %mul3A_632 = arith.mulf %div3A_610, %add3A_487 : vector<40x128xf32>
    %add3A_633 = arith.addf %mul3A_631, %mul3A_632 : vector<40x128xf32>
    %mul3A_634 = arith.mulf %mul3A_611, %sub3A_554 : vector<40x128xf32>
    %mul3A_635 = arith.mulf %div3A_610, %add3A_490 : vector<40x128xf32>
    %add3A_636 = arith.addf %mul3A_634, %mul3A_635 : vector<40x128xf32>
    %mul3A_637 = arith.mulf %mul3A_611, %sub3A_557 : vector<40x128xf32>
    %mul3A_638 = arith.mulf %div3A_610, %add3A_493 : vector<40x128xf32>
    %add3A_639 = arith.addf %mul3A_637, %mul3A_638 : vector<40x128xf32>
    %abs3A_640 = math.absf %add3A_621 : vector<40x128xf32>
    %gt3A_641 = arith.constant 0.000000e+00 : f32
    %gt3A_642 = vector.broadcast %gt3A_641 : f32 to vector<40x128xf32>
    %gt3A_643 = arith.cmpf ogt, %abs3A_640, %gt3A_642 : vector<40x128xf32>
    %select_n3A_644 = arith.select %gt3A_643, %add3A_621, %broadcast_in_dim3A_4 : vector<40x128xi1>, vector<40x128xf32>
    %sub3A_645 = arith.subf %add3A_615, %add3A_542 : vector<40x128xf32>
    %mul3A_646 = arith.constant 2.000000e+00 : f32
    %mul3A_647 = vector.broadcast %mul3A_646 : f32 to vector<40x128xf32>
    %mul3A_648 = arith.mulf %mul3A_647, %select_n3A_644 : vector<40x128xf32>
    %div3A_649 = arith.divf %sub3A_645, %mul3A_648 : vector<40x128xf32>
    %sign3A_650 = tpu.bitcast %div3A_649 : vector<40x128xf32> -> vector<40x128xi32>
    %sign3A_651 = arith.constant -2147483648 : i32
    %sign3A_652 = vector.broadcast %sign3A_651 : i32 to vector<40x128xi32>
    %sign3A_653 = arith.andi %sign3A_650, %sign3A_652 : vector<40x128xi32>
    %sign3A_654 = arith.constant 1065353216 : i32
    %sign3A_655 = vector.broadcast %sign3A_654 : i32 to vector<40x128xi32>
    %sign3A_656 = arith.ori %sign3A_655, %sign3A_653 : vector<40x128xi32>
    %sign3A_657 = tpu.bitcast %sign3A_656 : vector<40x128xi32> -> vector<40x128xf32>
    %sign3A_658 = math.absf %div3A_649 : vector<40x128xf32>
    %sign3A_659 = arith.constant 0.000000e+00 : f32
    %sign3A_660 = vector.broadcast %sign3A_659 : f32 to vector<40x128xf32>
    %sign3A_661 = arith.cmpf ogt, %sign3A_658, %sign3A_660 : vector<40x128xf32>
    %sign3A_662 = arith.select %sign3A_661, %sign3A_657, %div3A_649 : vector<40x128xi1>, vector<40x128xf32>
    %abs3A_663 = math.absf %div3A_649 : vector<40x128xf32>
    %mul3A_664 = arith.mulf %div3A_649, %div3A_649 : vector<40x128xf32>
    %add3A_665 = arith.constant 1.000000e+00 : f32
    %add3A_666 = vector.broadcast %add3A_665 : f32 to vector<40x128xf32>
    %add3A_667 = arith.addf %add3A_666, %mul3A_664 : vector<40x128xf32>
    %sqrt3A_668 = math.sqrt %add3A_667 : vector<40x128xf32>
    %add3A_669 = arith.addf %abs3A_663, %sqrt3A_668 : vector<40x128xf32>
    %div3A_670 = arith.divf %sign3A_662, %add3A_669 : vector<40x128xf32>
    %eq3A_671 = arith.constant 0.000000e+00 : f32
    %eq3A_672 = vector.broadcast %eq3A_671 : f32 to vector<40x128xf32>
    %eq3A_673 = arith.cmpf oeq, %div3A_649, %eq3A_672 : vector<40x128xf32>
    %select_n3A_674 = arith.select %eq3A_673, %broadcast_in_dim3A_4, %div3A_670 : vector<40x128xi1>, vector<40x128xf32>
    %select_n3A_675 = arith.select %gt3A_643, %select_n3A_674, %broadcast_in_dim3A_6 : vector<40x128xi1>, vector<40x128xf32>
    %mul3A_676 = arith.mulf %select_n3A_675, %select_n3A_675 : vector<40x128xf32>
    %add3A_677 = arith.constant 1.000000e+00 : f32
    %add3A_678 = vector.broadcast %add3A_677 : f32 to vector<40x128xf32>
    %add3A_679 = arith.addf %add3A_678, %mul3A_676 : vector<40x128xf32>
    %sqrt3A_680 = math.sqrt %add3A_679 : vector<40x128xf32>
    %div3A_681 = arith.constant 1.000000e+00 : f32
    %div3A_682 = vector.broadcast %div3A_681 : f32 to vector<40x128xf32>
    %div3A_683 = arith.divf %div3A_682, %sqrt3A_680 : vector<40x128xf32>
    %mul3A_684 = arith.mulf %select_n3A_675, %div3A_683 : vector<40x128xf32>
    %mul3A_685 = arith.mulf %select_n3A_675, %add3A_621 : vector<40x128xf32>
    %sub3A_686 = arith.subf %add3A_542, %mul3A_685 : vector<40x128xf32>
    %mul3A_687 = arith.mulf %select_n3A_675, %add3A_621 : vector<40x128xf32>
    %add3A_688 = arith.addf %add3A_615, %mul3A_687 : vector<40x128xf32>
    %mul3A_689 = arith.mulf %div3A_683, %sub3A_618 : vector<40x128xf32>
    %mul3A_690 = arith.mulf %mul3A_684, %broadcast_in_dim3A_6 : vector<40x128xf32>
    %sub3A_691 = arith.subf %mul3A_689, %mul3A_690 : vector<40x128xf32>
    %mul3A_692 = arith.mulf %mul3A_684, %sub3A_618 : vector<40x128xf32>
    %mul3A_693 = arith.mulf %div3A_683, %broadcast_in_dim3A_6 : vector<40x128xf32>
    %add3A_694 = arith.addf %mul3A_692, %mul3A_693 : vector<40x128xf32>
    %mul3A_695 = arith.mulf %div3A_683, %add3A_560 : vector<40x128xf32>
    %mul3A_696 = arith.mulf %mul3A_684, %add3A_633 : vector<40x128xf32>
    %sub3A_697 = arith.subf %mul3A_695, %mul3A_696 : vector<40x128xf32>
    %mul3A_698 = arith.mulf %div3A_683, %add3A_563 : vector<40x128xf32>
    %mul3A_699 = arith.mulf %mul3A_684, %add3A_636 : vector<40x128xf32>
    %sub3A_700 = arith.subf %mul3A_698, %mul3A_699 : vector<40x128xf32>
    %mul3A_701 = arith.mulf %div3A_683, %add3A_566 : vector<40x128xf32>
    %mul3A_702 = arith.mulf %mul3A_684, %add3A_639 : vector<40x128xf32>
    %sub3A_703 = arith.subf %mul3A_701, %mul3A_702 : vector<40x128xf32>
    %mul3A_704 = arith.mulf %mul3A_684, %add3A_560 : vector<40x128xf32>
    %mul3A_705 = arith.mulf %div3A_683, %add3A_633 : vector<40x128xf32>
    %add3A_706 = arith.addf %mul3A_704, %mul3A_705 : vector<40x128xf32>
    %mul3A_707 = arith.mulf %mul3A_684, %add3A_563 : vector<40x128xf32>
    %mul3A_708 = arith.mulf %div3A_683, %add3A_636 : vector<40x128xf32>
    %add3A_709 = arith.addf %mul3A_707, %mul3A_708 : vector<40x128xf32>
    %mul3A_710 = arith.mulf %mul3A_684, %add3A_566 : vector<40x128xf32>
    %mul3A_711 = arith.mulf %div3A_683, %add3A_639 : vector<40x128xf32>
    %add3A_712 = arith.addf %mul3A_710, %mul3A_711 : vector<40x128xf32>
    %abs3A_713 = math.absf %sub3A_691 : vector<40x128xf32>
    %gt3A_714 = arith.constant 0.000000e+00 : f32
    %gt3A_715 = vector.broadcast %gt3A_714 : f32 to vector<40x128xf32>
    %gt3A_716 = arith.cmpf ogt, %abs3A_713, %gt3A_715 : vector<40x128xf32>
    %select_n3A_717 = arith.select %gt3A_716, %sub3A_691, %broadcast_in_dim3A_4 : vector<40x128xi1>, vector<40x128xf32>
    %sub3A_718 = arith.subf %sub3A_686, %sub3A_613 : vector<40x128xf32>
    %mul3A_719 = arith.constant 2.000000e+00 : f32
    %mul3A_720 = vector.broadcast %mul3A_719 : f32 to vector<40x128xf32>
    %mul3A_721 = arith.mulf %mul3A_720, %select_n3A_717 : vector<40x128xf32>
    %div3A_722 = arith.divf %sub3A_718, %mul3A_721 : vector<40x128xf32>
    %sign3A_723 = tpu.bitcast %div3A_722 : vector<40x128xf32> -> vector<40x128xi32>
    %sign3A_724 = arith.constant -2147483648 : i32
    %sign3A_725 = vector.broadcast %sign3A_724 : i32 to vector<40x128xi32>
    %sign3A_726 = arith.andi %sign3A_723, %sign3A_725 : vector<40x128xi32>
    %sign3A_727 = arith.constant 1065353216 : i32
    %sign3A_728 = vector.broadcast %sign3A_727 : i32 to vector<40x128xi32>
    %sign3A_729 = arith.ori %sign3A_728, %sign3A_726 : vector<40x128xi32>
    %sign3A_730 = tpu.bitcast %sign3A_729 : vector<40x128xi32> -> vector<40x128xf32>
    %sign3A_731 = math.absf %div3A_722 : vector<40x128xf32>
    %sign3A_732 = arith.constant 0.000000e+00 : f32
    %sign3A_733 = vector.broadcast %sign3A_732 : f32 to vector<40x128xf32>
    %sign3A_734 = arith.cmpf ogt, %sign3A_731, %sign3A_733 : vector<40x128xf32>
    %sign3A_735 = arith.select %sign3A_734, %sign3A_730, %div3A_722 : vector<40x128xi1>, vector<40x128xf32>
    %abs3A_736 = math.absf %div3A_722 : vector<40x128xf32>
    %mul3A_737 = arith.mulf %div3A_722, %div3A_722 : vector<40x128xf32>
    %add3A_738 = arith.constant 1.000000e+00 : f32
    %add3A_739 = vector.broadcast %add3A_738 : f32 to vector<40x128xf32>
    %add3A_740 = arith.addf %add3A_739, %mul3A_737 : vector<40x128xf32>
    %sqrt3A_741 = math.sqrt %add3A_740 : vector<40x128xf32>
    %add3A_742 = arith.addf %abs3A_736, %sqrt3A_741 : vector<40x128xf32>
    %div3A_743 = arith.divf %sign3A_735, %add3A_742 : vector<40x128xf32>
    %eq3A_744 = arith.constant 0.000000e+00 : f32
    %eq3A_745 = vector.broadcast %eq3A_744 : f32 to vector<40x128xf32>
    %eq3A_746 = arith.cmpf oeq, %div3A_722, %eq3A_745 : vector<40x128xf32>
    %select_n3A_747 = arith.select %eq3A_746, %broadcast_in_dim3A_4, %div3A_743 : vector<40x128xi1>, vector<40x128xf32>
    %select_n3A_748 = arith.select %gt3A_716, %select_n3A_747, %broadcast_in_dim3A_6 : vector<40x128xi1>, vector<40x128xf32>
    %mul3A_749 = arith.mulf %select_n3A_748, %select_n3A_748 : vector<40x128xf32>
    %add3A_750 = arith.constant 1.000000e+00 : f32
    %add3A_751 = vector.broadcast %add3A_750 : f32 to vector<40x128xf32>
    %add3A_752 = arith.addf %add3A_751, %mul3A_749 : vector<40x128xf32>
    %sqrt3A_753 = math.sqrt %add3A_752 : vector<40x128xf32>
    %div3A_754 = arith.constant 1.000000e+00 : f32
    %div3A_755 = vector.broadcast %div3A_754 : f32 to vector<40x128xf32>
    %div3A_756 = arith.divf %div3A_755, %sqrt3A_753 : vector<40x128xf32>
    %mul3A_757 = arith.mulf %select_n3A_748, %div3A_756 : vector<40x128xf32>
    %mul3A_758 = arith.mulf %select_n3A_748, %sub3A_691 : vector<40x128xf32>
    %sub3A_759 = arith.subf %sub3A_613, %mul3A_758 : vector<40x128xf32>
    %mul3A_760 = arith.mulf %select_n3A_748, %sub3A_691 : vector<40x128xf32>
    %add3A_761 = arith.addf %sub3A_686, %mul3A_760 : vector<40x128xf32>
    %mul3A_762 = arith.mulf %div3A_756, %add3A_694 : vector<40x128xf32>
    %mul3A_763 = arith.mulf %mul3A_757, %broadcast_in_dim3A_6 : vector<40x128xf32>
    %sub3A_764 = arith.subf %mul3A_762, %mul3A_763 : vector<40x128xf32>
    %mul3A_765 = arith.mulf %mul3A_757, %add3A_694 : vector<40x128xf32>
    %mul3A_766 = arith.mulf %div3A_756, %broadcast_in_dim3A_6 : vector<40x128xf32>
    %add3A_767 = arith.addf %mul3A_765, %mul3A_766 : vector<40x128xf32>
    %mul3A_768 = arith.mulf %div3A_756, %sub3A_624 : vector<40x128xf32>
    %mul3A_769 = arith.mulf %mul3A_757, %sub3A_697 : vector<40x128xf32>
    %sub3A_770 = arith.subf %mul3A_768, %mul3A_769 : vector<40x128xf32>
    %mul3A_771 = arith.mulf %div3A_756, %sub3A_627 : vector<40x128xf32>
    %mul3A_772 = arith.mulf %mul3A_757, %sub3A_700 : vector<40x128xf32>
    %sub3A_773 = arith.subf %mul3A_771, %mul3A_772 : vector<40x128xf32>
    %mul3A_774 = arith.mulf %div3A_756, %sub3A_630 : vector<40x128xf32>
    %mul3A_775 = arith.mulf %mul3A_757, %sub3A_703 : vector<40x128xf32>
    %sub3A_776 = arith.subf %mul3A_774, %mul3A_775 : vector<40x128xf32>
    %mul3A_777 = arith.mulf %mul3A_757, %sub3A_624 : vector<40x128xf32>
    %mul3A_778 = arith.mulf %div3A_756, %sub3A_697 : vector<40x128xf32>
    %add3A_779 = arith.addf %mul3A_777, %mul3A_778 : vector<40x128xf32>
    %mul3A_780 = arith.mulf %mul3A_757, %sub3A_627 : vector<40x128xf32>
    %mul3A_781 = arith.mulf %div3A_756, %sub3A_700 : vector<40x128xf32>
    %add3A_782 = arith.addf %mul3A_780, %mul3A_781 : vector<40x128xf32>
    %mul3A_783 = arith.mulf %mul3A_757, %sub3A_630 : vector<40x128xf32>
    %mul3A_784 = arith.mulf %div3A_756, %sub3A_703 : vector<40x128xf32>
    %add3A_785 = arith.addf %mul3A_783, %mul3A_784 : vector<40x128xf32>
    %abs3A_786 = math.absf %sub3A_764 : vector<40x128xf32>
    %gt3A_787 = arith.constant 0.000000e+00 : f32
    %gt3A_788 = vector.broadcast %gt3A_787 : f32 to vector<40x128xf32>
    %gt3A_789 = arith.cmpf ogt, %abs3A_786, %gt3A_788 : vector<40x128xf32>
    %select_n3A_790 = arith.select %gt3A_789, %sub3A_764, %broadcast_in_dim3A_4 : vector<40x128xi1>, vector<40x128xf32>
    %sub3A_791 = arith.subf %add3A_688, %sub3A_759 : vector<40x128xf32>
    %mul3A_792 = arith.constant 2.000000e+00 : f32
    %mul3A_793 = vector.broadcast %mul3A_792 : f32 to vector<40x128xf32>
    %mul3A_794 = arith.mulf %mul3A_793, %select_n3A_790 : vector<40x128xf32>
    %div3A_795 = arith.divf %sub3A_791, %mul3A_794 : vector<40x128xf32>
    %sign3A_796 = tpu.bitcast %div3A_795 : vector<40x128xf32> -> vector<40x128xi32>
    %sign3A_797 = arith.constant -2147483648 : i32
    %sign3A_798 = vector.broadcast %sign3A_797 : i32 to vector<40x128xi32>
    %sign3A_799 = arith.andi %sign3A_796, %sign3A_798 : vector<40x128xi32>
    %sign3A_800 = arith.constant 1065353216 : i32
    %sign3A_801 = vector.broadcast %sign3A_800 : i32 to vector<40x128xi32>
    %sign3A_802 = arith.ori %sign3A_801, %sign3A_799 : vector<40x128xi32>
    %sign3A_803 = tpu.bitcast %sign3A_802 : vector<40x128xi32> -> vector<40x128xf32>
    %sign3A_804 = math.absf %div3A_795 : vector<40x128xf32>
    %sign3A_805 = arith.constant 0.000000e+00 : f32
    %sign3A_806 = vector.broadcast %sign3A_805 : f32 to vector<40x128xf32>
    %sign3A_807 = arith.cmpf ogt, %sign3A_804, %sign3A_806 : vector<40x128xf32>
    %sign3A_808 = arith.select %sign3A_807, %sign3A_803, %div3A_795 : vector<40x128xi1>, vector<40x128xf32>
    %abs3A_809 = math.absf %div3A_795 : vector<40x128xf32>
    %mul3A_810 = arith.mulf %div3A_795, %div3A_795 : vector<40x128xf32>
    %add3A_811 = arith.constant 1.000000e+00 : f32
    %add3A_812 = vector.broadcast %add3A_811 : f32 to vector<40x128xf32>
    %add3A_813 = arith.addf %add3A_812, %mul3A_810 : vector<40x128xf32>
    %sqrt3A_814 = math.sqrt %add3A_813 : vector<40x128xf32>
    %add3A_815 = arith.addf %abs3A_809, %sqrt3A_814 : vector<40x128xf32>
    %div3A_816 = arith.divf %sign3A_808, %add3A_815 : vector<40x128xf32>
    %eq3A_817 = arith.constant 0.000000e+00 : f32
    %eq3A_818 = vector.broadcast %eq3A_817 : f32 to vector<40x128xf32>
    %eq3A_819 = arith.cmpf oeq, %div3A_795, %eq3A_818 : vector<40x128xf32>
    %select_n3A_820 = arith.select %eq3A_819, %broadcast_in_dim3A_4, %div3A_816 : vector<40x128xi1>, vector<40x128xf32>
    %select_n3A_821 = arith.select %gt3A_789, %select_n3A_820, %broadcast_in_dim3A_6 : vector<40x128xi1>, vector<40x128xf32>
    %mul3A_822 = arith.mulf %select_n3A_821, %select_n3A_821 : vector<40x128xf32>
    %add3A_823 = arith.constant 1.000000e+00 : f32
    %add3A_824 = vector.broadcast %add3A_823 : f32 to vector<40x128xf32>
    %add3A_825 = arith.addf %add3A_824, %mul3A_822 : vector<40x128xf32>
    %sqrt3A_826 = math.sqrt %add3A_825 : vector<40x128xf32>
    %div3A_827 = arith.constant 1.000000e+00 : f32
    %div3A_828 = vector.broadcast %div3A_827 : f32 to vector<40x128xf32>
    %div3A_829 = arith.divf %div3A_828, %sqrt3A_826 : vector<40x128xf32>
    %mul3A_830 = arith.mulf %select_n3A_821, %div3A_829 : vector<40x128xf32>
    %mul3A_831 = arith.mulf %select_n3A_821, %sub3A_764 : vector<40x128xf32>
    %sub3A_832 = arith.subf %sub3A_759, %mul3A_831 : vector<40x128xf32>
    %mul3A_833 = arith.mulf %select_n3A_821, %sub3A_764 : vector<40x128xf32>
    %add3A_834 = arith.addf %add3A_688, %mul3A_833 : vector<40x128xf32>
    %mul3A_835 = arith.mulf %div3A_829, %broadcast_in_dim3A_6 : vector<40x128xf32>
    %mul3A_836 = arith.mulf %mul3A_830, %add3A_767 : vector<40x128xf32>
    %sub3A_837 = arith.subf %mul3A_835, %mul3A_836 : vector<40x128xf32>
    %mul3A_838 = arith.mulf %mul3A_830, %broadcast_in_dim3A_6 : vector<40x128xf32>
    %mul3A_839 = arith.mulf %div3A_829, %add3A_767 : vector<40x128xf32>
    %add3A_840 = arith.addf %mul3A_838, %mul3A_839 : vector<40x128xf32>
    %mul3A_841 = arith.mulf %div3A_829, %sub3A_770 : vector<40x128xf32>
    %mul3A_842 = arith.mulf %mul3A_830, %add3A_706 : vector<40x128xf32>
    %sub3A_843 = arith.subf %mul3A_841, %mul3A_842 : vector<40x128xf32>
    %mul3A_844 = arith.mulf %div3A_829, %sub3A_773 : vector<40x128xf32>
    %mul3A_845 = arith.mulf %mul3A_830, %add3A_709 : vector<40x128xf32>
    %sub3A_846 = arith.subf %mul3A_844, %mul3A_845 : vector<40x128xf32>
    %mul3A_847 = arith.mulf %div3A_829, %sub3A_776 : vector<40x128xf32>
    %mul3A_848 = arith.mulf %mul3A_830, %add3A_712 : vector<40x128xf32>
    %sub3A_849 = arith.subf %mul3A_847, %mul3A_848 : vector<40x128xf32>
    %mul3A_850 = arith.mulf %mul3A_830, %sub3A_770 : vector<40x128xf32>
    %mul3A_851 = arith.mulf %div3A_829, %add3A_706 : vector<40x128xf32>
    %add3A_852 = arith.addf %mul3A_850, %mul3A_851 : vector<40x128xf32>
    %mul3A_853 = arith.mulf %mul3A_830, %sub3A_773 : vector<40x128xf32>
    %mul3A_854 = arith.mulf %div3A_829, %add3A_709 : vector<40x128xf32>
    %add3A_855 = arith.addf %mul3A_853, %mul3A_854 : vector<40x128xf32>
    %mul3A_856 = arith.mulf %mul3A_830, %sub3A_776 : vector<40x128xf32>
    %mul3A_857 = arith.mulf %div3A_829, %add3A_712 : vector<40x128xf32>
    %add3A_858 = arith.addf %mul3A_856, %mul3A_857 : vector<40x128xf32>
    %abs3A_859 = math.absf %add3A_840 : vector<40x128xf32>
    %gt3A_860 = arith.constant 0.000000e+00 : f32
    %gt3A_861 = vector.broadcast %gt3A_860 : f32 to vector<40x128xf32>
    %gt3A_862 = arith.cmpf ogt, %abs3A_859, %gt3A_861 : vector<40x128xf32>
    %select_n3A_863 = arith.select %gt3A_862, %add3A_840, %broadcast_in_dim3A_4 : vector<40x128xi1>, vector<40x128xf32>
    %sub3A_864 = arith.subf %add3A_834, %add3A_761 : vector<40x128xf32>
    %mul3A_865 = arith.constant 2.000000e+00 : f32
    %mul3A_866 = vector.broadcast %mul3A_865 : f32 to vector<40x128xf32>
    %mul3A_867 = arith.mulf %mul3A_866, %select_n3A_863 : vector<40x128xf32>
    %div3A_868 = arith.divf %sub3A_864, %mul3A_867 : vector<40x128xf32>
    %sign3A_869 = tpu.bitcast %div3A_868 : vector<40x128xf32> -> vector<40x128xi32>
    %sign3A_870 = arith.constant -2147483648 : i32
    %sign3A_871 = vector.broadcast %sign3A_870 : i32 to vector<40x128xi32>
    %sign3A_872 = arith.andi %sign3A_869, %sign3A_871 : vector<40x128xi32>
    %sign3A_873 = arith.constant 1065353216 : i32
    %sign3A_874 = vector.broadcast %sign3A_873 : i32 to vector<40x128xi32>
    %sign3A_875 = arith.ori %sign3A_874, %sign3A_872 : vector<40x128xi32>
    %sign3A_876 = tpu.bitcast %sign3A_875 : vector<40x128xi32> -> vector<40x128xf32>
    %sign3A_877 = math.absf %div3A_868 : vector<40x128xf32>
    %sign3A_878 = arith.constant 0.000000e+00 : f32
    %sign3A_879 = vector.broadcast %sign3A_878 : f32 to vector<40x128xf32>
    %sign3A_880 = arith.cmpf ogt, %sign3A_877, %sign3A_879 : vector<40x128xf32>
    %sign3A_881 = arith.select %sign3A_880, %sign3A_876, %div3A_868 : vector<40x128xi1>, vector<40x128xf32>
    %abs3A_882 = math.absf %div3A_868 : vector<40x128xf32>
    %mul3A_883 = arith.mulf %div3A_868, %div3A_868 : vector<40x128xf32>
    %add3A_884 = arith.constant 1.000000e+00 : f32
    %add3A_885 = vector.broadcast %add3A_884 : f32 to vector<40x128xf32>
    %add3A_886 = arith.addf %add3A_885, %mul3A_883 : vector<40x128xf32>
    %sqrt3A_887 = math.sqrt %add3A_886 : vector<40x128xf32>
    %add3A_888 = arith.addf %abs3A_882, %sqrt3A_887 : vector<40x128xf32>
    %div3A_889 = arith.divf %sign3A_881, %add3A_888 : vector<40x128xf32>
    %eq3A_890 = arith.constant 0.000000e+00 : f32
    %eq3A_891 = vector.broadcast %eq3A_890 : f32 to vector<40x128xf32>
    %eq3A_892 = arith.cmpf oeq, %div3A_868, %eq3A_891 : vector<40x128xf32>
    %select_n3A_893 = arith.select %eq3A_892, %broadcast_in_dim3A_4, %div3A_889 : vector<40x128xi1>, vector<40x128xf32>
    %select_n3A_894 = arith.select %gt3A_862, %select_n3A_893, %broadcast_in_dim3A_6 : vector<40x128xi1>, vector<40x128xf32>
    %mul3A_895 = arith.mulf %select_n3A_894, %select_n3A_894 : vector<40x128xf32>
    %add3A_896 = arith.constant 1.000000e+00 : f32
    %add3A_897 = vector.broadcast %add3A_896 : f32 to vector<40x128xf32>
    %add3A_898 = arith.addf %add3A_897, %mul3A_895 : vector<40x128xf32>
    %sqrt3A_899 = math.sqrt %add3A_898 : vector<40x128xf32>
    %div3A_900 = arith.constant 1.000000e+00 : f32
    %div3A_901 = vector.broadcast %div3A_900 : f32 to vector<40x128xf32>
    %div3A_902 = arith.divf %div3A_901, %sqrt3A_899 : vector<40x128xf32>
    %mul3A_903 = arith.mulf %select_n3A_894, %div3A_902 : vector<40x128xf32>
    %mul3A_904 = arith.mulf %select_n3A_894, %add3A_840 : vector<40x128xf32>
    %sub3A_905 = arith.subf %add3A_761, %mul3A_904 : vector<40x128xf32>
    %mul3A_906 = arith.mulf %select_n3A_894, %add3A_840 : vector<40x128xf32>
    %add3A_907 = arith.addf %add3A_834, %mul3A_906 : vector<40x128xf32>
    %mul3A_908 = arith.mulf %div3A_902, %sub3A_837 : vector<40x128xf32>
    %mul3A_909 = arith.mulf %mul3A_903, %broadcast_in_dim3A_6 : vector<40x128xf32>
    %sub3A_910 = arith.subf %mul3A_908, %mul3A_909 : vector<40x128xf32>
    %mul3A_911 = arith.mulf %mul3A_903, %sub3A_837 : vector<40x128xf32>
    %mul3A_912 = arith.mulf %div3A_902, %broadcast_in_dim3A_6 : vector<40x128xf32>
    %add3A_913 = arith.addf %mul3A_911, %mul3A_912 : vector<40x128xf32>
    %mul3A_914 = arith.mulf %div3A_902, %add3A_779 : vector<40x128xf32>
    %mul3A_915 = arith.mulf %mul3A_903, %add3A_852 : vector<40x128xf32>
    %sub3A_916 = arith.subf %mul3A_914, %mul3A_915 : vector<40x128xf32>
    %mul3A_917 = arith.mulf %div3A_902, %add3A_782 : vector<40x128xf32>
    %mul3A_918 = arith.mulf %mul3A_903, %add3A_855 : vector<40x128xf32>
    %sub3A_919 = arith.subf %mul3A_917, %mul3A_918 : vector<40x128xf32>
    %mul3A_920 = arith.mulf %div3A_902, %add3A_785 : vector<40x128xf32>
    %mul3A_921 = arith.mulf %mul3A_903, %add3A_858 : vector<40x128xf32>
    %sub3A_922 = arith.subf %mul3A_920, %mul3A_921 : vector<40x128xf32>
    %mul3A_923 = arith.mulf %mul3A_903, %add3A_779 : vector<40x128xf32>
    %mul3A_924 = arith.mulf %div3A_902, %add3A_852 : vector<40x128xf32>
    %add3A_925 = arith.addf %mul3A_923, %mul3A_924 : vector<40x128xf32>
    %mul3A_926 = arith.mulf %mul3A_903, %add3A_782 : vector<40x128xf32>
    %mul3A_927 = arith.mulf %div3A_902, %add3A_855 : vector<40x128xf32>
    %add3A_928 = arith.addf %mul3A_926, %mul3A_927 : vector<40x128xf32>
    %mul3A_929 = arith.mulf %mul3A_903, %add3A_785 : vector<40x128xf32>
    %mul3A_930 = arith.mulf %div3A_902, %add3A_858 : vector<40x128xf32>
    %add3A_931 = arith.addf %mul3A_929, %mul3A_930 : vector<40x128xf32>
    %abs3A_932 = math.absf %sub3A_910 : vector<40x128xf32>
    %gt3A_933 = arith.constant 0.000000e+00 : f32
    %gt3A_934 = vector.broadcast %gt3A_933 : f32 to vector<40x128xf32>
    %gt3A_935 = arith.cmpf ogt, %abs3A_932, %gt3A_934 : vector<40x128xf32>
    %select_n3A_936 = arith.select %gt3A_935, %sub3A_910, %broadcast_in_dim3A_4 : vector<40x128xi1>, vector<40x128xf32>
    %sub3A_937 = arith.subf %sub3A_905, %sub3A_832 : vector<40x128xf32>
    %mul3A_938 = arith.constant 2.000000e+00 : f32
    %mul3A_939 = vector.broadcast %mul3A_938 : f32 to vector<40x128xf32>
    %mul3A_940 = arith.mulf %mul3A_939, %select_n3A_936 : vector<40x128xf32>
    %div3A_941 = arith.divf %sub3A_937, %mul3A_940 : vector<40x128xf32>
    %sign3A_942 = tpu.bitcast %div3A_941 : vector<40x128xf32> -> vector<40x128xi32>
    %sign3A_943 = arith.constant -2147483648 : i32
    %sign3A_944 = vector.broadcast %sign3A_943 : i32 to vector<40x128xi32>
    %sign3A_945 = arith.andi %sign3A_942, %sign3A_944 : vector<40x128xi32>
    %sign3A_946 = arith.constant 1065353216 : i32
    %sign3A_947 = vector.broadcast %sign3A_946 : i32 to vector<40x128xi32>
    %sign3A_948 = arith.ori %sign3A_947, %sign3A_945 : vector<40x128xi32>
    %sign3A_949 = tpu.bitcast %sign3A_948 : vector<40x128xi32> -> vector<40x128xf32>
    %sign3A_950 = math.absf %div3A_941 : vector<40x128xf32>
    %sign3A_951 = arith.constant 0.000000e+00 : f32
    %sign3A_952 = vector.broadcast %sign3A_951 : f32 to vector<40x128xf32>
    %sign3A_953 = arith.cmpf ogt, %sign3A_950, %sign3A_952 : vector<40x128xf32>
    %sign3A_954 = arith.select %sign3A_953, %sign3A_949, %div3A_941 : vector<40x128xi1>, vector<40x128xf32>
    %abs3A_955 = math.absf %div3A_941 : vector<40x128xf32>
    %mul3A_956 = arith.mulf %div3A_941, %div3A_941 : vector<40x128xf32>
    %add3A_957 = arith.constant 1.000000e+00 : f32
    %add3A_958 = vector.broadcast %add3A_957 : f32 to vector<40x128xf32>
    %add3A_959 = arith.addf %add3A_958, %mul3A_956 : vector<40x128xf32>
    %sqrt3A_960 = math.sqrt %add3A_959 : vector<40x128xf32>
    %add3A_961 = arith.addf %abs3A_955, %sqrt3A_960 : vector<40x128xf32>
    %div3A_962 = arith.divf %sign3A_954, %add3A_961 : vector<40x128xf32>
    %eq3A_963 = arith.constant 0.000000e+00 : f32
    %eq3A_964 = vector.broadcast %eq3A_963 : f32 to vector<40x128xf32>
    %eq3A_965 = arith.cmpf oeq, %div3A_941, %eq3A_964 : vector<40x128xf32>
    %select_n3A_966 = arith.select %eq3A_965, %broadcast_in_dim3A_4, %div3A_962 : vector<40x128xi1>, vector<40x128xf32>
    %select_n3A_967 = arith.select %gt3A_935, %select_n3A_966, %broadcast_in_dim3A_6 : vector<40x128xi1>, vector<40x128xf32>
    %mul3A_968 = arith.mulf %select_n3A_967, %select_n3A_967 : vector<40x128xf32>
    %add3A_969 = arith.constant 1.000000e+00 : f32
    %add3A_970 = vector.broadcast %add3A_969 : f32 to vector<40x128xf32>
    %add3A_971 = arith.addf %add3A_970, %mul3A_968 : vector<40x128xf32>
    %sqrt3A_972 = math.sqrt %add3A_971 : vector<40x128xf32>
    %div3A_973 = arith.constant 1.000000e+00 : f32
    %div3A_974 = vector.broadcast %div3A_973 : f32 to vector<40x128xf32>
    %div3A_975 = arith.divf %div3A_974, %sqrt3A_972 : vector<40x128xf32>
    %mul3A_976 = arith.mulf %select_n3A_967, %div3A_975 : vector<40x128xf32>
    %mul3A_977 = arith.mulf %select_n3A_967, %sub3A_910 : vector<40x128xf32>
    %sub3A_978 = arith.subf %sub3A_832, %mul3A_977 : vector<40x128xf32>
    %mul3A_979 = arith.mulf %select_n3A_967, %sub3A_910 : vector<40x128xf32>
    %add3A_980 = arith.addf %sub3A_905, %mul3A_979 : vector<40x128xf32>
    %mul3A_981 = arith.mulf %div3A_975, %add3A_913 : vector<40x128xf32>
    %mul3A_982 = arith.mulf %mul3A_976, %broadcast_in_dim3A_6 : vector<40x128xf32>
    %sub3A_983 = arith.subf %mul3A_981, %mul3A_982 : vector<40x128xf32>
    %mul3A_984 = arith.mulf %mul3A_976, %add3A_913 : vector<40x128xf32>
    %mul3A_985 = arith.mulf %div3A_975, %broadcast_in_dim3A_6 : vector<40x128xf32>
    %add3A_986 = arith.addf %mul3A_984, %mul3A_985 : vector<40x128xf32>
    %mul3A_987 = arith.mulf %div3A_975, %sub3A_843 : vector<40x128xf32>
    %mul3A_988 = arith.mulf %mul3A_976, %sub3A_916 : vector<40x128xf32>
    %sub3A_989 = arith.subf %mul3A_987, %mul3A_988 : vector<40x128xf32>
    %mul3A_990 = arith.mulf %div3A_975, %sub3A_846 : vector<40x128xf32>
    %mul3A_991 = arith.mulf %mul3A_976, %sub3A_919 : vector<40x128xf32>
    %sub3A_992 = arith.subf %mul3A_990, %mul3A_991 : vector<40x128xf32>
    %mul3A_993 = arith.mulf %div3A_975, %sub3A_849 : vector<40x128xf32>
    %mul3A_994 = arith.mulf %mul3A_976, %sub3A_922 : vector<40x128xf32>
    %sub3A_995 = arith.subf %mul3A_993, %mul3A_994 : vector<40x128xf32>
    %mul3A_996 = arith.mulf %mul3A_976, %sub3A_843 : vector<40x128xf32>
    %mul3A_997 = arith.mulf %div3A_975, %sub3A_916 : vector<40x128xf32>
    %add3A_998 = arith.addf %mul3A_996, %mul3A_997 : vector<40x128xf32>
    %mul3A_999 = arith.mulf %mul3A_976, %sub3A_846 : vector<40x128xf32>
    %mul3A_1000 = arith.mulf %div3A_975, %sub3A_919 : vector<40x128xf32>
    %add3A_1001 = arith.addf %mul3A_999, %mul3A_1000 : vector<40x128xf32>
    %mul3A_1002 = arith.mulf %mul3A_976, %sub3A_849 : vector<40x128xf32>
    %mul3A_1003 = arith.mulf %div3A_975, %sub3A_922 : vector<40x128xf32>
    %add3A_1004 = arith.addf %mul3A_1002, %mul3A_1003 : vector<40x128xf32>
    %abs3A_1005 = math.absf %sub3A_983 : vector<40x128xf32>
    %gt3A_1006 = arith.constant 0.000000e+00 : f32
    %gt3A_1007 = vector.broadcast %gt3A_1006 : f32 to vector<40x128xf32>
    %gt3A_1008 = arith.cmpf ogt, %abs3A_1005, %gt3A_1007 : vector<40x128xf32>
    %select_n3A_1009 = arith.select %gt3A_1008, %sub3A_983, %broadcast_in_dim3A_4 : vector<40x128xi1>, vector<40x128xf32>
    %sub3A_1010 = arith.subf %add3A_907, %sub3A_978 : vector<40x128xf32>
    %mul3A_1011 = arith.constant 2.000000e+00 : f32
    %mul3A_1012 = vector.broadcast %mul3A_1011 : f32 to vector<40x128xf32>
    %mul3A_1013 = arith.mulf %mul3A_1012, %select_n3A_1009 : vector<40x128xf32>
    %div3A_1014 = arith.divf %sub3A_1010, %mul3A_1013 : vector<40x128xf32>
    %sign3A_1015 = tpu.bitcast %div3A_1014 : vector<40x128xf32> -> vector<40x128xi32>
    %sign3A_1016 = arith.constant -2147483648 : i32
    %sign3A_1017 = vector.broadcast %sign3A_1016 : i32 to vector<40x128xi32>
    %sign3A_1018 = arith.andi %sign3A_1015, %sign3A_1017 : vector<40x128xi32>
    %sign3A_1019 = arith.constant 1065353216 : i32
    %sign3A_1020 = vector.broadcast %sign3A_1019 : i32 to vector<40x128xi32>
    %sign3A_1021 = arith.ori %sign3A_1020, %sign3A_1018 : vector<40x128xi32>
    %sign3A_1022 = tpu.bitcast %sign3A_1021 : vector<40x128xi32> -> vector<40x128xf32>
    %sign3A_1023 = math.absf %div3A_1014 : vector<40x128xf32>
    %sign3A_1024 = arith.constant 0.000000e+00 : f32
    %sign3A_1025 = vector.broadcast %sign3A_1024 : f32 to vector<40x128xf32>
    %sign3A_1026 = arith.cmpf ogt, %sign3A_1023, %sign3A_1025 : vector<40x128xf32>
    %sign3A_1027 = arith.select %sign3A_1026, %sign3A_1022, %div3A_1014 : vector<40x128xi1>, vector<40x128xf32>
    %abs3A_1028 = math.absf %div3A_1014 : vector<40x128xf32>
    %mul3A_1029 = arith.mulf %div3A_1014, %div3A_1014 : vector<40x128xf32>
    %add3A_1030 = arith.constant 1.000000e+00 : f32
    %add3A_1031 = vector.broadcast %add3A_1030 : f32 to vector<40x128xf32>
    %add3A_1032 = arith.addf %add3A_1031, %mul3A_1029 : vector<40x128xf32>
    %sqrt3A_1033 = math.sqrt %add3A_1032 : vector<40x128xf32>
    %add3A_1034 = arith.addf %abs3A_1028, %sqrt3A_1033 : vector<40x128xf32>
    %div3A_1035 = arith.divf %sign3A_1027, %add3A_1034 : vector<40x128xf32>
    %eq3A_1036 = arith.constant 0.000000e+00 : f32
    %eq3A_1037 = vector.broadcast %eq3A_1036 : f32 to vector<40x128xf32>
    %eq3A_1038 = arith.cmpf oeq, %div3A_1014, %eq3A_1037 : vector<40x128xf32>
    %select_n3A_1039 = arith.select %eq3A_1038, %broadcast_in_dim3A_4, %div3A_1035 : vector<40x128xi1>, vector<40x128xf32>
    %select_n3A_1040 = arith.select %gt3A_1008, %select_n3A_1039, %broadcast_in_dim3A_6 : vector<40x128xi1>, vector<40x128xf32>
    %mul3A_1041 = arith.mulf %select_n3A_1040, %select_n3A_1040 : vector<40x128xf32>
    %add3A_1042 = arith.constant 1.000000e+00 : f32
    %add3A_1043 = vector.broadcast %add3A_1042 : f32 to vector<40x128xf32>
    %add3A_1044 = arith.addf %add3A_1043, %mul3A_1041 : vector<40x128xf32>
    %sqrt3A_1045 = math.sqrt %add3A_1044 : vector<40x128xf32>
    %div3A_1046 = arith.constant 1.000000e+00 : f32
    %div3A_1047 = vector.broadcast %div3A_1046 : f32 to vector<40x128xf32>
    %div3A_1048 = arith.divf %div3A_1047, %sqrt3A_1045 : vector<40x128xf32>
    %mul3A_1049 = arith.mulf %select_n3A_1040, %div3A_1048 : vector<40x128xf32>
    %mul3A_1050 = arith.mulf %select_n3A_1040, %sub3A_983 : vector<40x128xf32>
    %sub3A_1051 = arith.subf %sub3A_978, %mul3A_1050 : vector<40x128xf32>
    %mul3A_1052 = arith.mulf %select_n3A_1040, %sub3A_983 : vector<40x128xf32>
    %add3A_1053 = arith.addf %add3A_907, %mul3A_1052 : vector<40x128xf32>
    %mul3A_1054 = arith.mulf %div3A_1048, %broadcast_in_dim3A_6 : vector<40x128xf32>
    %mul3A_1055 = arith.mulf %mul3A_1049, %add3A_986 : vector<40x128xf32>
    %sub3A_1056 = arith.subf %mul3A_1054, %mul3A_1055 : vector<40x128xf32>
    %mul3A_1057 = arith.mulf %mul3A_1049, %broadcast_in_dim3A_6 : vector<40x128xf32>
    %mul3A_1058 = arith.mulf %div3A_1048, %add3A_986 : vector<40x128xf32>
    %add3A_1059 = arith.addf %mul3A_1057, %mul3A_1058 : vector<40x128xf32>
    %mul3A_1060 = arith.mulf %div3A_1048, %sub3A_989 : vector<40x128xf32>
    %mul3A_1061 = arith.mulf %mul3A_1049, %add3A_925 : vector<40x128xf32>
    %sub3A_1062 = arith.subf %mul3A_1060, %mul3A_1061 : vector<40x128xf32>
    %mul3A_1063 = arith.mulf %div3A_1048, %sub3A_992 : vector<40x128xf32>
    %mul3A_1064 = arith.mulf %mul3A_1049, %add3A_928 : vector<40x128xf32>
    %sub3A_1065 = arith.subf %mul3A_1063, %mul3A_1064 : vector<40x128xf32>
    %mul3A_1066 = arith.mulf %div3A_1048, %sub3A_995 : vector<40x128xf32>
    %mul3A_1067 = arith.mulf %mul3A_1049, %add3A_931 : vector<40x128xf32>
    %sub3A_1068 = arith.subf %mul3A_1066, %mul3A_1067 : vector<40x128xf32>
    %mul3A_1069 = arith.mulf %mul3A_1049, %sub3A_989 : vector<40x128xf32>
    %mul3A_1070 = arith.mulf %div3A_1048, %add3A_925 : vector<40x128xf32>
    %add3A_1071 = arith.addf %mul3A_1069, %mul3A_1070 : vector<40x128xf32>
    %mul3A_1072 = arith.mulf %mul3A_1049, %sub3A_992 : vector<40x128xf32>
    %mul3A_1073 = arith.mulf %div3A_1048, %add3A_928 : vector<40x128xf32>
    %add3A_1074 = arith.addf %mul3A_1072, %mul3A_1073 : vector<40x128xf32>
    %mul3A_1075 = arith.mulf %mul3A_1049, %sub3A_995 : vector<40x128xf32>
    %mul3A_1076 = arith.mulf %div3A_1048, %add3A_931 : vector<40x128xf32>
    %add3A_1077 = arith.addf %mul3A_1075, %mul3A_1076 : vector<40x128xf32>
    %abs3A_1078 = math.absf %add3A_1059 : vector<40x128xf32>
    %gt3A_1079 = arith.constant 0.000000e+00 : f32
    %gt3A_1080 = vector.broadcast %gt3A_1079 : f32 to vector<40x128xf32>
    %gt3A_1081 = arith.cmpf ogt, %abs3A_1078, %gt3A_1080 : vector<40x128xf32>
    %select_n3A_1082 = arith.select %gt3A_1081, %add3A_1059, %broadcast_in_dim3A_4 : vector<40x128xi1>, vector<40x128xf32>
    %sub3A_1083 = arith.subf %add3A_1053, %add3A_980 : vector<40x128xf32>
    %mul3A_1084 = arith.constant 2.000000e+00 : f32
    %mul3A_1085 = vector.broadcast %mul3A_1084 : f32 to vector<40x128xf32>
    %mul3A_1086 = arith.mulf %mul3A_1085, %select_n3A_1082 : vector<40x128xf32>
    %div3A_1087 = arith.divf %sub3A_1083, %mul3A_1086 : vector<40x128xf32>
    %sign3A_1088 = tpu.bitcast %div3A_1087 : vector<40x128xf32> -> vector<40x128xi32>
    %sign3A_1089 = arith.constant -2147483648 : i32
    %sign3A_1090 = vector.broadcast %sign3A_1089 : i32 to vector<40x128xi32>
    %sign3A_1091 = arith.andi %sign3A_1088, %sign3A_1090 : vector<40x128xi32>
    %sign3A_1092 = arith.constant 1065353216 : i32
    %sign3A_1093 = vector.broadcast %sign3A_1092 : i32 to vector<40x128xi32>
    %sign3A_1094 = arith.ori %sign3A_1093, %sign3A_1091 : vector<40x128xi32>
    %sign3A_1095 = tpu.bitcast %sign3A_1094 : vector<40x128xi32> -> vector<40x128xf32>
    %sign3A_1096 = math.absf %div3A_1087 : vector<40x128xf32>
    %sign3A_1097 = arith.constant 0.000000e+00 : f32
    %sign3A_1098 = vector.broadcast %sign3A_1097 : f32 to vector<40x128xf32>
    %sign3A_1099 = arith.cmpf ogt, %sign3A_1096, %sign3A_1098 : vector<40x128xf32>
    %sign3A_1100 = arith.select %sign3A_1099, %sign3A_1095, %div3A_1087 : vector<40x128xi1>, vector<40x128xf32>
    %abs3A_1101 = math.absf %div3A_1087 : vector<40x128xf32>
    %mul3A_1102 = arith.mulf %div3A_1087, %div3A_1087 : vector<40x128xf32>
    %add3A_1103 = arith.constant 1.000000e+00 : f32
    %add3A_1104 = vector.broadcast %add3A_1103 : f32 to vector<40x128xf32>
    %add3A_1105 = arith.addf %add3A_1104, %mul3A_1102 : vector<40x128xf32>
    %sqrt3A_1106 = math.sqrt %add3A_1105 : vector<40x128xf32>
    %add3A_1107 = arith.addf %abs3A_1101, %sqrt3A_1106 : vector<40x128xf32>
    %div3A_1108 = arith.divf %sign3A_1100, %add3A_1107 : vector<40x128xf32>
    %eq3A_1109 = arith.constant 0.000000e+00 : f32
    %eq3A_1110 = vector.broadcast %eq3A_1109 : f32 to vector<40x128xf32>
    %eq3A_1111 = arith.cmpf oeq, %div3A_1087, %eq3A_1110 : vector<40x128xf32>
    %select_n3A_1112 = arith.select %eq3A_1111, %broadcast_in_dim3A_4, %div3A_1108 : vector<40x128xi1>, vector<40x128xf32>
    %select_n3A_1113 = arith.select %gt3A_1081, %select_n3A_1112, %broadcast_in_dim3A_6 : vector<40x128xi1>, vector<40x128xf32>
    %mul3A_1114 = arith.mulf %select_n3A_1113, %select_n3A_1113 : vector<40x128xf32>
    %add3A_1115 = arith.constant 1.000000e+00 : f32
    %add3A_1116 = vector.broadcast %add3A_1115 : f32 to vector<40x128xf32>
    %add3A_1117 = arith.addf %add3A_1116, %mul3A_1114 : vector<40x128xf32>
    %sqrt3A_1118 = math.sqrt %add3A_1117 : vector<40x128xf32>
    %div3A_1119 = arith.constant 1.000000e+00 : f32
    %div3A_1120 = vector.broadcast %div3A_1119 : f32 to vector<40x128xf32>
    %div3A_1121 = arith.divf %div3A_1120, %sqrt3A_1118 : vector<40x128xf32>
    %mul3A_1122 = arith.mulf %select_n3A_1113, %div3A_1121 : vector<40x128xf32>
    %mul3A_1123 = arith.mulf %select_n3A_1113, %add3A_1059 : vector<40x128xf32>
    %sub3A_1124 = arith.subf %add3A_980, %mul3A_1123 : vector<40x128xf32>
    %mul3A_1125 = arith.mulf %select_n3A_1113, %add3A_1059 : vector<40x128xf32>
    %add3A_1126 = arith.addf %add3A_1053, %mul3A_1125 : vector<40x128xf32>
    %mul3A_1127 = arith.mulf %div3A_1121, %sub3A_1056 : vector<40x128xf32>
    %mul3A_1128 = arith.mulf %mul3A_1122, %broadcast_in_dim3A_6 : vector<40x128xf32>
    %sub3A_1129 = arith.subf %mul3A_1127, %mul3A_1128 : vector<40x128xf32>
    %mul3A_1130 = arith.mulf %mul3A_1122, %sub3A_1056 : vector<40x128xf32>
    %mul3A_1131 = arith.mulf %div3A_1121, %broadcast_in_dim3A_6 : vector<40x128xf32>
    %add3A_1132 = arith.addf %mul3A_1130, %mul3A_1131 : vector<40x128xf32>
    %mul3A_1133 = arith.mulf %div3A_1121, %add3A_998 : vector<40x128xf32>
    %mul3A_1134 = arith.mulf %mul3A_1122, %add3A_1071 : vector<40x128xf32>
    %sub3A_1135 = arith.subf %mul3A_1133, %mul3A_1134 : vector<40x128xf32>
    %mul3A_1136 = arith.mulf %div3A_1121, %add3A_1001 : vector<40x128xf32>
    %mul3A_1137 = arith.mulf %mul3A_1122, %add3A_1074 : vector<40x128xf32>
    %sub3A_1138 = arith.subf %mul3A_1136, %mul3A_1137 : vector<40x128xf32>
    %mul3A_1139 = arith.mulf %div3A_1121, %add3A_1004 : vector<40x128xf32>
    %mul3A_1140 = arith.mulf %mul3A_1122, %add3A_1077 : vector<40x128xf32>
    %sub3A_1141 = arith.subf %mul3A_1139, %mul3A_1140 : vector<40x128xf32>
    %mul3A_1142 = arith.mulf %mul3A_1122, %add3A_998 : vector<40x128xf32>
    %mul3A_1143 = arith.mulf %div3A_1121, %add3A_1071 : vector<40x128xf32>
    %add3A_1144 = arith.addf %mul3A_1142, %mul3A_1143 : vector<40x128xf32>
    %mul3A_1145 = arith.mulf %mul3A_1122, %add3A_1001 : vector<40x128xf32>
    %mul3A_1146 = arith.mulf %div3A_1121, %add3A_1074 : vector<40x128xf32>
    %add3A_1147 = arith.addf %mul3A_1145, %mul3A_1146 : vector<40x128xf32>
    %mul3A_1148 = arith.mulf %mul3A_1122, %add3A_1004 : vector<40x128xf32>
    %mul3A_1149 = arith.mulf %div3A_1121, %add3A_1077 : vector<40x128xf32>
    %add3A_1150 = arith.addf %mul3A_1148, %mul3A_1149 : vector<40x128xf32>
    %abs3A_1151 = math.absf %sub3A_1129 : vector<40x128xf32>
    %gt3A_1152 = arith.constant 0.000000e+00 : f32
    %gt3A_1153 = vector.broadcast %gt3A_1152 : f32 to vector<40x128xf32>
    %gt3A_1154 = arith.cmpf ogt, %abs3A_1151, %gt3A_1153 : vector<40x128xf32>
    %select_n3A_1155 = arith.select %gt3A_1154, %sub3A_1129, %broadcast_in_dim3A_4 : vector<40x128xi1>, vector<40x128xf32>
    %sub3A_1156 = arith.subf %sub3A_1124, %sub3A_1051 : vector<40x128xf32>
    %mul3A_1157 = arith.constant 2.000000e+00 : f32
    %mul3A_1158 = vector.broadcast %mul3A_1157 : f32 to vector<40x128xf32>
    %mul3A_1159 = arith.mulf %mul3A_1158, %select_n3A_1155 : vector<40x128xf32>
    %div3A_1160 = arith.divf %sub3A_1156, %mul3A_1159 : vector<40x128xf32>
    %sign3A_1161 = tpu.bitcast %div3A_1160 : vector<40x128xf32> -> vector<40x128xi32>
    %sign3A_1162 = arith.constant -2147483648 : i32
    %sign3A_1163 = vector.broadcast %sign3A_1162 : i32 to vector<40x128xi32>
    %sign3A_1164 = arith.andi %sign3A_1161, %sign3A_1163 : vector<40x128xi32>
    %sign3A_1165 = arith.constant 1065353216 : i32
    %sign3A_1166 = vector.broadcast %sign3A_1165 : i32 to vector<40x128xi32>
    %sign3A_1167 = arith.ori %sign3A_1166, %sign3A_1164 : vector<40x128xi32>
    %sign3A_1168 = tpu.bitcast %sign3A_1167 : vector<40x128xi32> -> vector<40x128xf32>
    %sign3A_1169 = math.absf %div3A_1160 : vector<40x128xf32>
    %sign3A_1170 = arith.constant 0.000000e+00 : f32
    %sign3A_1171 = vector.broadcast %sign3A_1170 : f32 to vector<40x128xf32>
    %sign3A_1172 = arith.cmpf ogt, %sign3A_1169, %sign3A_1171 : vector<40x128xf32>
    %sign3A_1173 = arith.select %sign3A_1172, %sign3A_1168, %div3A_1160 : vector<40x128xi1>, vector<40x128xf32>
    %abs3A_1174 = math.absf %div3A_1160 : vector<40x128xf32>
    %mul3A_1175 = arith.mulf %div3A_1160, %div3A_1160 : vector<40x128xf32>
    %add3A_1176 = arith.constant 1.000000e+00 : f32
    %add3A_1177 = vector.broadcast %add3A_1176 : f32 to vector<40x128xf32>
    %add3A_1178 = arith.addf %add3A_1177, %mul3A_1175 : vector<40x128xf32>
    %sqrt3A_1179 = math.sqrt %add3A_1178 : vector<40x128xf32>
    %add3A_1180 = arith.addf %abs3A_1174, %sqrt3A_1179 : vector<40x128xf32>
    %div3A_1181 = arith.divf %sign3A_1173, %add3A_1180 : vector<40x128xf32>
    %eq3A_1182 = arith.constant 0.000000e+00 : f32
    %eq3A_1183 = vector.broadcast %eq3A_1182 : f32 to vector<40x128xf32>
    %eq3A_1184 = arith.cmpf oeq, %div3A_1160, %eq3A_1183 : vector<40x128xf32>
    %select_n3A_1185 = arith.select %eq3A_1184, %broadcast_in_dim3A_4, %div3A_1181 : vector<40x128xi1>, vector<40x128xf32>
    %select_n3A_1186 = arith.select %gt3A_1154, %select_n3A_1185, %broadcast_in_dim3A_6 : vector<40x128xi1>, vector<40x128xf32>
    %mul3A_1187 = arith.mulf %select_n3A_1186, %select_n3A_1186 : vector<40x128xf32>
    %add3A_1188 = arith.constant 1.000000e+00 : f32
    %add3A_1189 = vector.broadcast %add3A_1188 : f32 to vector<40x128xf32>
    %add3A_1190 = arith.addf %add3A_1189, %mul3A_1187 : vector<40x128xf32>
    %sqrt3A_1191 = math.sqrt %add3A_1190 : vector<40x128xf32>
    %div3A_1192 = arith.constant 1.000000e+00 : f32
    %div3A_1193 = vector.broadcast %div3A_1192 : f32 to vector<40x128xf32>
    %div3A_1194 = arith.divf %div3A_1193, %sqrt3A_1191 : vector<40x128xf32>
    %mul3A_1195 = arith.mulf %select_n3A_1186, %div3A_1194 : vector<40x128xf32>
    %mul3A_1196 = arith.mulf %select_n3A_1186, %sub3A_1129 : vector<40x128xf32>
    %sub3A_1197 = arith.subf %sub3A_1051, %mul3A_1196 : vector<40x128xf32>
    %mul3A_1198 = arith.mulf %select_n3A_1186, %sub3A_1129 : vector<40x128xf32>
    %add3A_1199 = arith.addf %sub3A_1124, %mul3A_1198 : vector<40x128xf32>
    %mul3A_1200 = arith.mulf %div3A_1194, %add3A_1132 : vector<40x128xf32>
    %mul3A_1201 = arith.mulf %mul3A_1195, %broadcast_in_dim3A_6 : vector<40x128xf32>
    %sub3A_1202 = arith.subf %mul3A_1200, %mul3A_1201 : vector<40x128xf32>
    %mul3A_1203 = arith.mulf %mul3A_1195, %add3A_1132 : vector<40x128xf32>
    %mul3A_1204 = arith.mulf %div3A_1194, %broadcast_in_dim3A_6 : vector<40x128xf32>
    %add3A_1205 = arith.addf %mul3A_1203, %mul3A_1204 : vector<40x128xf32>
    %mul3A_1206 = arith.mulf %div3A_1194, %sub3A_1062 : vector<40x128xf32>
    %mul3A_1207 = arith.mulf %mul3A_1195, %sub3A_1135 : vector<40x128xf32>
    %sub3A_1208 = arith.subf %mul3A_1206, %mul3A_1207 : vector<40x128xf32>
    %mul3A_1209 = arith.mulf %div3A_1194, %sub3A_1065 : vector<40x128xf32>
    %mul3A_1210 = arith.mulf %mul3A_1195, %sub3A_1138 : vector<40x128xf32>
    %sub3A_1211 = arith.subf %mul3A_1209, %mul3A_1210 : vector<40x128xf32>
    %mul3A_1212 = arith.mulf %div3A_1194, %sub3A_1068 : vector<40x128xf32>
    %mul3A_1213 = arith.mulf %mul3A_1195, %sub3A_1141 : vector<40x128xf32>
    %sub3A_1214 = arith.subf %mul3A_1212, %mul3A_1213 : vector<40x128xf32>
    %mul3A_1215 = arith.mulf %mul3A_1195, %sub3A_1062 : vector<40x128xf32>
    %mul3A_1216 = arith.mulf %div3A_1194, %sub3A_1135 : vector<40x128xf32>
    %add3A_1217 = arith.addf %mul3A_1215, %mul3A_1216 : vector<40x128xf32>
    %mul3A_1218 = arith.mulf %mul3A_1195, %sub3A_1065 : vector<40x128xf32>
    %mul3A_1219 = arith.mulf %div3A_1194, %sub3A_1138 : vector<40x128xf32>
    %add3A_1220 = arith.addf %mul3A_1218, %mul3A_1219 : vector<40x128xf32>
    %mul3A_1221 = arith.mulf %mul3A_1195, %sub3A_1068 : vector<40x128xf32>
    %mul3A_1222 = arith.mulf %div3A_1194, %sub3A_1141 : vector<40x128xf32>
    %add3A_1223 = arith.addf %mul3A_1221, %mul3A_1222 : vector<40x128xf32>
    %abs3A_1224 = math.absf %sub3A_1202 : vector<40x128xf32>
    %gt3A_1225 = arith.constant 0.000000e+00 : f32
    %gt3A_1226 = vector.broadcast %gt3A_1225 : f32 to vector<40x128xf32>
    %gt3A_1227 = arith.cmpf ogt, %abs3A_1224, %gt3A_1226 : vector<40x128xf32>
    %select_n3A_1228 = arith.select %gt3A_1227, %sub3A_1202, %broadcast_in_dim3A_4 : vector<40x128xi1>, vector<40x128xf32>
    %sub3A_1229 = arith.subf %add3A_1126, %sub3A_1197 : vector<40x128xf32>
    %mul3A_1230 = arith.constant 2.000000e+00 : f32
    %mul3A_1231 = vector.broadcast %mul3A_1230 : f32 to vector<40x128xf32>
    %mul3A_1232 = arith.mulf %mul3A_1231, %select_n3A_1228 : vector<40x128xf32>
    %div3A_1233 = arith.divf %sub3A_1229, %mul3A_1232 : vector<40x128xf32>
    %sign3A_1234 = tpu.bitcast %div3A_1233 : vector<40x128xf32> -> vector<40x128xi32>
    %sign3A_1235 = arith.constant -2147483648 : i32
    %sign3A_1236 = vector.broadcast %sign3A_1235 : i32 to vector<40x128xi32>
    %sign3A_1237 = arith.andi %sign3A_1234, %sign3A_1236 : vector<40x128xi32>
    %sign3A_1238 = arith.constant 1065353216 : i32
    %sign3A_1239 = vector.broadcast %sign3A_1238 : i32 to vector<40x128xi32>
    %sign3A_1240 = arith.ori %sign3A_1239, %sign3A_1237 : vector<40x128xi32>
    %sign3A_1241 = tpu.bitcast %sign3A_1240 : vector<40x128xi32> -> vector<40x128xf32>
    %sign3A_1242 = math.absf %div3A_1233 : vector<40x128xf32>
    %sign3A_1243 = arith.constant 0.000000e+00 : f32
    %sign3A_1244 = vector.broadcast %sign3A_1243 : f32 to vector<40x128xf32>
    %sign3A_1245 = arith.cmpf ogt, %sign3A_1242, %sign3A_1244 : vector<40x128xf32>
    %sign3A_1246 = arith.select %sign3A_1245, %sign3A_1241, %div3A_1233 : vector<40x128xi1>, vector<40x128xf32>
    %abs3A_1247 = math.absf %div3A_1233 : vector<40x128xf32>
    %mul3A_1248 = arith.mulf %div3A_1233, %div3A_1233 : vector<40x128xf32>
    %add3A_1249 = arith.constant 1.000000e+00 : f32
    %add3A_1250 = vector.broadcast %add3A_1249 : f32 to vector<40x128xf32>
    %add3A_1251 = arith.addf %add3A_1250, %mul3A_1248 : vector<40x128xf32>
    %sqrt3A_1252 = math.sqrt %add3A_1251 : vector<40x128xf32>
    %add3A_1253 = arith.addf %abs3A_1247, %sqrt3A_1252 : vector<40x128xf32>
    %div3A_1254 = arith.divf %sign3A_1246, %add3A_1253 : vector<40x128xf32>
    %eq3A_1255 = arith.constant 0.000000e+00 : f32
    %eq3A_1256 = vector.broadcast %eq3A_1255 : f32 to vector<40x128xf32>
    %eq3A_1257 = arith.cmpf oeq, %div3A_1233, %eq3A_1256 : vector<40x128xf32>
    %select_n3A_1258 = arith.select %eq3A_1257, %broadcast_in_dim3A_4, %div3A_1254 : vector<40x128xi1>, vector<40x128xf32>
    %select_n3A_1259 = arith.select %gt3A_1227, %select_n3A_1258, %broadcast_in_dim3A_6 : vector<40x128xi1>, vector<40x128xf32>
    %mul3A_1260 = arith.mulf %select_n3A_1259, %select_n3A_1259 : vector<40x128xf32>
    %add3A_1261 = arith.constant 1.000000e+00 : f32
    %add3A_1262 = vector.broadcast %add3A_1261 : f32 to vector<40x128xf32>
    %add3A_1263 = arith.addf %add3A_1262, %mul3A_1260 : vector<40x128xf32>
    %sqrt3A_1264 = math.sqrt %add3A_1263 : vector<40x128xf32>
    %div3A_1265 = arith.constant 1.000000e+00 : f32
    %div3A_1266 = vector.broadcast %div3A_1265 : f32 to vector<40x128xf32>
    %div3A_1267 = arith.divf %div3A_1266, %sqrt3A_1264 : vector<40x128xf32>
    %mul3A_1268 = arith.mulf %select_n3A_1259, %div3A_1267 : vector<40x128xf32>
    %mul3A_1269 = arith.mulf %select_n3A_1259, %sub3A_1202 : vector<40x128xf32>
    %sub3A_1270 = arith.subf %sub3A_1197, %mul3A_1269 : vector<40x128xf32>
    %mul3A_1271 = arith.mulf %select_n3A_1259, %sub3A_1202 : vector<40x128xf32>
    %add3A_1272 = arith.addf %add3A_1126, %mul3A_1271 : vector<40x128xf32>
    %mul3A_1273 = arith.mulf %div3A_1267, %broadcast_in_dim3A_6 : vector<40x128xf32>
    %mul3A_1274 = arith.mulf %mul3A_1268, %add3A_1205 : vector<40x128xf32>
    %sub3A_1275 = arith.subf %mul3A_1273, %mul3A_1274 : vector<40x128xf32>
    %mul3A_1276 = arith.mulf %mul3A_1268, %broadcast_in_dim3A_6 : vector<40x128xf32>
    %mul3A_1277 = arith.mulf %div3A_1267, %add3A_1205 : vector<40x128xf32>
    %add3A_1278 = arith.addf %mul3A_1276, %mul3A_1277 : vector<40x128xf32>
    %mul3A_1279 = arith.mulf %div3A_1267, %sub3A_1208 : vector<40x128xf32>
    %mul3A_1280 = arith.mulf %mul3A_1268, %add3A_1144 : vector<40x128xf32>
    %sub3A_1281 = arith.subf %mul3A_1279, %mul3A_1280 : vector<40x128xf32>
    %mul3A_1282 = arith.mulf %div3A_1267, %sub3A_1211 : vector<40x128xf32>
    %mul3A_1283 = arith.mulf %mul3A_1268, %add3A_1147 : vector<40x128xf32>
    %sub3A_1284 = arith.subf %mul3A_1282, %mul3A_1283 : vector<40x128xf32>
    %mul3A_1285 = arith.mulf %div3A_1267, %sub3A_1214 : vector<40x128xf32>
    %mul3A_1286 = arith.mulf %mul3A_1268, %add3A_1150 : vector<40x128xf32>
    %sub3A_1287 = arith.subf %mul3A_1285, %mul3A_1286 : vector<40x128xf32>
    %mul3A_1288 = arith.mulf %mul3A_1268, %sub3A_1208 : vector<40x128xf32>
    %mul3A_1289 = arith.mulf %div3A_1267, %add3A_1144 : vector<40x128xf32>
    %add3A_1290 = arith.addf %mul3A_1288, %mul3A_1289 : vector<40x128xf32>
    %mul3A_1291 = arith.mulf %mul3A_1268, %sub3A_1211 : vector<40x128xf32>
    %mul3A_1292 = arith.mulf %div3A_1267, %add3A_1147 : vector<40x128xf32>
    %add3A_1293 = arith.addf %mul3A_1291, %mul3A_1292 : vector<40x128xf32>
    %mul3A_1294 = arith.mulf %mul3A_1268, %sub3A_1214 : vector<40x128xf32>
    %mul3A_1295 = arith.mulf %div3A_1267, %add3A_1150 : vector<40x128xf32>
    %add3A_1296 = arith.addf %mul3A_1294, %mul3A_1295 : vector<40x128xf32>
    %abs3A_1297 = math.absf %add3A_1278 : vector<40x128xf32>
    %gt3A_1298 = arith.constant 0.000000e+00 : f32
    %gt3A_1299 = vector.broadcast %gt3A_1298 : f32 to vector<40x128xf32>
    %gt3A_1300 = arith.cmpf ogt, %abs3A_1297, %gt3A_1299 : vector<40x128xf32>
    %select_n3A_1301 = arith.select %gt3A_1300, %add3A_1278, %broadcast_in_dim3A_4 : vector<40x128xi1>, vector<40x128xf32>
    %sub3A_1302 = arith.subf %add3A_1272, %add3A_1199 : vector<40x128xf32>
    %mul3A_1303 = arith.constant 2.000000e+00 : f32
    %mul3A_1304 = vector.broadcast %mul3A_1303 : f32 to vector<40x128xf32>
    %mul3A_1305 = arith.mulf %mul3A_1304, %select_n3A_1301 : vector<40x128xf32>
    %div3A_1306 = arith.divf %sub3A_1302, %mul3A_1305 : vector<40x128xf32>
    %sign3A_1307 = tpu.bitcast %div3A_1306 : vector<40x128xf32> -> vector<40x128xi32>
    %sign3A_1308 = arith.constant -2147483648 : i32
    %sign3A_1309 = vector.broadcast %sign3A_1308 : i32 to vector<40x128xi32>
    %sign3A_1310 = arith.andi %sign3A_1307, %sign3A_1309 : vector<40x128xi32>
    %sign3A_1311 = arith.constant 1065353216 : i32
    %sign3A_1312 = vector.broadcast %sign3A_1311 : i32 to vector<40x128xi32>
    %sign3A_1313 = arith.ori %sign3A_1312, %sign3A_1310 : vector<40x128xi32>
    %sign3A_1314 = tpu.bitcast %sign3A_1313 : vector<40x128xi32> -> vector<40x128xf32>
    %sign3A_1315 = math.absf %div3A_1306 : vector<40x128xf32>
    %sign3A_1316 = arith.constant 0.000000e+00 : f32
    %sign3A_1317 = vector.broadcast %sign3A_1316 : f32 to vector<40x128xf32>
    %sign3A_1318 = arith.cmpf ogt, %sign3A_1315, %sign3A_1317 : vector<40x128xf32>
    %sign3A_1319 = arith.select %sign3A_1318, %sign3A_1314, %div3A_1306 : vector<40x128xi1>, vector<40x128xf32>
    %abs3A_1320 = math.absf %div3A_1306 : vector<40x128xf32>
    %mul3A_1321 = arith.mulf %div3A_1306, %div3A_1306 : vector<40x128xf32>
    %add3A_1322 = arith.constant 1.000000e+00 : f32
    %add3A_1323 = vector.broadcast %add3A_1322 : f32 to vector<40x128xf32>
    %add3A_1324 = arith.addf %add3A_1323, %mul3A_1321 : vector<40x128xf32>
    %sqrt3A_1325 = math.sqrt %add3A_1324 : vector<40x128xf32>
    %add3A_1326 = arith.addf %abs3A_1320, %sqrt3A_1325 : vector<40x128xf32>
    %div3A_1327 = arith.divf %sign3A_1319, %add3A_1326 : vector<40x128xf32>
    %eq3A_1328 = arith.constant 0.000000e+00 : f32
    %eq3A_1329 = vector.broadcast %eq3A_1328 : f32 to vector<40x128xf32>
    %eq3A_1330 = arith.cmpf oeq, %div3A_1306, %eq3A_1329 : vector<40x128xf32>
    %select_n3A_1331 = arith.select %eq3A_1330, %broadcast_in_dim3A_4, %div3A_1327 : vector<40x128xi1>, vector<40x128xf32>
    %select_n3A_1332 = arith.select %gt3A_1300, %select_n3A_1331, %broadcast_in_dim3A_6 : vector<40x128xi1>, vector<40x128xf32>
    %mul3A_1333 = arith.mulf %select_n3A_1332, %select_n3A_1332 : vector<40x128xf32>
    %add3A_1334 = arith.constant 1.000000e+00 : f32
    %add3A_1335 = vector.broadcast %add3A_1334 : f32 to vector<40x128xf32>
    %add3A_1336 = arith.addf %add3A_1335, %mul3A_1333 : vector<40x128xf32>
    %sqrt3A_1337 = math.sqrt %add3A_1336 : vector<40x128xf32>
    %div3A_1338 = arith.constant 1.000000e+00 : f32
    %div3A_1339 = vector.broadcast %div3A_1338 : f32 to vector<40x128xf32>
    %div3A_1340 = arith.divf %div3A_1339, %sqrt3A_1337 : vector<40x128xf32>
    %mul3A_1341 = arith.mulf %select_n3A_1332, %div3A_1340 : vector<40x128xf32>
    %mul3A_1342 = arith.mulf %select_n3A_1332, %add3A_1278 : vector<40x128xf32>
    %sub3A_1343 = arith.subf %add3A_1199, %mul3A_1342 : vector<40x128xf32>
    %mul3A_1344 = arith.mulf %select_n3A_1332, %add3A_1278 : vector<40x128xf32>
    %add3A_1345 = arith.addf %add3A_1272, %mul3A_1344 : vector<40x128xf32>
    %mul3A_1346 = arith.mulf %div3A_1340, %sub3A_1275 : vector<40x128xf32>
    %mul3A_1347 = arith.mulf %mul3A_1341, %broadcast_in_dim3A_6 : vector<40x128xf32>
    %sub3A_1348 = arith.subf %mul3A_1346, %mul3A_1347 : vector<40x128xf32>
    %mul3A_1349 = arith.mulf %mul3A_1341, %sub3A_1275 : vector<40x128xf32>
    %mul3A_1350 = arith.mulf %div3A_1340, %broadcast_in_dim3A_6 : vector<40x128xf32>
    %add3A_1351 = arith.addf %mul3A_1349, %mul3A_1350 : vector<40x128xf32>
    %mul3A_1352 = arith.mulf %div3A_1340, %add3A_1217 : vector<40x128xf32>
    %mul3A_1353 = arith.mulf %mul3A_1341, %add3A_1290 : vector<40x128xf32>
    %sub3A_1354 = arith.subf %mul3A_1352, %mul3A_1353 : vector<40x128xf32>
    %mul3A_1355 = arith.mulf %div3A_1340, %add3A_1220 : vector<40x128xf32>
    %mul3A_1356 = arith.mulf %mul3A_1341, %add3A_1293 : vector<40x128xf32>
    %sub3A_1357 = arith.subf %mul3A_1355, %mul3A_1356 : vector<40x128xf32>
    %mul3A_1358 = arith.mulf %div3A_1340, %add3A_1223 : vector<40x128xf32>
    %mul3A_1359 = arith.mulf %mul3A_1341, %add3A_1296 : vector<40x128xf32>
    %sub3A_1360 = arith.subf %mul3A_1358, %mul3A_1359 : vector<40x128xf32>
    %mul3A_1361 = arith.mulf %mul3A_1341, %add3A_1217 : vector<40x128xf32>
    %mul3A_1362 = arith.mulf %div3A_1340, %add3A_1290 : vector<40x128xf32>
    %add3A_1363 = arith.addf %mul3A_1361, %mul3A_1362 : vector<40x128xf32>
    %mul3A_1364 = arith.mulf %mul3A_1341, %add3A_1220 : vector<40x128xf32>
    %mul3A_1365 = arith.mulf %div3A_1340, %add3A_1293 : vector<40x128xf32>
    %add3A_1366 = arith.addf %mul3A_1364, %mul3A_1365 : vector<40x128xf32>
    %mul3A_1367 = arith.mulf %mul3A_1341, %add3A_1223 : vector<40x128xf32>
    %mul3A_1368 = arith.mulf %div3A_1340, %add3A_1296 : vector<40x128xf32>
    %add3A_1369 = arith.addf %mul3A_1367, %mul3A_1368 : vector<40x128xf32>
    %abs3A_1370 = math.absf %sub3A_1348 : vector<40x128xf32>
    %gt3A_1371 = arith.constant 0.000000e+00 : f32
    %gt3A_1372 = vector.broadcast %gt3A_1371 : f32 to vector<40x128xf32>
    %gt3A_1373 = arith.cmpf ogt, %abs3A_1370, %gt3A_1372 : vector<40x128xf32>
    %select_n3A_1374 = arith.select %gt3A_1373, %sub3A_1348, %broadcast_in_dim3A_4 : vector<40x128xi1>, vector<40x128xf32>
    %sub3A_1375 = arith.subf %sub3A_1343, %sub3A_1270 : vector<40x128xf32>
    %mul3A_1376 = arith.constant 2.000000e+00 : f32
    %mul3A_1377 = vector.broadcast %mul3A_1376 : f32 to vector<40x128xf32>
    %mul3A_1378 = arith.mulf %mul3A_1377, %select_n3A_1374 : vector<40x128xf32>
    %div3A_1379 = arith.divf %sub3A_1375, %mul3A_1378 : vector<40x128xf32>
    %sign3A_1380 = tpu.bitcast %div3A_1379 : vector<40x128xf32> -> vector<40x128xi32>
    %sign3A_1381 = arith.constant -2147483648 : i32
    %sign3A_1382 = vector.broadcast %sign3A_1381 : i32 to vector<40x128xi32>
    %sign3A_1383 = arith.andi %sign3A_1380, %sign3A_1382 : vector<40x128xi32>
    %sign3A_1384 = arith.constant 1065353216 : i32
    %sign3A_1385 = vector.broadcast %sign3A_1384 : i32 to vector<40x128xi32>
    %sign3A_1386 = arith.ori %sign3A_1385, %sign3A_1383 : vector<40x128xi32>
    %sign3A_1387 = tpu.bitcast %sign3A_1386 : vector<40x128xi32> -> vector<40x128xf32>
    %sign3A_1388 = math.absf %div3A_1379 : vector<40x128xf32>
    %sign3A_1389 = arith.constant 0.000000e+00 : f32
    %sign3A_1390 = vector.broadcast %sign3A_1389 : f32 to vector<40x128xf32>
    %sign3A_1391 = arith.cmpf ogt, %sign3A_1388, %sign3A_1390 : vector<40x128xf32>
    %sign3A_1392 = arith.select %sign3A_1391, %sign3A_1387, %div3A_1379 : vector<40x128xi1>, vector<40x128xf32>
    %abs3A_1393 = math.absf %div3A_1379 : vector<40x128xf32>
    %mul3A_1394 = arith.mulf %div3A_1379, %div3A_1379 : vector<40x128xf32>
    %add3A_1395 = arith.constant 1.000000e+00 : f32
    %add3A_1396 = vector.broadcast %add3A_1395 : f32 to vector<40x128xf32>
    %add3A_1397 = arith.addf %add3A_1396, %mul3A_1394 : vector<40x128xf32>
    %sqrt3A_1398 = math.sqrt %add3A_1397 : vector<40x128xf32>
    %add3A_1399 = arith.addf %abs3A_1393, %sqrt3A_1398 : vector<40x128xf32>
    %div3A_1400 = arith.divf %sign3A_1392, %add3A_1399 : vector<40x128xf32>
    %eq3A_1401 = arith.constant 0.000000e+00 : f32
    %eq3A_1402 = vector.broadcast %eq3A_1401 : f32 to vector<40x128xf32>
    %eq3A_1403 = arith.cmpf oeq, %div3A_1379, %eq3A_1402 : vector<40x128xf32>
    %select_n3A_1404 = arith.select %eq3A_1403, %broadcast_in_dim3A_4, %div3A_1400 : vector<40x128xi1>, vector<40x128xf32>
    %select_n3A_1405 = arith.select %gt3A_1373, %select_n3A_1404, %broadcast_in_dim3A_6 : vector<40x128xi1>, vector<40x128xf32>
    %mul3A_1406 = arith.mulf %select_n3A_1405, %select_n3A_1405 : vector<40x128xf32>
    %add3A_1407 = arith.constant 1.000000e+00 : f32
    %add3A_1408 = vector.broadcast %add3A_1407 : f32 to vector<40x128xf32>
    %add3A_1409 = arith.addf %add3A_1408, %mul3A_1406 : vector<40x128xf32>
    %sqrt3A_1410 = math.sqrt %add3A_1409 : vector<40x128xf32>
    %div3A_1411 = arith.constant 1.000000e+00 : f32
    %div3A_1412 = vector.broadcast %div3A_1411 : f32 to vector<40x128xf32>
    %div3A_1413 = arith.divf %div3A_1412, %sqrt3A_1410 : vector<40x128xf32>
    %mul3A_1414 = arith.mulf %select_n3A_1405, %div3A_1413 : vector<40x128xf32>
    %mul3A_1415 = arith.mulf %select_n3A_1405, %sub3A_1348 : vector<40x128xf32>
    %sub3A_1416 = arith.subf %sub3A_1270, %mul3A_1415 : vector<40x128xf32>
    %mul3A_1417 = arith.mulf %select_n3A_1405, %sub3A_1348 : vector<40x128xf32>
    %add3A_1418 = arith.addf %sub3A_1343, %mul3A_1417 : vector<40x128xf32>
    %mul3A_1419 = arith.mulf %div3A_1413, %add3A_1351 : vector<40x128xf32>
    %mul3A_1420 = arith.mulf %mul3A_1414, %broadcast_in_dim3A_6 : vector<40x128xf32>
    %sub3A_1421 = arith.subf %mul3A_1419, %mul3A_1420 : vector<40x128xf32>
    %mul3A_1422 = arith.mulf %mul3A_1414, %add3A_1351 : vector<40x128xf32>
    %mul3A_1423 = arith.mulf %div3A_1413, %broadcast_in_dim3A_6 : vector<40x128xf32>
    %add3A_1424 = arith.addf %mul3A_1422, %mul3A_1423 : vector<40x128xf32>
    %mul3A_1425 = arith.mulf %div3A_1413, %sub3A_1281 : vector<40x128xf32>
    %mul3A_1426 = arith.mulf %mul3A_1414, %sub3A_1354 : vector<40x128xf32>
    %sub3A_1427 = arith.subf %mul3A_1425, %mul3A_1426 : vector<40x128xf32>
    %mul3A_1428 = arith.mulf %div3A_1413, %sub3A_1284 : vector<40x128xf32>
    %mul3A_1429 = arith.mulf %mul3A_1414, %sub3A_1357 : vector<40x128xf32>
    %sub3A_1430 = arith.subf %mul3A_1428, %mul3A_1429 : vector<40x128xf32>
    %mul3A_1431 = arith.mulf %div3A_1413, %sub3A_1287 : vector<40x128xf32>
    %mul3A_1432 = arith.mulf %mul3A_1414, %sub3A_1360 : vector<40x128xf32>
    %sub3A_1433 = arith.subf %mul3A_1431, %mul3A_1432 : vector<40x128xf32>
    %mul3A_1434 = arith.mulf %mul3A_1414, %sub3A_1281 : vector<40x128xf32>
    %mul3A_1435 = arith.mulf %div3A_1413, %sub3A_1354 : vector<40x128xf32>
    %add3A_1436 = arith.addf %mul3A_1434, %mul3A_1435 : vector<40x128xf32>
    %mul3A_1437 = arith.mulf %mul3A_1414, %sub3A_1284 : vector<40x128xf32>
    %mul3A_1438 = arith.mulf %div3A_1413, %sub3A_1357 : vector<40x128xf32>
    %add3A_1439 = arith.addf %mul3A_1437, %mul3A_1438 : vector<40x128xf32>
    %mul3A_1440 = arith.mulf %mul3A_1414, %sub3A_1287 : vector<40x128xf32>
    %mul3A_1441 = arith.mulf %div3A_1413, %sub3A_1360 : vector<40x128xf32>
    %add3A_1442 = arith.addf %mul3A_1440, %mul3A_1441 : vector<40x128xf32>
    %abs3A_1443 = math.absf %sub3A_1421 : vector<40x128xf32>
    %gt3A_1444 = arith.constant 0.000000e+00 : f32
    %gt3A_1445 = vector.broadcast %gt3A_1444 : f32 to vector<40x128xf32>
    %gt3A_1446 = arith.cmpf ogt, %abs3A_1443, %gt3A_1445 : vector<40x128xf32>
    %select_n3A_1447 = arith.select %gt3A_1446, %sub3A_1421, %broadcast_in_dim3A_4 : vector<40x128xi1>, vector<40x128xf32>
    %sub3A_1448 = arith.subf %add3A_1345, %sub3A_1416 : vector<40x128xf32>
    %mul3A_1449 = arith.constant 2.000000e+00 : f32
    %mul3A_1450 = vector.broadcast %mul3A_1449 : f32 to vector<40x128xf32>
    %mul3A_1451 = arith.mulf %mul3A_1450, %select_n3A_1447 : vector<40x128xf32>
    %div3A_1452 = arith.divf %sub3A_1448, %mul3A_1451 : vector<40x128xf32>
    %sign3A_1453 = tpu.bitcast %div3A_1452 : vector<40x128xf32> -> vector<40x128xi32>
    %sign3A_1454 = arith.constant -2147483648 : i32
    %sign3A_1455 = vector.broadcast %sign3A_1454 : i32 to vector<40x128xi32>
    %sign3A_1456 = arith.andi %sign3A_1453, %sign3A_1455 : vector<40x128xi32>
    %sign3A_1457 = arith.constant 1065353216 : i32
    %sign3A_1458 = vector.broadcast %sign3A_1457 : i32 to vector<40x128xi32>
    %sign3A_1459 = arith.ori %sign3A_1458, %sign3A_1456 : vector<40x128xi32>
    %sign3A_1460 = tpu.bitcast %sign3A_1459 : vector<40x128xi32> -> vector<40x128xf32>
    %sign3A_1461 = math.absf %div3A_1452 : vector<40x128xf32>
    %sign3A_1462 = arith.constant 0.000000e+00 : f32
    %sign3A_1463 = vector.broadcast %sign3A_1462 : f32 to vector<40x128xf32>
    %sign3A_1464 = arith.cmpf ogt, %sign3A_1461, %sign3A_1463 : vector<40x128xf32>
    %sign3A_1465 = arith.select %sign3A_1464, %sign3A_1460, %div3A_1452 : vector<40x128xi1>, vector<40x128xf32>
    %abs3A_1466 = math.absf %div3A_1452 : vector<40x128xf32>
    %mul3A_1467 = arith.mulf %div3A_1452, %div3A_1452 : vector<40x128xf32>
    %add3A_1468 = arith.constant 1.000000e+00 : f32
    %add3A_1469 = vector.broadcast %add3A_1468 : f32 to vector<40x128xf32>
    %add3A_1470 = arith.addf %add3A_1469, %mul3A_1467 : vector<40x128xf32>
    %sqrt3A_1471 = math.sqrt %add3A_1470 : vector<40x128xf32>
    %add3A_1472 = arith.addf %abs3A_1466, %sqrt3A_1471 : vector<40x128xf32>
    %div3A_1473 = arith.divf %sign3A_1465, %add3A_1472 : vector<40x128xf32>
    %eq3A_1474 = arith.constant 0.000000e+00 : f32
    %eq3A_1475 = vector.broadcast %eq3A_1474 : f32 to vector<40x128xf32>
    %eq3A_1476 = arith.cmpf oeq, %div3A_1452, %eq3A_1475 : vector<40x128xf32>
    %select_n3A_1477 = arith.select %eq3A_1476, %broadcast_in_dim3A_4, %div3A_1473 : vector<40x128xi1>, vector<40x128xf32>
    %select_n3A_1478 = arith.select %gt3A_1446, %select_n3A_1477, %broadcast_in_dim3A_6 : vector<40x128xi1>, vector<40x128xf32>
    %mul3A_1479 = arith.mulf %select_n3A_1478, %select_n3A_1478 : vector<40x128xf32>
    %add3A_1480 = arith.constant 1.000000e+00 : f32
    %add3A_1481 = vector.broadcast %add3A_1480 : f32 to vector<40x128xf32>
    %add3A_1482 = arith.addf %add3A_1481, %mul3A_1479 : vector<40x128xf32>
    %sqrt3A_1483 = math.sqrt %add3A_1482 : vector<40x128xf32>
    %div3A_1484 = arith.constant 1.000000e+00 : f32
    %div3A_1485 = vector.broadcast %div3A_1484 : f32 to vector<40x128xf32>
    %div3A_1486 = arith.divf %div3A_1485, %sqrt3A_1483 : vector<40x128xf32>
    %mul3A_1487 = arith.mulf %select_n3A_1478, %div3A_1486 : vector<40x128xf32>
    %mul3A_1488 = arith.mulf %select_n3A_1478, %sub3A_1421 : vector<40x128xf32>
    %sub3A_1489 = arith.subf %sub3A_1416, %mul3A_1488 : vector<40x128xf32>
    %mul3A_1490 = arith.mulf %select_n3A_1478, %sub3A_1421 : vector<40x128xf32>
    %add3A_1491 = arith.addf %add3A_1345, %mul3A_1490 : vector<40x128xf32>
    %mul3A_1492 = arith.mulf %mul3A_1487, %broadcast_in_dim3A_6 : vector<40x128xf32>
    %mul3A_1493 = arith.mulf %div3A_1486, %add3A_1424 : vector<40x128xf32>
    %add3A_1494 = arith.addf %mul3A_1492, %mul3A_1493 : vector<40x128xf32>
    %mul3A_1495 = arith.mulf %div3A_1486, %sub3A_1427 : vector<40x128xf32>
    %mul3A_1496 = arith.mulf %mul3A_1487, %add3A_1363 : vector<40x128xf32>
    %sub3A_1497 = arith.subf %mul3A_1495, %mul3A_1496 : vector<40x128xf32>
    %mul3A_1498 = arith.mulf %div3A_1486, %sub3A_1430 : vector<40x128xf32>
    %mul3A_1499 = arith.mulf %mul3A_1487, %add3A_1366 : vector<40x128xf32>
    %sub3A_1500 = arith.subf %mul3A_1498, %mul3A_1499 : vector<40x128xf32>
    %mul3A_1501 = arith.mulf %div3A_1486, %sub3A_1433 : vector<40x128xf32>
    %mul3A_1502 = arith.mulf %mul3A_1487, %add3A_1369 : vector<40x128xf32>
    %sub3A_1503 = arith.subf %mul3A_1501, %mul3A_1502 : vector<40x128xf32>
    %mul3A_1504 = arith.mulf %mul3A_1487, %sub3A_1427 : vector<40x128xf32>
    %mul3A_1505 = arith.mulf %div3A_1486, %add3A_1363 : vector<40x128xf32>
    %add3A_1506 = arith.addf %mul3A_1504, %mul3A_1505 : vector<40x128xf32>
    %mul3A_1507 = arith.mulf %mul3A_1487, %sub3A_1430 : vector<40x128xf32>
    %mul3A_1508 = arith.mulf %div3A_1486, %add3A_1366 : vector<40x128xf32>
    %add3A_1509 = arith.addf %mul3A_1507, %mul3A_1508 : vector<40x128xf32>
    %mul3A_1510 = arith.mulf %mul3A_1487, %sub3A_1433 : vector<40x128xf32>
    %mul3A_1511 = arith.mulf %div3A_1486, %add3A_1369 : vector<40x128xf32>
    %add3A_1512 = arith.addf %mul3A_1510, %mul3A_1511 : vector<40x128xf32>
    %abs3A_1513 = math.absf %add3A_1494 : vector<40x128xf32>
    %gt3A_1514 = arith.constant 0.000000e+00 : f32
    %gt3A_1515 = vector.broadcast %gt3A_1514 : f32 to vector<40x128xf32>
    %gt3A_1516 = arith.cmpf ogt, %abs3A_1513, %gt3A_1515 : vector<40x128xf32>
    %select_n3A_1517 = arith.select %gt3A_1516, %add3A_1494, %broadcast_in_dim3A_4 : vector<40x128xi1>, vector<40x128xf32>
    %sub3A_1518 = arith.subf %add3A_1491, %add3A_1418 : vector<40x128xf32>
    %mul3A_1519 = arith.constant 2.000000e+00 : f32
    %mul3A_1520 = vector.broadcast %mul3A_1519 : f32 to vector<40x128xf32>
    %mul3A_1521 = arith.mulf %mul3A_1520, %select_n3A_1517 : vector<40x128xf32>
    %div3A_1522 = arith.divf %sub3A_1518, %mul3A_1521 : vector<40x128xf32>
    %sign3A_1523 = tpu.bitcast %div3A_1522 : vector<40x128xf32> -> vector<40x128xi32>
    %sign3A_1524 = arith.constant -2147483648 : i32
    %sign3A_1525 = vector.broadcast %sign3A_1524 : i32 to vector<40x128xi32>
    %sign3A_1526 = arith.andi %sign3A_1523, %sign3A_1525 : vector<40x128xi32>
    %sign3A_1527 = arith.constant 1065353216 : i32
    %sign3A_1528 = vector.broadcast %sign3A_1527 : i32 to vector<40x128xi32>
    %sign3A_1529 = arith.ori %sign3A_1528, %sign3A_1526 : vector<40x128xi32>
    %sign3A_1530 = tpu.bitcast %sign3A_1529 : vector<40x128xi32> -> vector<40x128xf32>
    %sign3A_1531 = math.absf %div3A_1522 : vector<40x128xf32>
    %sign3A_1532 = arith.constant 0.000000e+00 : f32
    %sign3A_1533 = vector.broadcast %sign3A_1532 : f32 to vector<40x128xf32>
    %sign3A_1534 = arith.cmpf ogt, %sign3A_1531, %sign3A_1533 : vector<40x128xf32>
    %sign3A_1535 = arith.select %sign3A_1534, %sign3A_1530, %div3A_1522 : vector<40x128xi1>, vector<40x128xf32>
    %abs3A_1536 = math.absf %div3A_1522 : vector<40x128xf32>
    %mul3A_1537 = arith.mulf %div3A_1522, %div3A_1522 : vector<40x128xf32>
    %add3A_1538 = arith.constant 1.000000e+00 : f32
    %add3A_1539 = vector.broadcast %add3A_1538 : f32 to vector<40x128xf32>
    %add3A_1540 = arith.addf %add3A_1539, %mul3A_1537 : vector<40x128xf32>
    %sqrt3A_1541 = math.sqrt %add3A_1540 : vector<40x128xf32>
    %add3A_1542 = arith.addf %abs3A_1536, %sqrt3A_1541 : vector<40x128xf32>
    %div3A_1543 = arith.divf %sign3A_1535, %add3A_1542 : vector<40x128xf32>
    %eq3A_1544 = arith.constant 0.000000e+00 : f32
    %eq3A_1545 = vector.broadcast %eq3A_1544 : f32 to vector<40x128xf32>
    %eq3A_1546 = arith.cmpf oeq, %div3A_1522, %eq3A_1545 : vector<40x128xf32>
    %select_n3A_1547 = arith.select %eq3A_1546, %broadcast_in_dim3A_4, %div3A_1543 : vector<40x128xi1>, vector<40x128xf32>
    %select_n3A_1548 = arith.select %gt3A_1516, %select_n3A_1547, %broadcast_in_dim3A_6 : vector<40x128xi1>, vector<40x128xf32>
    %mul3A_1549 = arith.mulf %select_n3A_1548, %select_n3A_1548 : vector<40x128xf32>
    %add3A_1550 = arith.constant 1.000000e+00 : f32
    %add3A_1551 = vector.broadcast %add3A_1550 : f32 to vector<40x128xf32>
    %add3A_1552 = arith.addf %add3A_1551, %mul3A_1549 : vector<40x128xf32>
    %sqrt3A_1553 = math.sqrt %add3A_1552 : vector<40x128xf32>
    %div3A_1554 = arith.constant 1.000000e+00 : f32
    %div3A_1555 = vector.broadcast %div3A_1554 : f32 to vector<40x128xf32>
    %div3A_1556 = arith.divf %div3A_1555, %sqrt3A_1553 : vector<40x128xf32>
    %mul3A_1557 = arith.mulf %select_n3A_1548, %div3A_1556 : vector<40x128xf32>
    %mul3A_1558 = arith.mulf %select_n3A_1548, %add3A_1494 : vector<40x128xf32>
    %sub3A_1559 = arith.subf %add3A_1418, %mul3A_1558 : vector<40x128xf32>
    %mul3A_1560 = arith.mulf %select_n3A_1548, %add3A_1494 : vector<40x128xf32>
    %add3A_1561 = arith.addf %add3A_1491, %mul3A_1560 : vector<40x128xf32>
    %mul3A_1562 = arith.mulf %div3A_1556, %add3A_1436 : vector<40x128xf32>
    %mul3A_1563 = arith.mulf %mul3A_1557, %add3A_1506 : vector<40x128xf32>
    %sub3A_1564 = arith.subf %mul3A_1562, %mul3A_1563 : vector<40x128xf32>
    %mul3A_1565 = arith.mulf %div3A_1556, %add3A_1439 : vector<40x128xf32>
    %mul3A_1566 = arith.mulf %mul3A_1557, %add3A_1509 : vector<40x128xf32>
    %sub3A_1567 = arith.subf %mul3A_1565, %mul3A_1566 : vector<40x128xf32>
    %mul3A_1568 = arith.mulf %div3A_1556, %add3A_1442 : vector<40x128xf32>
    %mul3A_1569 = arith.mulf %mul3A_1557, %add3A_1512 : vector<40x128xf32>
    %sub3A_1570 = arith.subf %mul3A_1568, %mul3A_1569 : vector<40x128xf32>
    %mul3A_1571 = arith.mulf %mul3A_1557, %add3A_1436 : vector<40x128xf32>
    %mul3A_1572 = arith.mulf %div3A_1556, %add3A_1506 : vector<40x128xf32>
    %add3A_1573 = arith.addf %mul3A_1571, %mul3A_1572 : vector<40x128xf32>
    %mul3A_1574 = arith.mulf %mul3A_1557, %add3A_1439 : vector<40x128xf32>
    %mul3A_1575 = arith.mulf %div3A_1556, %add3A_1509 : vector<40x128xf32>
    %add3A_1576 = arith.addf %mul3A_1574, %mul3A_1575 : vector<40x128xf32>
    %mul3A_1577 = arith.mulf %mul3A_1557, %add3A_1442 : vector<40x128xf32>
    %mul3A_1578 = arith.mulf %div3A_1556, %add3A_1512 : vector<40x128xf32>
    %add3A_1579 = arith.addf %mul3A_1577, %mul3A_1578 : vector<40x128xf32>
    %max3A_1580 = arith.maximumf %sub3A_1489, %sub3A_1559 : vector<40x128xf32>
    %max3A_1581 = arith.constant 9.99999993E-9 : f32
    %max3A_1582 = vector.broadcast %max3A_1581 : f32 to vector<40x128xf32>
    %max3A_1583 = arith.maximumf %add3A_1561, %max3A_1582 : vector<40x128xf32>
    %max3A_1584 = arith.maximumf %max3A_1580, %max3A_1583 : vector<40x128xf32>
    %mul3A_1585 = arith.constant 0.00999999977 : f32
    %mul3A_1586 = vector.broadcast %mul3A_1585 : f32 to vector<40x128xf32>
    %mul3A_1587 = arith.mulf %mul3A_1586, %max3A_1584 : vector<40x128xf32>
    %get3A_1588 = arith.constant 0 : index
    %get3A_1589 = arith.constant 0 : index
    %get3A_1590 = vector.load %arg1[%get3A_1588, %get3A_1589] : memref<40x128xf32, #tpu.memory_space<vmem>>, vector<40x128xf32>
    %le3A = arith.constant 1.000000e+00 : f32
    %le3A_1591 = vector.broadcast %le3A : f32 to vector<40x128xf32>
    %le3A_1592 = arith.cmpf ole, %get3A_1590, %le3A_1591 : vector<40x128xf32>
    %select_n3A_1593 = arith.select %le3A_1592, %broadcast_in_dim3A_6, %broadcast_in_dim3A_4 : vector<40x128xi1>, vector<40x128xf32>
    %gt3A_1594 = arith.cmpf ogt, %sub3A_1489, %mul3A_1587 : vector<40x128xf32>
    %select_n3A_1595 = arith.select %gt3A_1594, %select_n3A_1593, %broadcast_in_dim3A_6 : vector<40x128xi1>, vector<40x128xf32>
    %gt3A_1596 = arith.cmpf ogt, %sub3A_1559, %mul3A_1587 : vector<40x128xf32>
    %select_n3A_1597 = arith.select %gt3A_1596, %select_n3A_1593, %broadcast_in_dim3A_6 : vector<40x128xi1>, vector<40x128xf32>
    %gt3A_1598 = arith.cmpf ogt, %add3A_1561, %mul3A_1587 : vector<40x128xf32>
    %select_n3A_1599 = arith.select %gt3A_1598, %select_n3A_1593, %broadcast_in_dim3A_6 : vector<40x128xi1>, vector<40x128xf32>
    %mul3A_1600 = arith.mulf %sub3A_1497, %get3A_13 : vector<40x128xf32>
    %mul3A_1601 = arith.mulf %sub3A_1500, %get3A_18 : vector<40x128xf32>
    %add3A_1602 = arith.addf %mul3A_1600, %mul3A_1601 : vector<40x128xf32>
    %mul3A_1603 = arith.mulf %sub3A_1503, %get3A_23 : vector<40x128xf32>
    %add3A_1604 = arith.addf %add3A_1602, %mul3A_1603 : vector<40x128xf32>
    %mul3A_1605 = arith.mulf %sub3A_1564, %get3A_13 : vector<40x128xf32>
    %mul3A_1606 = arith.mulf %sub3A_1567, %get3A_18 : vector<40x128xf32>
    %add3A_1607 = arith.addf %mul3A_1605, %mul3A_1606 : vector<40x128xf32>
    %mul3A_1608 = arith.mulf %sub3A_1570, %get3A_23 : vector<40x128xf32>
    %add3A_1609 = arith.addf %add3A_1607, %mul3A_1608 : vector<40x128xf32>
    %mul3A_1610 = arith.mulf %add3A_1573, %get3A_13 : vector<40x128xf32>
    %mul3A_1611 = arith.mulf %add3A_1576, %get3A_18 : vector<40x128xf32>
    %add3A_1612 = arith.addf %mul3A_1610, %mul3A_1611 : vector<40x128xf32>
    %mul3A_1613 = arith.mulf %add3A_1579, %get3A_23 : vector<40x128xf32>
    %add3A_1614 = arith.addf %add3A_1612, %mul3A_1613 : vector<40x128xf32>
    %max3A_1615 = arith.constant 9.99999997E-7 : f32
    %max3A_1616 = vector.broadcast %max3A_1615 : f32 to vector<40x128xf32>
    %max3A_1617 = arith.maximumf %sub3A_1489, %max3A_1616 : vector<40x128xf32>
    %div3A_1618 = arith.divf %add3A_1604, %max3A_1617 : vector<40x128xf32>
    %mul3A_1619 = arith.mulf %div3A_1618, %select_n3A_1595 : vector<40x128xf32>
    %max3A_1620 = arith.constant 9.99999997E-7 : f32
    %max3A_1621 = vector.broadcast %max3A_1620 : f32 to vector<40x128xf32>
    %max3A_1622 = arith.maximumf %sub3A_1559, %max3A_1621 : vector<40x128xf32>
    %div3A_1623 = arith.divf %add3A_1609, %max3A_1622 : vector<40x128xf32>
    %mul3A_1624 = arith.mulf %div3A_1623, %select_n3A_1597 : vector<40x128xf32>
    %max3A_1625 = arith.constant 9.99999997E-7 : f32
    %max3A_1626 = vector.broadcast %max3A_1625 : f32 to vector<40x128xf32>
    %max3A_1627 = arith.maximumf %add3A_1561, %max3A_1626 : vector<40x128xf32>
    %div3A_1628 = arith.divf %add3A_1614, %max3A_1627 : vector<40x128xf32>
    %mul3A_1629 = arith.mulf %div3A_1628, %select_n3A_1599 : vector<40x128xf32>
    %get3A_1630 = arith.constant 0 : index
    %get3A_1631 = arith.constant 0 : index
    %get3A_1632 = vector.load %arg2[%get3A_1630, %get3A_1631] : memref<40x128xf32, #tpu.memory_space<vmem>>, vector<40x128xf32>
    %get3A_1633 = arith.constant 1 : index
    %get3A_1634 = arith.constant 0 : index
    %get3A_1635 = arith.constant 0 : index
    %get3A_1636 = vector.load %arg0[%get3A_1633, %get3A_1634, %get3A_1635] : memref<13x40x128xf32, #tpu.memory_space<vmem>>, vector<1x40x128xf32>
    %get3A_1637 = vector.shape_cast %get3A_1636 : vector<1x40x128xf32> to vector<40x128xf32>
    %mul3A_1638 = arith.mulf %get3A_1637, %div3A_8 : vector<40x128xf32>
    %mul3A_1639 = arith.mulf %mul3A_1638, %get3A_1632 : vector<40x128xf32>
    %swap3A = arith.constant 0 : index
    %swap3A_1640 = arith.constant 0 : index
    %swap3A_1641 = arith.constant 0 : index
    %swap3A_1642 = vector.load %arg3[%swap3A, %swap3A_1640, %swap3A_1641] : memref<15x40x128xf32, #tpu.memory_space<vmem>>, vector<1x40x128xf32>
    %swap3A_1643 = vector.shape_cast %swap3A_1642 : vector<1x40x128xf32> to vector<40x128xf32>
    %swap3A_1644 = vector.shape_cast %mul3A_1639 : vector<40x128xf32> to vector<1x40x128xf32>
    tpu.vector_store %arg3[%swap3A, %swap3A_1640, %swap3A_1641], %swap3A_1644 {strides = array<i32>} : memref<15x40x128xf32, #tpu.memory_space<vmem>>, vector<1x40x128xf32>,
    %get3A_1645 = arith.constant 2 : index
    %get3A_1646 = arith.constant 0 : index
    %get3A_1647 = arith.constant 0 : index
    %get3A_1648 = vector.load %arg0[%get3A_1645, %get3A_1646, %get3A_1647] : memref<13x40x128xf32, #tpu.memory_space<vmem>>, vector<1x40x128xf32>
    %get3A_1649 = vector.shape_cast %get3A_1648 : vector<1x40x128xf32> to vector<40x128xf32>
    %mul3A_1650 = arith.mulf %get3A_1649, %div3A_8 : vector<40x128xf32>
    %mul3A_1651 = arith.mulf %mul3A_1650, %get3A_1632 : vector<40x128xf32>
    %swap3A_1652 = arith.constant 1 : index
    %swap3A_1653 = arith.constant 0 : index
    %swap3A_1654 = arith.constant 0 : index
    %swap3A_1655 = vector.load %arg3[%swap3A_1652, %swap3A_1653, %swap3A_1654] : memref<15x40x128xf32, #tpu.memory_space<vmem>>, vector<1x40x128xf32>
    %swap3A_1656 = vector.shape_cast %swap3A_1655 : vector<1x40x128xf32> to vector<40x128xf32>
    %swap3A_1657 = vector.shape_cast %mul3A_1651 : vector<40x128xf32> to vector<1x40x128xf32>
    tpu.vector_store %arg3[%swap3A_1652, %swap3A_1653, %swap3A_1654], %swap3A_1657 {strides = array<i32>} : memref<15x40x128xf32, #tpu.memory_space<vmem>>, vector<1x40x128xf32>,
    %get3A_1658 = arith.constant 3 : index
    %get3A_1659 = arith.constant 0 : index
    %get3A_1660 = arith.constant 0 : index
    %get3A_1661 = vector.load %arg0[%get3A_1658, %get3A_1659, %get3A_1660] : memref<13x40x128xf32, #tpu.memory_space<vmem>>, vector<1x40x128xf32>
    %get3A_1662 = vector.shape_cast %get3A_1661 : vector<1x40x128xf32> to vector<40x128xf32>
    %mul3A_1663 = arith.mulf %get3A_1662, %div3A_8 : vector<40x128xf32>
    %mul3A_1664 = arith.mulf %mul3A_1663, %get3A_1632 : vector<40x128xf32>
    %swap3A_1665 = arith.constant 2 : index
    %swap3A_1666 = arith.constant 0 : index
    %swap3A_1667 = arith.constant 0 : index
    %swap3A_1668 = vector.load %arg3[%swap3A_1665, %swap3A_1666, %swap3A_1667] : memref<15x40x128xf32, #tpu.memory_space<vmem>>, vector<1x40x128xf32>
    %swap3A_1669 = vector.shape_cast %swap3A_1668 : vector<1x40x128xf32> to vector<40x128xf32>
    %swap3A_1670 = vector.shape_cast %mul3A_1664 : vector<40x128xf32> to vector<1x40x128xf32>
    tpu.vector_store %arg3[%swap3A_1665, %swap3A_1666, %swap3A_1667], %swap3A_1670 {strides = array<i32>} : memref<15x40x128xf32, #tpu.memory_space<vmem>>, vector<1x40x128xf32>,
    %mul3A_1671 = arith.mulf %sub3A_1497, %mul3A_1619 : vector<40x128xf32>
    %mul3A_1672 = arith.mulf %sub3A_1564, %mul3A_1624 : vector<40x128xf32>
    %add3A_1673 = arith.addf %mul3A_1671, %mul3A_1672 : vector<40x128xf32>
    %mul3A_1674 = arith.mulf %add3A_1573, %mul3A_1629 : vector<40x128xf32>
    %add3A_1675 = arith.addf %add3A_1673, %mul3A_1674 : vector<40x128xf32>
    %mul3A_1676 = arith.mulf %add3A_1675, %get3A_1632 : vector<40x128xf32>
    %swap3A_1677 = arith.constant 3 : index
    %swap3A_1678 = arith.constant 0 : index
    %swap3A_1679 = arith.constant 0 : index
    %swap3A_1680 = vector.load %arg3[%swap3A_1677, %swap3A_1678, %swap3A_1679] : memref<15x40x128xf32, #tpu.memory_space<vmem>>, vector<1x40x128xf32>
    %swap3A_1681 = vector.shape_cast %swap3A_1680 : vector<1x40x128xf32> to vector<40x128xf32>
    %swap3A_1682 = vector.shape_cast %mul3A_1676 : vector<40x128xf32> to vector<1x40x128xf32>
    tpu.vector_store %arg3[%swap3A_1677, %swap3A_1678, %swap3A_1679], %swap3A_1682 {strides = array<i32>} : memref<15x40x128xf32, #tpu.memory_space<vmem>>, vector<1x40x128xf32>,
    %mul3A_1683 = arith.mulf %sub3A_1500, %mul3A_1619 : vector<40x128xf32>
    %mul3A_1684 = arith.mulf %sub3A_1567, %mul3A_1624 : vector<40x128xf32>
    %add3A_1685 = arith.addf %mul3A_1683, %mul3A_1684 : vector<40x128xf32>
    %mul3A_1686 = arith.mulf %add3A_1576, %mul3A_1629 : vector<40x128xf32>
    %add3A_1687 = arith.addf %add3A_1685, %mul3A_1686 : vector<40x128xf32>
    %mul3A_1688 = arith.mulf %add3A_1687, %get3A_1632 : vector<40x128xf32>
    %swap3A_1689 = arith.constant 4 : index
    %swap3A_1690 = arith.constant 0 : index
    %swap3A_1691 = arith.constant 0 : index
    %swap3A_1692 = vector.load %arg3[%swap3A_1689, %swap3A_1690, %swap3A_1691] : memref<15x40x128xf32, #tpu.memory_space<vmem>>, vector<1x40x128xf32>
    %swap3A_1693 = vector.shape_cast %swap3A_1692 : vector<1x40x128xf32> to vector<40x128xf32>
    %swap3A_1694 = vector.shape_cast %mul3A_1688 : vector<40x128xf32> to vector<1x40x128xf32>
    tpu.vector_store %arg3[%swap3A_1689, %swap3A_1690, %swap3A_1691], %swap3A_1694 {strides = array<i32>} : memref<15x40x128xf32, #tpu.memory_space<vmem>>, vector<1x40x128xf32>,
    %mul3A_1695 = arith.mulf %sub3A_1503, %mul3A_1619 : vector<40x128xf32>
    %mul3A_1696 = arith.mulf %sub3A_1570, %mul3A_1624 : vector<40x128xf32>
    %add3A_1697 = arith.addf %mul3A_1695, %mul3A_1696 : vector<40x128xf32>
    %mul3A_1698 = arith.mulf %add3A_1579, %mul3A_1629 : vector<40x128xf32>
    %add3A_1699 = arith.addf %add3A_1697, %mul3A_1698 : vector<40x128xf32>
    %mul3A_1700 = arith.mulf %add3A_1699, %get3A_1632 : vector<40x128xf32>
    %swap3A_1701 = arith.constant 5 : index
    %swap3A_1702 = arith.constant 0 : index
    %swap3A_1703 = arith.constant 0 : index
    %swap3A_1704 = vector.load %arg3[%swap3A_1701, %swap3A_1702, %swap3A_1703] : memref<15x40x128xf32, #tpu.memory_space<vmem>>, vector<1x40x128xf32>
    %swap3A_1705 = vector.shape_cast %swap3A_1704 : vector<1x40x128xf32> to vector<40x128xf32>
    %swap3A_1706 = vector.shape_cast %mul3A_1700 : vector<40x128xf32> to vector<1x40x128xf32>
    tpu.vector_store %arg3[%swap3A_1701, %swap3A_1702, %swap3A_1703], %swap3A_1706 {strides = array<i32>} : memref<15x40x128xf32, #tpu.memory_space<vmem>>, vector<1x40x128xf32>,
    %mul3A_1707 = arith.mulf %select_n3A_1595, %get3A_1632 : vector<40x128xf32>
    %mul3A_1708 = arith.mulf %select_n3A_1597, %get3A_1632 : vector<40x128xf32>
    %mul3A_1709 = arith.mulf %select_n3A_1599, %get3A_1632 : vector<40x128xf32>
    %mul3A_1710 = arith.mulf %sub3A_1497, %sub3A_1500 : vector<40x128xf32>
    %mul3A_1711 = arith.mulf %mul3A_1710, %mul3A_1707 : vector<40x128xf32>
    %mul3A_1712 = arith.mulf %sub3A_1564, %sub3A_1567 : vector<40x128xf32>
    %mul3A_1713 = arith.mulf %mul3A_1712, %mul3A_1708 : vector<40x128xf32>
    %add3A_1714 = arith.addf %mul3A_1711, %mul3A_1713 : vector<40x128xf32>
    %mul3A_1715 = arith.mulf %add3A_1573, %add3A_1576 : vector<40x128xf32>
    %mul3A_1716 = arith.mulf %mul3A_1715, %mul3A_1709 : vector<40x128xf32>
    %add3A_1717 = arith.addf %add3A_1714, %mul3A_1716 : vector<40x128xf32>
    %mul3A_1718 = arith.mulf %sub3A_1497, %sub3A_1503 : vector<40x128xf32>
    %mul3A_1719 = arith.mulf %mul3A_1718, %mul3A_1707 : vector<40x128xf32>
    %mul3A_1720 = arith.mulf %sub3A_1564, %sub3A_1570 : vector<40x128xf32>
    %mul3A_1721 = arith.mulf %mul3A_1720, %mul3A_1708 : vector<40x128xf32>
    %add3A_1722 = arith.addf %mul3A_1719, %mul3A_1721 : vector<40x128xf32>
    %mul3A_1723 = arith.mulf %add3A_1573, %add3A_1579 : vector<40x128xf32>
    %mul3A_1724 = arith.mulf %mul3A_1723, %mul3A_1709 : vector<40x128xf32>
    %add3A_1725 = arith.addf %add3A_1722, %mul3A_1724 : vector<40x128xf32>
    %mul3A_1726 = arith.mulf %sub3A_1500, %sub3A_1503 : vector<40x128xf32>
    %mul3A_1727 = arith.mulf %mul3A_1726, %mul3A_1707 : vector<40x128xf32>
    %mul3A_1728 = arith.mulf %sub3A_1567, %sub3A_1570 : vector<40x128xf32>
    %mul3A_1729 = arith.mulf %mul3A_1728, %mul3A_1708 : vector<40x128xf32>
    %add3A_1730 = arith.addf %mul3A_1727, %mul3A_1729 : vector<40x128xf32>
    %mul3A_1731 = arith.mulf %add3A_1576, %add3A_1579 : vector<40x128xf32>
    %mul3A_1732 = arith.mulf %mul3A_1731, %mul3A_1709 : vector<40x128xf32>
    %add3A_1733 = arith.addf %add3A_1730, %mul3A_1732 : vector<40x128xf32>
    %mul3A_1734 = arith.mulf %sub3A_1497, %sub3A_1497 : vector<40x128xf32>
    %mul3A_1735 = arith.mulf %mul3A_1734, %mul3A_1707 : vector<40x128xf32>
    %mul3A_1736 = arith.mulf %sub3A_1564, %sub3A_1564 : vector<40x128xf32>
    %mul3A_1737 = arith.mulf %mul3A_1736, %mul3A_1708 : vector<40x128xf32>
    %add3A_1738 = arith.addf %mul3A_1735, %mul3A_1737 : vector<40x128xf32>
    %mul3A_1739 = arith.mulf %add3A_1573, %add3A_1573 : vector<40x128xf32>
    %mul3A_1740 = arith.mulf %mul3A_1739, %mul3A_1709 : vector<40x128xf32>
    %add3A_1741 = arith.addf %add3A_1738, %mul3A_1740 : vector<40x128xf32>
    %swap3A_1742 = arith.constant 6 : index
    %swap3A_1743 = arith.constant 0 : index
    %swap3A_1744 = arith.constant 0 : index
    %swap3A_1745 = vector.load %arg3[%swap3A_1742, %swap3A_1743, %swap3A_1744] : memref<15x40x128xf32, #tpu.memory_space<vmem>>, vector<1x40x128xf32>
    %swap3A_1746 = vector.shape_cast %swap3A_1745 : vector<1x40x128xf32> to vector<40x128xf32>
    %swap3A_1747 = vector.shape_cast %add3A_1741 : vector<40x128xf32> to vector<1x40x128xf32>
    tpu.vector_store %arg3[%swap3A_1742, %swap3A_1743, %swap3A_1744], %swap3A_1747 {strides = array<i32>} : memref<15x40x128xf32, #tpu.memory_space<vmem>>, vector<1x40x128xf32>,
    %swap3A_1748 = arith.constant 7 : index
    %swap3A_1749 = arith.constant 0 : index
    %swap3A_1750 = arith.constant 0 : index
    %swap3A_1751 = vector.load %arg3[%swap3A_1748, %swap3A_1749, %swap3A_1750] : memref<15x40x128xf32, #tpu.memory_space<vmem>>, vector<1x40x128xf32>
    %swap3A_1752 = vector.shape_cast %swap3A_1751 : vector<1x40x128xf32> to vector<40x128xf32>
    %swap3A_1753 = vector.shape_cast %add3A_1717 : vector<40x128xf32> to vector<1x40x128xf32>
    tpu.vector_store %arg3[%swap3A_1748, %swap3A_1749, %swap3A_1750], %swap3A_1753 {strides = array<i32>} : memref<15x40x128xf32, #tpu.memory_space<vmem>>, vector<1x40x128xf32>,
    %swap3A_1754 = arith.constant 8 : index
    %swap3A_1755 = arith.constant 0 : index
    %swap3A_1756 = arith.constant 0 : index
    %swap3A_1757 = vector.load %arg3[%swap3A_1754, %swap3A_1755, %swap3A_1756] : memref<15x40x128xf32, #tpu.memory_space<vmem>>, vector<1x40x128xf32>
    %swap3A_1758 = vector.shape_cast %swap3A_1757 : vector<1x40x128xf32> to vector<40x128xf32>
    %swap3A_1759 = vector.shape_cast %add3A_1725 : vector<40x128xf32> to vector<1x40x128xf32>
    tpu.vector_store %arg3[%swap3A_1754, %swap3A_1755, %swap3A_1756], %swap3A_1759 {strides = array<i32>} : memref<15x40x128xf32, #tpu.memory_space<vmem>>, vector<1x40x128xf32>,
    %swap3A_1760 = arith.constant 9 : index
    %swap3A_1761 = arith.constant 0 : index
    %swap3A_1762 = arith.constant 0 : index
    %swap3A_1763 = vector.load %arg3[%swap3A_1760, %swap3A_1761, %swap3A_1762] : memref<15x40x128xf32, #tpu.memory_space<vmem>>, vector<1x40x128xf32>
    %swap3A_1764 = vector.shape_cast %swap3A_1763 : vector<1x40x128xf32> to vector<40x128xf32>
    %swap3A_1765 = vector.shape_cast %add3A_1717 : vector<40x128xf32> to vector<1x40x128xf32>
    tpu.vector_store %arg3[%swap3A_1760, %swap3A_1761, %swap3A_1762], %swap3A_1765 {strides = array<i32>} : memref<15x40x128xf32, #tpu.memory_space<vmem>>, vector<1x40x128xf32>,
    %mul3A_1766 = arith.mulf %sub3A_1500, %sub3A_1500 : vector<40x128xf32>
    %mul3A_1767 = arith.mulf %mul3A_1766, %mul3A_1707 : vector<40x128xf32>
    %mul3A_1768 = arith.mulf %sub3A_1567, %sub3A_1567 : vector<40x128xf32>
    %mul3A_1769 = arith.mulf %mul3A_1768, %mul3A_1708 : vector<40x128xf32>
    %add3A_1770 = arith.addf %mul3A_1767, %mul3A_1769 : vector<40x128xf32>
    %mul3A_1771 = arith.mulf %add3A_1576, %add3A_1576 : vector<40x128xf32>
    %mul3A_1772 = arith.mulf %mul3A_1771, %mul3A_1709 : vector<40x128xf32>
    %add3A_1773 = arith.addf %add3A_1770, %mul3A_1772 : vector<40x128xf32>
    %swap3A_1774 = arith.constant 10 : index
    %swap3A_1775 = arith.constant 0 : index
    %swap3A_1776 = arith.constant 0 : index
    %swap3A_1777 = vector.load %arg3[%swap3A_1774, %swap3A_1775, %swap3A_1776] : memref<15x40x128xf32, #tpu.memory_space<vmem>>, vector<1x40x128xf32>
    %swap3A_1778 = vector.shape_cast %swap3A_1777 : vector<1x40x128xf32> to vector<40x128xf32>
    %swap3A_1779 = vector.shape_cast %add3A_1773 : vector<40x128xf32> to vector<1x40x128xf32>
    tpu.vector_store %arg3[%swap3A_1774, %swap3A_1775, %swap3A_1776], %swap3A_1779 {strides = array<i32>} : memref<15x40x128xf32, #tpu.memory_space<vmem>>, vector<1x40x128xf32>,
    %swap3A_1780 = arith.constant 11 : index
    %swap3A_1781 = arith.constant 0 : index
    %swap3A_1782 = arith.constant 0 : index
    %swap3A_1783 = vector.load %arg3[%swap3A_1780, %swap3A_1781, %swap3A_1782] : memref<15x40x128xf32, #tpu.memory_space<vmem>>, vector<1x40x128xf32>
    %swap3A_1784 = vector.shape_cast %swap3A_1783 : vector<1x40x128xf32> to vector<40x128xf32>
    %swap3A_1785 = vector.shape_cast %add3A_1733 : vector<40x128xf32> to vector<1x40x128xf32>
    tpu.vector_store %arg3[%swap3A_1780, %swap3A_1781, %swap3A_1782], %swap3A_1785 {strides = array<i32>} : memref<15x40x128xf32, #tpu.memory_space<vmem>>, vector<1x40x128xf32>,
    %swap3A_1786 = arith.constant 12 : index
    %swap3A_1787 = arith.constant 0 : index
    %swap3A_1788 = arith.constant 0 : index
    %swap3A_1789 = vector.load %arg3[%swap3A_1786, %swap3A_1787, %swap3A_1788] : memref<15x40x128xf32, #tpu.memory_space<vmem>>, vector<1x40x128xf32>
    %swap3A_1790 = vector.shape_cast %swap3A_1789 : vector<1x40x128xf32> to vector<40x128xf32>
    %swap3A_1791 = vector.shape_cast %add3A_1725 : vector<40x128xf32> to vector<1x40x128xf32>
    tpu.vector_store %arg3[%swap3A_1786, %swap3A_1787, %swap3A_1788], %swap3A_1791 {strides = array<i32>} : memref<15x40x128xf32, #tpu.memory_space<vmem>>, vector<1x40x128xf32>,
    %swap3A_1792 = arith.constant 13 : index
    %swap3A_1793 = arith.constant 0 : index
    %swap3A_1794 = arith.constant 0 : index
    %swap3A_1795 = vector.load %arg3[%swap3A_1792, %swap3A_1793, %swap3A_1794] : memref<15x40x128xf32, #tpu.memory_space<vmem>>, vector<1x40x128xf32>
    %swap3A_1796 = vector.shape_cast %swap3A_1795 : vector<1x40x128xf32> to vector<40x128xf32>
    %swap3A_1797 = vector.shape_cast %add3A_1733 : vector<40x128xf32> to vector<1x40x128xf32>
    tpu.vector_store %arg3[%swap3A_1792, %swap3A_1793, %swap3A_1794], %swap3A_1797 {strides = array<i32>} : memref<15x40x128xf32, #tpu.memory_space<vmem>>, vector<1x40x128xf32>,
    %mul3A_1798 = arith.mulf %sub3A_1503, %sub3A_1503 : vector<40x128xf32>
    %mul3A_1799 = arith.mulf %mul3A_1798, %mul3A_1707 : vector<40x128xf32>
    %mul3A_1800 = arith.mulf %sub3A_1570, %sub3A_1570 : vector<40x128xf32>
    %mul3A_1801 = arith.mulf %mul3A_1800, %mul3A_1708 : vector<40x128xf32>
    %add3A_1802 = arith.addf %mul3A_1799, %mul3A_1801 : vector<40x128xf32>
    %mul3A_1803 = arith.mulf %add3A_1579, %add3A_1579 : vector<40x128xf32>
    %mul3A_1804 = arith.mulf %mul3A_1803, %mul3A_1709 : vector<40x128xf32>
    %add3A_1805 = arith.addf %add3A_1802, %mul3A_1804 : vector<40x128xf32>
    %swap3A_1806 = arith.constant 14 : index
    %swap3A_1807 = arith.constant 0 : index
    %swap3A_1808 = arith.constant 0 : index
    %swap3A_1809 = vector.load %arg3[%swap3A_1806, %swap3A_1807, %swap3A_1808] : memref<15x40x128xf32, #tpu.memory_space<vmem>>, vector<1x40x128xf32>
    %swap3A_1810 = vector.shape_cast %swap3A_1809 : vector<1x40x128xf32> to vector<40x128xf32>
    %swap3A_1811 = vector.shape_cast %add3A_1805 : vector<40x128xf32> to vector<1x40x128xf32>
    tpu.vector_store %arg3[%swap3A_1806, %swap3A_1807, %swap3A_1808], %swap3A_1811 {strides = array<i32>} : memref<15x40x128xf32, #tpu.memory_space<vmem>>, vector<1x40x128xf32>,
    return
  }
}

</mosaic_0001>

<sc_bundles>
// kernel: kernel.4.cloned.1.call-start
scs
__scs_entry_jumppad:
0x0: {  	(pc) =	sbr.rel $0x88, $3  }
0x1: {  	(tag) =	ssettag $0x0;
	lr =	simm.s32 $0x1  }
0x2: {  	[smem:$0x3F9B] =	sst lr;
	_ =	strace $0xD0000000  }
0x3: {  	_ = 	snop  }
0x4: {  	_ = 	snop  }
0x5: {  	_ = 	snop  }
0x6: {  	_ = 	snop  }
0x7: {  	_ = 	snop  }
__scs_overlays_trampoline_lowered:
0x8: {  	[smem:$0x3FAA] =	sst s0  }
0x9: {  	[smem:$0x3FAB] =	sst s1  }
0xa: {  	[smem:$0x3FAC] =	sst s2  }
0xb: {  	[smem:$0x3FAD] =	sst s3  }
0xc: {  	[smem:$0x3FAE] =	sst s4  }
0xd: {  	[smem:$0x3FAF] =	sst s5  }
0xe: {  	[smem:$0x3FB0] =	sst s6  }
0xf: {  	[smem:$0x3FB1] =	sst s7  }
0x10: {  	[smem:$0x3FB2] =	sst s8  }
0x11: {  	[smem:$0x3FB3] =	sst s9;
	s0 =	simm.s32 @!p0 $0x0  }
0x12: {  	s1 =	sld [smem:$0x3F99];
	s0 =	simm.s32 @p0 $0x1  }
0x13: {  	[smem:$0x3FB4] =	sst s0;
	s0 =	simm.s32 @!p1 $0x0  }
0x14: {  	s2 =	sld [smem:$0x3F98];
	s0 =	simm.s32 @p1 $0x1  }
0x15: {  	[smem:$0x3FB5] =	sst s0;
	s0 =	simm.s32 @!p2 $0x0  }
0x16: {  	s3 =	sld [smem:$0x3FDB];
	s0 =	simm.s32 @p2 $0x1  }
0x17: {  	s4 =	simm.s32 $0x1BF5;
	[smem:$0x3FB7] =	sst s0  }
0x18: {  	s0 =	sld [smem:$0x3F9A];
	_ =	swait.ge [sflag:s4], $0x0  }
0x19: {  	s7 =	sld [smem:$0x3F9B]  }
0x1a: {  	s8 =	sadd.s32 $0xFFFFE003, lr  }
0x1b: {  	s9 =	sadd.s32 $0xFFFFFEF7, lr;
	s5 =	simm.s32 $0xFFFFFFFF;
	p2 =	slt.u32 s8, $0xFFFFF086  }
0x1c: {  	p1 =	slt.u32 s9, $0xF7A;
	s5 =	simm.s32 @!p2 $0x0  }
0x1d: {  	s5 =	simm.s32 @p1 $0x1;
	p0 =	seq.s32 s7, s2  }
0x1e: {  	s7 =	smul.u32 @!p0 $0xF7A, s2;
	p2 =	seq.s32 @!p0 s5, $0x0  }
0x1f: {  	s9 =	smul.u32 $0xF7A, s1;
	s8 =	simm.s32 @!p0 $0x1BF5;
	p2 =	por !p2, p0  }
0x20: {  	[sflag:s8] =	ssyncset.s32 @!p0 $0xFFFFF086;
	s6 =	sadd.s32 @!p0 s3, s7;
	s7 =	simm.s32 @!p0 $0x108  }
0x21: {  	s3 =	sadd.s32 s3, s9;
	s6 =	sadd.s32 @!p0 $0x88, s6;
	s7 =	simm.s32 @p2 $0x1082  }
0x22: {  	[simem:s7], [sflag:s8] =	dma.local @!p0 [hbm:s6], $0xF7A  }
0x23: {  	s9 =	sor.u32 $0xD0000000, s2;
	s6 =	simm.s32 $0x108;
	_ =	swait.ge @!p0 [sflag:s8], $0x0  }
0x24: {  	s3 =	sadd.s32 $0x88, s3;
	s6 =	simm.s32 @!p1 $0x1082;
	[sflag:s4] =	ssyncset.s32 $0xFFFFF086  }
0x25: {  	[simem:s6], [sflag:s4] =	dma.local [hbm:s3], $0xF7A  }
0x26: {  	[smem:$0x3F9B] =	sst s1;
	(tag) =	ssettag s2;
	_ =	strace s9  }
0x27: {  	s1 =	sld [smem:$0x3FAB]  }
0x28: {  	s2 =	sld [smem:$0x3FAC]  }
0x29: {  	s4 =	sld [smem:$0x3FAE]  }
0x2a: {  	p0 =	seq.s32 s5, $0x0;
	s5 =	sld [smem:$0x3FAF]  }
0x2b: {  	s6 =	sld [smem:$0x3FB0]  }
0x2c: {  	s7 =	sld [smem:$0x3FB1]  }
0x2d: {  	s3 =	simm.s32 $0x108;
	s8 =	sld [smem:$0x3FB2]  }
0x2e: {  	s3 =	simm.s32 @!p0 $0x1082;
	s9 =	sld [smem:$0x3FB3]  }
0x2f: {  	lr =	sadd.s32 s0, s3;
	s0 =	sld [smem:$0x3FAA]  }
0x30: {  	s3 =	sld [smem:$0x3FAD]  }
0x31: {  	[smem:$0x3FB6] =	sst s10  }
0x32: {  	s10 =	sld [smem:$0x3FB4];
	_ =	sdelay $0x3  }
0x33: {  	p0 =	seq.s32 s10, $0x1;
	s10 =	sld [smem:$0x3FB6];
	_ =	sdelay $0x3  }
0x34: {  	[smem:$0x3FB6] =	sst s10  }
0x35: {  	s10 =	sld [smem:$0x3FB5];
	_ =	sdelay $0x3  }
0x36: {  	p1 =	seq.s32 s10, $0x1;
	s10 =	sld [smem:$0x3FB6];
	_ =	sdelay $0x3  }
0x37: {  	[smem:$0x3FB6] =	sst s10  }
0x38: {  	s10 =	sld [smem:$0x3FB7]  }
0x39: {  	_ = 	snop;
	(pc) =	sbr.ind lr, $3  }
0x3a: {  	_ = 	snop  }
0x3b: {  	_ = 	snop  }
0x3c: {  	p2 =	seq.s32 s10, $0x1;
	s10 =	sld [smem:$0x3FB6]  }
0x3d: {  	_ =	shalt  }
0x3e: {  	_ =	shalt  }
0x3f: {  	_ =	shalt  }
0x40: {  	_ =	shalt  }
0x41: {  	_ =	shalt  }
0x42: {  	_ =	shalt  }
0x43: {  	_ =	shalt  }
0x44: {  	_ =	shalt  }
0x45: {  	_ =	shalt  }
0x46: {  	_ =	shalt  }
0x47: {  	_ =	shalt  }
0x48: {  	_ =	shalt  }
0x49: {  	_ =	shalt  }
0x4a: {  	_ =	shalt  }
0x4b: {  	_ =	shalt  }
0x4c: {  	_ =	shalt  }
0x4d: {  	_ =	shalt  }
0x4e: {  	_ =	shalt  }
0x4f: {  	_ =	shalt  }
0x50: {  	_ =	shalt  }
0x51: {  	_ =	shalt  }
0x52: {  	_ =	shalt  }
0x53: {  	_ =	shalt  }
0x54: {  	_ =	shalt  }
0x55: {  	_ =	shalt  }
0x56: {  	_ =	shalt  }
0x57: {  	_ =	shalt  }
0x58: {  	_ =	shalt  }
0x59: {  	_ =	shalt  }
0x5a: {  	_ =	shalt  }
0x5b: {  	_ =	shalt  }
0x5c: {  	_ =	shalt  }
0x5d: {  	_ =	shalt  }
0x5e: {  	_ =	shalt  }
0x5f: {  	_ =	shalt  }
0x60: {  	_ =	shalt  }
0x61: {  	_ =	shalt  }
0x62: {  	_ =	shalt  }
0x63: {  	_ =	shalt  }
0x64: {  	_ =	shalt  }
0x65: {  	_ =	shalt  }
0x66: {  	_ =	shalt  }
0x67: {  	_ =	shalt  }
0x68: {  	_ =	shalt  }
0x69: {  	_ =	shalt  }
0x6a: {  	_ =	shalt  }
0x6b: {  	_ =	shalt  }
0x6c: {  	_ =	shalt  }
0x6d: {  	_ =	shalt  }
0x6e: {  	_ =	shalt  }
0x6f: {  	_ =	shalt  }
0x70: {  	_ =	shalt  }
0x71: {  	_ =	shalt  }
0x72: {  	_ =	shalt  }
0x73: {  	_ =	shalt  }
0x74: {  	_ =	shalt  }
0x75: {  	_ =	shalt  }
0x76: {  	_ =	shalt  }
0x77: {  	_ =	shalt  }
0x78: {  	_ =	shalt  }
0x79: {  	_ =	shalt  }
0x7a: {  	_ =	shalt  }
0x7b: {  	_ =	shalt  }
0x7c: {  	_ =	shalt  }
0x7d: {  	_ =	shalt  }
0x7e: {  	_ =	shalt  }
0x7f: {  	_ =	shalt  }
0x80: {  	_ =	shalt  }
0x81: {  	_ =	shalt  }
0x82: {  	_ =	shalt  }
0x83: {  	_ =	shalt  }
0x84: {  	_ =	shalt  }
0x85: {  	_ =	shalt  }
0x86: {  	_ =	shalt  }
0x87: {  	_ =	shalt  }
.Lfunc_end0:
.L_simem_size_0:
called_computation_lowered:
.L_overlay_start_0:
0x88: {  	s2 =	sld [smem:$0x3FD9]  }
0x89: {  	s3 =	sld [smem:$0x3FFE];
	_ =	sdelay $0x1  }
0x8a: {  	s1 =	srdreg.scid  }
0x8b: {  	s0 =	sand.u32 $0x1, s1  }
0x8c: {  	s14 =	sshll.u32 s0, $0xA;
	s2 =	sadd.s32 s3, s2  }
0x8d: {  	s2 =	sadd.s32 s2, s14  }
0x8e: {  	[smem:$0x3FC2] =	sst s2  }
0x8f: {  	_ = 	snop  }
0x90: {  	s2 =	sld [smem:$0x3FD0];
	_ =	sdelay $0x2  }
0x91: {  	s15 =	simm.s32 $0xA;
	s4 =	simm.s32 $0x10  }
0x92: {  	[smem:s4], [sflag:s15] =	dma.local [hbm:s2], $0x1  }
0x93: {  	_ =	swait.eq [sflag:s15], $0x1  }
0x94: {  	s16 =	sld [smem:$0x10];
	[sflag:s15] =	ssyncset.done $0x0  }
0x95: {  	s17 =	sld [smem:$0x11];
	[sflag:s15] =	ssyncadd.s32 $0xFFFFFFFF  }
0x96: {  	s18 =	sld [smem:$0x12];
	(tm) =	ssettm $0x1  }
0x97: {  	s5 =	sld [smem:$0x3FFB];
	_ =	sdelay $0x3  }
0x98: {  	_ =	strace s5  }
0x99: {  	s5 =	sld [smem:$0x3FFC];
	_ =	sdelay $0x3  }
0x9a: {  	_ =	strace s5  }
0x9b: {  	s5 =	sld [smem:$0x3FFD];
	_ =	sdelay $0x3  }
0x9c: {  	_ =	strace s5  }
0x9d: {  	_ =	strace $0x8FFFFFFF  }
0x9e: {  	s19 =	sld [smem:$0x3FDB];
	_ =	sdelay $0x1  }
0x9f: {  	s6 =	simm.s32 $_scs_section_size  }
0xa0: {  	s7 =	simm.s32 $_size__tile_overlayer_lowered;
	s8 =	simm.s32 $_tile_overlayer_lowered  }
0xa1: {  	s22 =	simm.s32 $0x1BFF;
	s21 =	sshll.u32 s8, $0x1;
	s5 =	sadd.s32 s6, s19  }
0xa2: {  	s9 =	simm.s32 $0x0;
	s20 =	sshll.u32 s7, $0x1;
	s7 =	sadd.s32 s21, s5  }
0xa3: {  	[timem:s9], [sflag:s22] =	dma.local [hbm:s7], s20  }
0xa4: {  	_ =	swait.ge [sflag:s22], s20  }
0xa5: {  	s6 =	ssub.s32 $0x0, s20;
	[sflag:s22] =	ssyncset.done $0x0  }
0xa6: {  	[sflag:s22] =	ssyncadd.s32 s6;
	_ =	sdelay $0x1  }
0xa7: {  	s23 =	simm.s32 $0x1B8B  }
0xa8: {  	_ =	swait.ge [sflag:s23], $0x1  }
0xa9: {  	[sflag:s23] =	ssyncset.done $0x0  }
0xaa: {  	s25 =	simm.s32 $0x1B8E;
	s24 =	sld [smem:$0x3FFE];
	[sflag:s23] =	ssyncadd.s32 $0xFFFFFFFF  }
0xab: {  	s26 =	simm.s32 $execute0_lowered;
	[smem:$0x3FD2] =	sst s25  }
0xac: {  	s7 =	sshll.u32 s26, $0x1;
	_ =	strace $0x80000046;
	[dreg:$0x1] =	wrdreg $0xFFFFFFFF  }
0xad: {  	s28 =	simm.s32 $_size_execute0_lowered;
	s5 =	sadd.s32 s5, s7;
	[dreg:$0x0] =	wrdreg $0x0  }
0xae: {  	s7 =	sshll.u32 s28, $0x1;
	[dreg:$0x2] =	wrdreg s5  }
0xaf: {  	[dreg:$0x3] =	wrdreg s7  }
0xb0: {  	[dreg:$0x4] =	wrdreg $0xC0  }
0xb1: {  	_ =	task [dreg:s9], $0x5FFFF  }
0xb2: {  	[dreg:$0x1] =	wrdreg $0xFFFFFFFF  }
0xb3: {  	[dreg:$0x0] =	wrdreg $0x60  }
0xb4: {  	[dreg:$0x2] =	wrdreg s24  }
0xb5: {  	[dreg:$0x3] =	wrdreg s18  }
0xb6: {  	[dreg:$0x4] =	wrdreg s16  }
0xb7: {  	[dreg:$0x5] =	wrdreg s17  }
0xb8: {  	[dreg:$0x6] =	wrdreg $0x9  }
0xb9: {  	_ =	task.clear_ibuf [dreg:s9], $0x7FFFF;
	_ =	strace $0x90000046  }
0xba: {  	s29 =	simm.s32 $0x9;
	_ =	strace $0x80000048  }
0xbb: {  	_ =	swait.ge [sflag:s29], $0x1  }
0xbc: {  	[sflag:s29] =	ssyncadd.s32 $0xFFFFFFFF  }
0xbd: {  	_ =	strace $0x90000048  }
0xbe: {  	_ =	sfence  }
0xbf: {  	s30 =	sld [smem:$0x0];
	_ =	sdelay $0x2  }
0xc0: {  	s31 =	sshll.u32 s1, $0xD;
	s1 =	sshrl.u32 s1, $0x2  }
0xc1: {  	s3 =	sand.u32 $0x4000, s31;
	s1 =	sadd.s32 s1, s30  }
0xc2: {  	s0 =	sor.u32 s3, s0;
	s1 =	sshll.u32 s1, $0x11  }
0xc3: {  	s0 =	sor.u32 s1, s0  }
0xc4: {  	s0 =	sadd.s32 $0x8F2B, s0  }
0xc5: {  	[sflag:s0] =	ssyncadd.remote.s32 $0x1  }
0xc6: {  	_ =	sfence.sel $0xFFFF  }
0xc7: {  	[dreg:$0x0] =	wrdreg $0xFFFFFFFF;
	(pc) =	sbr.abs _section_cstart, $3  }
0xc8: {  	[dreg:$0x1] =	wrdreg $0xFFFFFFFF  }
0xc9: {  	_ =	task.clear_ibuf [dreg:s9], $0x2FFFF;
	_ =	strace $0x9FFFFFFF  }
0xca: {  	(tm) =	ssettm $0x7FFFFFFF  }
0xcb: {  	_ =	shalt  }
tec
execute0_lowered:
.L_overlay_start_1:
0x0: {  	(tag) =	ssettag $0x1  }
0x1: {  	s0 =	rddreg [dreg:$0x0]  }
0x2: {  	s1 =	rddreg [dreg:$0x2]  }
0x3: {  	s2 =	rddreg [dreg:$0x3]  }
0x4: {  	s14 =	simm.s32 $0x0;
	s3 =	srdreg.scid;
	s7 =	stileid.u32  }
0x5: {  	[smem:$0x7FF] =	sst s14;
	s3 =	sand.u32 $0x1, s3;
	s4 =	sadd.s32 $0x5600, s0  }
0x6: {  	s5 =	sadd.s32 $0x7000, s0;
	s8 =	sadd.s32 $0x3C00, s0;
	s9 =	sadd.s32 $0x2200, s0  }
0x7: {  	s10 =	sadd.s32 $0x400, s0;
	s11 =	sadd.s32 $0x2000, s0;
	s6 =	sshll.u32 s3, $0x4  }
0x8: {  	_ =	strace $0x80000047;
	s3 =	ssub.s32 $0x2, s3;
	s6 =	sor.u32 s7, s6  }
0x9: {  	s26 =	sshrl.u32 s3, $0x1;
	[dreg:$0x5] =	wrdreg s6;
	s6 =	smul.u32 $0xA0, s6  }
0xa: {  	s13 =	sadd.s32 $0x1E00, s0;
	[dreg:$0x6] =	wrdreg s11;
	s3 =	ssub.s32 s3, s26  }
0xb: {  	[dreg:$0x7] =	wrdreg s13;
	s22 =	smax.u32 s3, $0x1;
	s12 =	sshrl.u32 s6, $0x3  }
0xc: {  	s7 =	sadd.s32 $0x8A00, s0;
	[dreg:$0x13] =	wrdreg s22;
	s1 =	sadd.s32 s1, s12  }
0xd: {  	s0 =	sadd.s32 s0, s12;
	s12 =	sadd.s32 s2, s12;
	[dreg:$0x9] =	wrdreg s1  }
0xe: {  	[dreg:$0xa] =	wrdreg s12  }
0xf: {  	s13 =	sadd.s32 $0xA400, s0;
	[dreg:$0x8] =	wrdreg s0  }
0x10: {  	s15 =	sadd.s32 $0xA680, s0;
	[dreg:$0xb] =	wrdreg s13  }
0x11: {  	s16 =	sadd.s32 $0xA900, s0;
	[dreg:$0xc] =	wrdreg s15  }
0x12: {  	s17 =	sadd.s32 $0xAB80, s0;
	[dreg:$0xd] =	wrdreg s16  }
0x13: {  	s31 =	simm.s32 $0x3980;
	s18 =	sadd.s32 $0xAE00, s0;
	[dreg:$0xe] =	wrdreg s17  }
0x14: {  	s28 =	simm.s32 $0x4480;
	s19 =	sadd.s32 $0xB080, s0;
	[dreg:$0xf] =	wrdreg s18  }
0x15: {  	s29 =	simm.s32 $0x4580;
	s20 =	sadd.s32 $0xB300, s0;
	[dreg:$0x10] =	wrdreg s19  }
0x16: {  	s30 =	simm.s32 $0x4680;
	s21 =	sadd.s32 $0xB580, s0;
	[dreg:$0x11] =	wrdreg s20  }
0x17: {  	s11 =	simm.s32 $0x1;
	s23 =	sadd.s32 $0xB800, s0;
	[dreg:$0x12] =	wrdreg s21  }
0x18: {  	s3 =	simm.s32 $0x3880;
	s24 =	sadd.s32 $0xBA80, s0;
	[dreg:$0x14] =	wrdreg s23  }
0x19: {  	s22 =	simm.s32 $0x3F80;
	s25 =	sadd.s32 $0xBD00, s0;
	[dreg:$0x15] =	wrdreg s24  }
0x1a: {  	v0 =	vmov s6;
	s6 =	simm.s32 $0x4880;
	s26 =	sadd.s32 $0xBF80, s0;
	[dreg:$0x16] =	wrdreg s25  }
.Ltmp0:
0x1b: {  	s0 =	sadd.s32 $0xC200, s0;
	[dreg:$0x17] =	wrdreg s26;
	(pc) =	sbr.rel .LBB2_1-.Ltmp0, $4  }
0x1c: {  	s2 =	simm.s32 $0x0;
	s12 =	simm.s32 $0x0;
	[dreg:$0x18] =	wrdreg s0  }
0x1d: {  	s0 =	simm.s32 $0x3A80;
	s19 =	simm.s32 $0x3C80;
	s20 =	simm.s32 $0x3D80  }
0x1e: {  	v1 =	vimm.f32 $0.0e+00;
	s21 =	simm.s32 $0x3E80;
	s23 =	simm.s32 $0x4080;
	s24 =	simm.s32 $0x4180  }
0x1f: {  	v2 =	vlaneseq.u32;
	vm0 =	vcmask $0x3F3C;
	vm1 =	vmmov $0x7fff;
	s25 =	simm.s32 $0x4280;
	s26 =	simm.s32 $0x4380;
	s13 =	simm.s32 $0x4780  }
.LBB2_6:
0x20: {  	s14 =	simm.s32 $0x0;
	s1 =	rddreg [dreg:$0xb]  }
0x21: {  	[hbm4b:s1+s14] =	stream.linear.scatter [tilespmem:s19], [sflag:$0x1], $0xA0, $0x38;
	[tilespmem:$0x4980] =	vst v63  }
0x22: {  	s16 =	rddreg [dreg:$0xc]  }
0x23: {  	[hbm4b:s16+s14] =	stream.linear.scatter [tilespmem:s20], [sflag:$0x1], $0xA0, $0x38;
	[tilespmem:$0x4980] =	vst v63  }
0x24: {  	s17 =	rddreg [dreg:$0xd]  }
0x25: {  	[hbm4b:s17+s14] =	stream.linear.scatter [tilespmem:s21], [sflag:$0x1], $0xA0, $0x38;
	[tilespmem:$0x4980] =	vst v63  }
0x26: {  	s18 =	rddreg [dreg:$0xe]  }
0x27: {  	[hbm4b:s18+s14] =	stream.linear.scatter [tilespmem:s22], [sflag:$0x1], $0xA0, $0x38;
	[tilespmem:$0x4980] =	vst v63  }
0x28: {  	s2 =	rddreg [dreg:$0xf]  }
0x29: {  	[hbm4b:s2+s14] =	stream.linear.scatter [tilespmem:s23], [sflag:$0x1], $0xA0, $0x38;
	[tilespmem:$0x4980] =	vst v63  }
0x2a: {  	s15 =	rddreg [dreg:$0x10]  }
0x2b: {  	[hbm4b:s15+s14] =	stream.linear.scatter [tilespmem:s24], [sflag:$0x1], $0xA0, $0x38;
	[tilespmem:$0x4980] =	vst v63  }
0x2c: {  	s16 =	rddreg [dreg:$0x11]  }
0x2d: {  	[hbm4b:s16+s14] =	stream.linear.scatter [tilespmem:s25], [sflag:$0x1], $0xA0, $0x38;
	[tilespmem:$0x4980] =	vst v63  }
0x2e: {  	s17 =	rddreg [dreg:$0x12]  }
0x2f: {  	[hbm4b:s17+s14] =	stream.linear.scatter [tilespmem:s26], [sflag:$0x1], $0xA0, $0x38;
	[tilespmem:$0x4980] =	vst v63  }
0x30: {  	s18 =	rddreg [dreg:$0x14]  }
0x31: {  	[hbm4b:s18+s14] =	stream.linear.scatter [tilespmem:s28], [sflag:$0x1], $0xA0, $0x38;
	[tilespmem:$0x4980] =	vst v63  }
0x32: {  	s2 =	rddreg [dreg:$0x15]  }
0x33: {  	[hbm4b:s2+s14] =	stream.linear.scatter [tilespmem:s29], [sflag:$0x1], $0xA0, $0x38;
	[tilespmem:$0x4980] =	vst v63  }
0x34: {  	s15 =	rddreg [dreg:$0x16]  }
0x35: {  	[hbm4b:s15+s14] =	stream.linear.scatter [tilespmem:s30], [sflag:$0x1], $0xA0, $0x38;
	[tilespmem:$0x4980] =	vst v63  }
0x36: {  	s16 =	rddreg [dreg:$0x17]  }
0x37: {  	[hbm4b:s16+s14] =	stream.linear.scatter [tilespmem:s13], [sflag:$0x1], $0xA0, $0x38;
	[tilespmem:$0x4980] =	vst v63  }
0x38: {  	s17 =	rddreg [dreg:$0x18]  }
0x39: {  	[hbm4b:s17+s14] =	stream.linear.scatter [tilespmem:s6], [sflag:$0x1], $0xA0, $0x38;
	[tilespmem:$0x4980] =	vst v63  }
0x3a: {  	_ =	swait.ge [sflag:s11], $0xA0  }
0x3b: {  	[sflag:s11] =	ssyncset.done $0x0  }
0x3c: {  	[sflag:s11] =	ssyncadd.s32 $0xFFFFFF60  }
0x3d: {  	_ =	swait.ge [sflag:s11], $0xA0  }
0x3e: {  	[sflag:s11] =	ssyncset.done $0x0  }
0x3f: {  	[sflag:s11] =	ssyncadd.s32 $0xFFFFFF60  }
0x40: {  	_ =	swait.ge [sflag:s11], $0xA0  }
0x41: {  	[sflag:s11] =	ssyncset.done $0x0  }
0x42: {  	[sflag:s11] =	ssyncadd.s32 $0xFFFFFF60  }
0x43: {  	_ =	swait.ge [sflag:s11], $0xA0  }
0x44: {  	[sflag:s11] =	ssyncset.done $0x0  }
0x45: {  	[sflag:s11] =	ssyncadd.s32 $0xFFFFFF60  }
0x46: {  	_ =	swait.ge [sflag:s11], $0xA0  }
0x47: {  	[sflag:s11] =	ssyncset.done $0x0  }
0x48: {  	[sflag:s11] =	ssyncadd.s32 $0xFFFFFF60  }
0x49: {  	_ =	swait.ge [sflag:s11], $0xA0  }
0x4a: {  	[sflag:s11] =	ssyncset.done $0x0  }
0x4b: {  	[sflag:s11] =	ssyncadd.s32 $0xFFFFFF60  }
0x4c: {  	_ =	swait.ge [sflag:s11], $0xA0  }
0x4d: {  	[sflag:s11] =	ssyncset.done $0x0  }
0x4e: {  	[sflag:s11] =	ssyncadd.s32 $0xFFFFFF60  }
0x4f: {  	_ =	swait.ge [sflag:s11], $0xA0  }
0x50: {  	[sflag:s11] =	ssyncset.done $0x0  }
0x51: {  	[sflag:s11] =	ssyncadd.s32 $0xFFFFFF60  }
0x52: {  	_ =	swait.ge [sflag:s11], $0xA0  }
0x53: {  	[sflag:s11] =	ssyncset.done $0x0  }
0x54: {  	[sflag:s11] =	ssyncadd.s32 $0xFFFFFF60  }
0x55: {  	_ =	swait.ge [sflag:s11], $0xA0  }
0x56: {  	[sflag:s11] =	ssyncset.done $0x0  }
0x57: {  	[sflag:s11] =	ssyncadd.s32 $0xFFFFFF60  }
0x58: {  	_ =	swait.ge [sflag:s11], $0xA0  }
0x59: {  	[sflag:s11] =	ssyncset.done $0x0  }
0x5a: {  	[sflag:s11] =	ssyncadd.s32 $0xFFFFFF60  }
0x5b: {  	_ =	swait.ge [sflag:s11], $0xA0  }
0x5c: {  	[sflag:s11] =	ssyncset.done $0x0  }
0x5d: {  	[sflag:s11] =	ssyncadd.s32 $0xFFFFFF60  }
0x5e: {  	_ =	swait.ge [sflag:s11], $0xA0  }
0x5f: {  	s2 =	rddreg [dreg:$0x19]  }
0x60: {  	s18 =	rddreg [dreg:$0x13];
	s2 =	sadd.s32 $0x1, s2  }
0x61: {  	p0 =	sne.s32 s2, s18  }
.Ltmp1:
0x62: {  	_ = 	snop;
	(pc) =	sbr.rel @!p0 .LBB2_7-.Ltmp1, $3  }
0x63: {  	_ =	sdelay $0x1  }
0x64: {  	[sflag:s11] =	ssyncset.done $0x0  }
0x65: {  	[sflag:s11] =	ssyncadd.s32 $0xFFFFFF60  }
.LBB2_1:
0x66: {  	[dreg:$0x19] =	wrdreg s2  }
0x67: {  	s1 =	rddreg [dreg:$0x6];
	s18 =	simm.s32 $0x3B80  }
0x68: {  	[tilespmem:s18], [sflag:$0x1] =	stream.linear.gather [hbm4b:s1+s14], $0x80, $0x38;
	[tilespmem:$0x4980] =	vst v63  }
0x69: {  	s2 =	rddreg [dreg:$0x7];
	s15 =	simm.s32 $0x3C00  }
0x6a: {  	[tilespmem:s15], [sflag:$0x1] =	stream.linear.gather [hbm4b:s2+s14], $0x80, $0x38;
	[tilespmem:$0x4980] =	vst v63  }
0x6b: {  	s16 =	rddreg [dreg:$0x8]  }
0x6c: {  	[tilespmem:s3], [sflag:$0x1] =	stream.linear.gather [hbm4b:s16+s14], $0xA0, $0x38;
	[tilespmem:$0x4980] =	vst v63  }
0x6d: {  	s17 =	rddreg [dreg:$0x9]  }
0x6e: {  	[tilespmem:s31], [sflag:$0x1] =	stream.linear.gather [hbm4b:s17+s14], $0xA0, $0x38;
	[tilespmem:$0x4980] =	vst v63  }
0x6f: {  	s18 =	rddreg [dreg:$0xa]  }
0x70: {  	[tilespmem:s0], [sflag:$0x1] =	stream.linear.gather [hbm4b:s18+s14], $0xA0, $0x38;
	[tilespmem:$0x4980] =	vst v63  }
0x71: {  	[tilespmem:$0x3C80] =	vst v1  }
0x72: {  	[tilespmem:$0x3D80] =	vst v1  }
0x73: {  	[tilespmem:$0x3E80] =	vst v1  }
0x74: {  	[tilespmem:$0x3F80] =	vst v1  }
0x75: {  	[tilespmem:$0x4080] =	vst v1  }
0x76: {  	[tilespmem:$0x4180] =	vst v1  }
0x77: {  	[tilespmem:$0x4280] =	vst v1  }
0x78: {  	[tilespmem:$0x4380] =	vst v1  }
0x79: {  	[tilespmem:$0x4480] =	vst v1  }
0x7a: {  	[tilespmem:$0x4580] =	vst v1  }
0x7b: {  	[tilespmem:$0x4680] =	vst v1  }
0x7c: {  	[tilespmem:$0x4780] =	vst v1  }
0x7d: {  	[tilespmem:$0x4880] =	vst v1  }
0x7e: {  	[tilespmem:$0x3C90] =	vst v1  }
0x7f: {  	[tilespmem:$0x3D90] =	vst v1  }
0x80: {  	[tilespmem:$0x3E90] =	vst v1  }
0x81: {  	[tilespmem:$0x3F90] =	vst v1  }
0x82: {  	[tilespmem:$0x4090] =	vst v1  }
0x83: {  	[tilespmem:$0x4190] =	vst v1  }
0x84: {  	[tilespmem:$0x4290] =	vst v1  }
0x85: {  	[tilespmem:$0x4390] =	vst v1  }
0x86: {  	[tilespmem:$0x4490] =	vst v1  }
0x87: {  	[tilespmem:$0x4590] =	vst v1  }
0x88: {  	[tilespmem:$0x4690] =	vst v1  }
0x89: {  	[tilespmem:$0x4790] =	vst v1  }
0x8a: {  	[tilespmem:$0x4890] =	vst v1  }
0x8b: {  	[tilespmem:$0x3CA0] =	vst v1  }
0x8c: {  	[tilespmem:$0x3DA0] =	vst v1  }
0x8d: {  	[tilespmem:$0x3EA0] =	vst v1  }
0x8e: {  	[tilespmem:$0x3FA0] =	vst v1  }
0x8f: {  	[tilespmem:$0x40A0] =	vst v1  }
0x90: {  	[tilespmem:$0x41A0] =	vst v1  }
0x91: {  	[tilespmem:$0x42A0] =	vst v1  }
0x92: {  	[tilespmem:$0x43A0] =	vst v1  }
0x93: {  	[tilespmem:$0x44A0] =	vst v1  }
0x94: {  	[tilespmem:$0x45A0] =	vst v1  }
0x95: {  	[tilespmem:$0x46A0] =	vst v1  }
0x96: {  	[tilespmem:$0x47A0] =	vst v1  }
0x97: {  	[tilespmem:$0x48A0] =	vst v1  }
0x98: {  	[tilespmem:$0x3CB0] =	vst v1  }
0x99: {  	[tilespmem:$0x3DB0] =	vst v1  }
0x9a: {  	[tilespmem:$0x3EB0] =	vst v1  }
0x9b: {  	[tilespmem:$0x3FB0] =	vst v1  }
0x9c: {  	[tilespmem:$0x40B0] =	vst v1  }
0x9d: {  	[tilespmem:$0x41B0] =	vst v1  }
0x9e: {  	[tilespmem:$0x42B0] =	vst v1  }
0x9f: {  	[tilespmem:$0x43B0] =	vst v1  }
0xa0: {  	[tilespmem:$0x44B0] =	vst v1  }
0xa1: {  	[tilespmem:$0x45B0] =	vst v1  }
0xa2: {  	[tilespmem:$0x46B0] =	vst v1  }
0xa3: {  	[tilespmem:$0x47B0] =	vst v1  }
0xa4: {  	[tilespmem:$0x48B0] =	vst v1  }
0xa5: {  	[tilespmem:$0x3CC0] =	vst v1  }
0xa6: {  	[tilespmem:$0x3DC0] =	vst v1  }
0xa7: {  	[tilespmem:$0x3EC0] =	vst v1  }
0xa8: {  	[tilespmem:$0x3FC0] =	vst v1  }
0xa9: {  	[tilespmem:$0x40C0] =	vst v1  }
0xaa: {  	[tilespmem:$0x41C0] =	vst v1  }
0xab: {  	[tilespmem:$0x42C0] =	vst v1  }
0xac: {  	[tilespmem:$0x43C0] =	vst v1  }
0xad: {  	[tilespmem:$0x44C0] =	vst v1  }
0xae: {  	[tilespmem:$0x45C0] =	vst v1  }
0xaf: {  	[tilespmem:$0x46C0] =	vst v1  }
0xb0: {  	[tilespmem:$0x47C0] =	vst v1  }
0xb1: {  	[tilespmem:$0x48C0] =	vst v1  }
0xb2: {  	[tilespmem:$0x3CD0] =	vst v1  }
0xb3: {  	[tilespmem:$0x3DD0] =	vst v1  }
0xb4: {  	[tilespmem:$0x3ED0] =	vst v1  }
0xb5: {  	[tilespmem:$0x3FD0] =	vst v1  }
0xb6: {  	[tilespmem:$0x40D0] =	vst v1  }
0xb7: {  	[tilespmem:$0x41D0] =	vst v1  }
0xb8: {  	[tilespmem:$0x42D0] =	vst v1  }
0xb9: {  	[tilespmem:$0x43D0] =	vst v1  }
0xba: {  	[tilespmem:$0x44D0] =	vst v1  }
0xbb: {  	[tilespmem:$0x45D0] =	vst v1  }
0xbc: {  	[tilespmem:$0x46D0] =	vst v1  }
0xbd: {  	[tilespmem:$0x47D0] =	vst v1  }
0xbe: {  	[tilespmem:$0x48D0] =	vst v1  }
0xbf: {  	[tilespmem:$0x3CE0] =	vst v1  }
0xc0: {  	[tilespmem:$0x3DE0] =	vst v1  }
0xc1: {  	[tilespmem:$0x3EE0] =	vst v1  }
0xc2: {  	[tilespmem:$0x3FE0] =	vst v1  }
0xc3: {  	[tilespmem:$0x40E0] =	vst v1  }
0xc4: {  	[tilespmem:$0x41E0] =	vst v1  }
0xc5: {  	[tilespmem:$0x42E0] =	vst v1  }
0xc6: {  	[tilespmem:$0x43E0] =	vst v1  }
0xc7: {  	[tilespmem:$0x44E0] =	vst v1  }
0xc8: {  	[tilespmem:$0x45E0] =	vst v1  }
0xc9: {  	[tilespmem:$0x46E0] =	vst v1  }
0xca: {  	[tilespmem:$0x47E0] =	vst v1  }
0xcb: {  	[tilespmem:$0x48E0] =	vst v1  }
0xcc: {  	[tilespmem:$0x3CF0] =	vst v1  }
0xcd: {  	[tilespmem:$0x3DF0] =	vst v1  }
0xce: {  	[tilespmem:$0x3EF0] =	vst v1  }
0xcf: {  	[tilespmem:$0x3FF0] =	vst v1  }
0xd0: {  	[tilespmem:$0x40F0] =	vst v1  }
0xd1: {  	[tilespmem:$0x41F0] =	vst v1  }
0xd2: {  	[tilespmem:$0x42F0] =	vst v1  }
0xd3: {  	[tilespmem:$0x43F0] =	vst v1  }
0xd4: {  	[tilespmem:$0x44F0] =	vst v1  }
0xd5: {  	[tilespmem:$0x45F0] =	vst v1  }
0xd6: {  	[tilespmem:$0x46F0] =	vst v1  }
0xd7: {  	[tilespmem:$0x47F0] =	vst v1  }
0xd8: {  	[tilespmem:$0x48F0] =	vst v1  }
0xd9: {  	[tilespmem:$0x3D00] =	vst v1  }
0xda: {  	[tilespmem:$0x3E00] =	vst v1  }
0xdb: {  	[tilespmem:$0x3F00] =	vst v1  }
0xdc: {  	[tilespmem:$0x4000] =	vst v1  }
0xdd: {  	[tilespmem:$0x4100] =	vst v1  }
0xde: {  	[tilespmem:$0x4200] =	vst v1  }
0xdf: {  	[tilespmem:$0x4300] =	vst v1  }
0xe0: {  	[tilespmem:$0x4400] =	vst v1  }
0xe1: {  	[tilespmem:$0x4500] =	vst v1  }
0xe2: {  	[tilespmem:$0x4600] =	vst v1  }
0xe3: {  	[tilespmem:$0x4700] =	vst v1  }
0xe4: {  	[tilespmem:$0x4800] =	vst v1  }
0xe5: {  	[tilespmem:$0x4900] =	vst v1  }
0xe6: {  	[tilespmem:$0x3D10] =	vst v1  }
0xe7: {  	[tilespmem:$0x3E10] =	vst v1  }
0xe8: {  	[tilespmem:$0x3F10] =	vst v1  }
0xe9: {  	[tilespmem:$0x4010] =	vst v1  }
0xea: {  	[tilespmem:$0x4110] =	vst v1  }
0xeb: {  	[tilespmem:$0x4210] =	vst v1  }
0xec: {  	[tilespmem:$0x4310] =	vst v1  }
0xed: {  	[tilespmem:$0x4410] =	vst v1  }
0xee: {  	[tilespmem:$0x4510] =	vst v1  }
0xef: {  	[tilespmem:$0x4610] =	vst v1  }
0xf0: {  	[tilespmem:$0x4710] =	vst v1  }
0xf1: {  	[tilespmem:$0x4810] =	vst v1  }
0xf2: {  	[tilespmem:$0x4910] =	vst v1  }
0xf3: {  	_ =	swait.ge [sflag:s11], $0x80  }
0xf4: {  	[sflag:s11] =	ssyncset.done $0x0  }
0xf5: {  	[sflag:s11] =	ssyncadd.s32 $0xFFFFFF80  }
0xf6: {  	_ =	swait.ge [sflag:s11], $0x80  }
0xf7: {  	[sflag:s11] =	ssyncset.done $0x0  }
0xf8: {  	[sflag:s11] =	ssyncadd.s32 $0xFFFFFF80  }
0xf9: {  	_ =	swait.ge [sflag:s11], $0xA0  }
0xfa: {  	[sflag:s11] =	ssyncset.done $0x0  }
0xfb: {  	[sflag:s11] =	ssyncadd.s32 $0xFFFFFF60  }
0xfc: {  	_ =	swait.ge [sflag:s11], $0xA0  }
0xfd: {  	[sflag:s11] =	ssyncset.done $0x0  }
0xfe: {  	[sflag:s11] =	ssyncadd.s32 $0xFFFFFF60  }
0xff: {  	_ =	swait.ge [sflag:s11], $0xA0  }
0x100: {  	[sflag:s11] =	ssyncset.done $0x0  }
0x101: {  	s2 =	rddreg [dreg:$0x5];
	[sflag:s11] =	ssyncadd.s32 $0xFFFFFF60  }
0x102: {  	v3 =	vld [tilespmem:s2+$0x3B80]  }
0x103: {  	v4 =	vld [tilespmem:s2+$0x3C00];
	_ =	sdelay $0x3  }
0x104: {  	(v2sf) =	vpush v3, $0x0  }
0x105: {  	(v2sf) =	vpush v4, $0x0;
	_ =	sdelay $0xd  }
0x106: {  	s14 =	spop (v2sf)  }
0x107: {  	s15 =	spop (v2sf);
	s16 =	sand.u32 $0xFFFFFFF8, s14  }
0x108: {  	s1 =	ssub.s32 s15, s16  }
0x109: {  	s1 =	sadd.s32 $0x7FF, s1  }
0x10a: {  	s17 =	sand.u32 $0x7FF, s1  }
0x10b: {  	s18 =	sshra.s32 s1, $0x1F;
	p1 =	slt.s32 s1, $0x1;
	p0 =	sne.s32 s17, $0x0  }
0x10c: {  	s2 =	sshrl.u32 s18, $0x15;
	p0 =	por !p1, !p0  }
0x10d: {  	s1 =	sadd.s32 s2, s1;
	s2 =	simm.s32 $0x1;
	p0 =	por !p0, !p0  }
0x10e: {  	s1 =	sshra.s32 s1, $0xB;
	s2 =	simm.s32 @!p0 $0x0  }
0x10f: {  	s1 =	ssub.s32 s1, s2  }
0x110: {  	p0 =	slt.s32 s1, $0x1  }
.Ltmp2:
0x111: {  	_ = 	snop;
	(pc) =	sbr.rel @p0 .LBB2_6-.Ltmp2, $1  }
0x112: {  	_ =	sdelay $0x3  }
0x113: {  	v3 =	vbroadcast v3, $0x0;
	v4 =	vbroadcast v4, $0x0;
	s14 =	smov.u32 s16;
	s15 =	simm.s32 $0x0  }
.LBB2_3:
0x114: {  	s2 =	sshll.u32 s15, $0xB  }
0x115: {  	s2 =	sadd.s32 s16, s2  }
0x116: {  	s2 =	sshrl.u32 s2, $0x3  }
0x117: {  	s17 =	sadd.s32 s4, s2  }
0x118: {  	[tilespmem:s12], [sflag:$0x1] =	stream.linear.gather [hbm4b:s17+s12], $0x800, $0x38;
	[tilespmem:$0x4980] =	vst v63  }
0x119: {  	s18 =	simm.s32 $0x800;
	s17 =	sadd.s32 s5, s2  }
0x11a: {  	[tilespmem:s18], [sflag:$0x1] =	stream.linear.gather [hbm4b:s17+s12], $0x800, $0x38;
	[tilespmem:$0x4980] =	vst v63  }
0x11b: {  	s17 =	sadd.s32 s7, s2;
	s18 =	simm.s32 $0x1000  }
0x11c: {  	[tilespmem:s18], [sflag:$0x1] =	stream.linear.gather [hbm4b:s17+s12], $0x800, $0x38;
	[tilespmem:$0x4980] =	vst v63  }
0x11d: {  	s17 =	sadd.s32 s8, s2;
	s18 =	simm.s32 $0x1800  }
0x11e: {  	[tilespmem:s18], [sflag:$0x1] =	stream.linear.gather [hbm4b:s17+s12], $0x800, $0x38;
	[tilespmem:$0x4980] =	vst v63  }
0x11f: {  	s17 =	sadd.s32 s9, s2;
	s18 =	simm.s32 $0x2000  }
0x120: {  	[tilespmem:s18], [sflag:$0x1] =	stream.linear.gather [hbm4b:s17+s12], $0x800, $0x38;
	[tilespmem:$0x4980] =	vst v63  }
0x121: {  	s18 =	rddreg [dreg:$0x1]  }
0x122: {  	s17 =	sadd.s32 s18, s2;
	s18 =	simm.s32 $0x2800  }
0x123: {  	[tilespmem:s18], [sflag:$0x1] =	stream.linear.gather [hbm4b:s17+s12], $0x800, $0x38;
	[tilespmem:$0x4980] =	vst v63  }
0x124: {  	s2 =	sadd.s32 s10, s2;
	s18 =	simm.s32 $0x3000  }
0x125: {  	[tilespmem:s18], [sflag:$0x1] =	stream.linear.gather [hbm4b:s2+s12], $0x800, $0x38;
	[tilespmem:$0x4980] =	vst v63  }
0x126: {  	_ =	swait.ge [sflag:s11], $0x800  }
0x127: {  	[sflag:s11] =	ssyncset.done $0x0  }
0x128: {  	[sflag:s11] =	ssyncadd.s32 $0xFFFFF800  }
0x129: {  	_ =	swait.ge [sflag:s11], $0x800  }
0x12a: {  	[sflag:s11] =	ssyncset.done $0x0  }
0x12b: {  	[sflag:s11] =	ssyncadd.s32 $0xFFFFF800  }
0x12c: {  	_ =	swait.ge [sflag:s11], $0x800  }
0x12d: {  	[sflag:s11] =	ssyncset.done $0x0  }
0x12e: {  	[sflag:s11] =	ssyncadd.s32 $0xFFFFF800  }
0x12f: {  	_ =	swait.ge [sflag:s11], $0x800  }
0x130: {  	[sflag:s11] =	ssyncset.done $0x0  }
0x131: {  	[sflag:s11] =	ssyncadd.s32 $0xFFFFF800  }
0x132: {  	_ =	swait.ge [sflag:s11], $0x800  }
0x133: {  	[sflag:s11] =	ssyncset.done $0x0  }
0x134: {  	[sflag:s11] =	ssyncadd.s32 $0xFFFFF800  }
0x135: {  	_ =	swait.ge [sflag:s11], $0x800  }
0x136: {  	[sflag:s11] =	ssyncset.done $0x0  }
0x137: {  	[sflag:s11] =	ssyncadd.s32 $0xFFFFF800  }
0x138: {  	_ =	swait.ge [sflag:s11], $0x800  }
0x139: {  	[sflag:s11] =	ssyncset.done $0x0  }
0x13a: {  	s17 =	simm.s32 $0x0;
	s2 =	smov.u32 s14;
	[sflag:s11] =	ssyncadd.s32 $0xFFFFF800  }
.LBB2_4:
0x13b: {  	s18 =	sshra.s32 s17, $0x2  }
0x13c: {  	v5 =	vld [tilespmem:s18+$0x3000];
	_ =	sdelay $0x4  }
0x13d: {  	v5 =	vsub.s32 v5, v0  }
0x13e: {  	vm2 =	vgt.s32 v5, $0x0  }
0x13f: {  	v6 =	vld [tilespmem:s18+$0x3001];
	v5 =	vnsel vm2, $0x0, v5  }
0x140: {  	v7 =	vld [tilespmem:s18+$0x0];
	v5 =	vmin.u32 v5, $0x9F  }
0x141: {  	v8 =	vld [tilespmem:s18+$0x800]  }
0x142: {  	v9 =	vld [tilespmem:s18+$0x1000]  }
0x143: {  	v13 =	vld [tilespmem:s18+$0x2000]  }
0x144: {  	v36 =	vld [tilespmem:s18+$0x2800]  }
0x145: {  	v12 =	vadd.s32 s2, v2;
	v10 =	vld.idx.msk [tilespmem:v5+s31+$0x0], $0xffff  }
0x146: {  	vm3 =	vlt.s32 v12, v4;
	vm2 =	vge.s32 v12, v3;
	v11 =	vld.idx.msk [tilespmem:v5+s0+$0x0], $0xffff  }
0x147: {  	v16 =	vld [tilespmem:s18+$0x1800];
	vm2 =	vmand vm2, vm3  }
0x148: {  	v6 =	vsub.s32 v6, v0;
	v15 =	vsel vm2, $0x3F800000, v1;
	v14 =	vld.idx.msk [tilespmem:v5+s3+$0x0], $0xffff  }
0x149: {  	vm2 =	vgt.s32 v6, $0x0;
	v7 =	vmul.f32 v7, v15;
	(xrf2) =	vadd.scan.msk.f32 $0xffff, v15  }
0x14a: {  	v6 =	vnsel vm2, $0x0, v6;
	v8 =	vmul.f32 v8, v15;
	v9 =	vmul.f32 v9, v15  }
0x14b: {  	v6 =	vmin.u32 v6, $0x9F;
	(xrf2) =	vadd.scan.msk.f32 $0xffff, v7;
	v10 =	vsub.f32 v13, v10;
	v11 =	vsub.f32 v36, v11  }
0x14c: {  	vm3 =	vne.s32 v5, v6  }
0x14d: {  	(xrf2) =	vadd.scan.msk.f32 $0xffff, v8;
	v37 =	vsub.f32 v16, v14;
	v13 =	vmul.f32 v10, v9;
	v38 =	vmul.f32 v11, v8  }
0x14e: {  	vm2 =	vmor vm3, vm0  }
0x14f: {  	(xrf2) =	vadd.scan.msk.f32 $0xffff, v9;
	v39 =	vmul.f32 v11, v7;
	v16 =	vmul.f32 v37, v9;
	v13 =	vsub.f32 v13, v38  }
0x150: {  	vm3 =	vmand vm3, vm1  }
0x151: {  	v8 =	vmul.f32 v37, v8;
	v7 =	vmul.f32 v10, v7;
	v40 =	vsub.f32 v39, v16;
	(xrf2) =	vadd.scan.msk.f32 $0xffff, v13;
	_ =	sdelay $0x1  }
0x152: {  	v41 =	vmul.f32 v37, v37;
	v42, _, _ =	vpop (xrf2);
	v7 =	vsub.f32 v8, v7;
	(xrf2) =	vadd.scan.msk.f32 $0xffff, v40  }
0x153: {  	v43 =	vsub.f32 $0.0e+00, v42  }
0x154: {  	v44 =	vmul.f32 v10, v37;
	[tilespmem:v5+s19+$0x0] =	vst.idx.add.f32.msk vm2, v42;
	v8 =	vmul.f32 v41, v15;
	v45, _, _ =	vpop (xrf2);
	(xrf2) =	vadd.scan.msk.f32 $0xffff, v7  }
0x155: {  	[tilespmem:v6+s19+$0x0] =	vst.idx.add.f32.msk vm3, v43;
	v7 =	vsub.f32 $0.0e+00, v45  }
0x156: {  	v12 =	vmul.f32 v11, v37;
	v46 =	vmul.f32 v44, v15;
	v47, _, _ =	vpop (xrf2);
	[tilespmem:v5+s20+$0x0] =	vst.idx.add.f32.msk vm2, v45;
	(xrf2) =	vadd.scan.msk.f32 $0xffff, v8  }
0x157: {  	[tilespmem:v6+s20+$0x0] =	vst.idx.add.f32.msk vm3, v7;
	v7 =	vsub.f32 $0.0e+00, v47  }
0x158: {  	v49 =	vmul.f32 v10, v10;
	v48 =	vmul.f32 v12, v15;
	v50, _, _ =	vpop (xrf2);
	(xrf2) =	vadd.scan.msk.f32 $0xffff, v46;
	[tilespmem:v5+s21+$0x0] =	vst.idx.add.f32.msk vm2, v47  }
0x159: {  	[tilespmem:v6+s21+$0x0] =	vst.idx.add.f32.msk vm3, v7;
	v7 =	vsub.f32 $0.0e+00, v50  }
0x15a: {  	v10 =	vmul.f32 v11, v10;
	v51 =	vmul.f32 v49, v15;
	[tilespmem:v5+s22+$0x0] =	vst.idx.add.f32.msk vm2, v50;
	v52, _, _ =	vpop (xrf2);
	(xrf2) =	vadd.scan.msk.f32 $0xffff, v48  }
0x15b: {  	[tilespmem:v6+s22+$0x0] =	vst.idx.add.f32.msk vm3, v7;
	v7 =	vsub.f32 $0.0e+00, v52  }
0x15c: {  	v54 =	vmul.f32 v11, v11;
	v53 =	vmul.f32 v10, v15;
	[tilespmem:v5+s23+$0x0] =	vst.idx.add.f32.msk vm2, v52;
	v55, _, _ =	vpop (xrf2);
	(xrf2) =	vadd.scan.msk.f32 $0xffff, v51  }
0x15d: {  	[tilespmem:v6+s23+$0x0] =	vst.idx.add.f32.msk vm3, v7;
	v7 =	vsub.f32 $0.0e+00, v55  }
0x15e: {  	v56 =	vmul.f32 v54, v15;
	v57, _, _ =	vpop (xrf2);
	(xrf2) =	vadd.scan.msk.f32 $0xffff, v53;
	[tilespmem:v5+s24+$0x0] =	vst.idx.add.f32.msk vm2, v55  }
0x15f: {  	[tilespmem:v6+s24+$0x0] =	vst.idx.add.f32.msk vm3, v7;
	v7 =	vsub.f32 $0.0e+00, v57  }
0x160: {  	v58, _, _ =	vpop (xrf2);
	(xrf2) =	vadd.scan.msk.f32 $0xffff, v56;
	[tilespmem:v5+s25+$0x0] =	vst.idx.add.f32.msk vm2, v57  }
0x161: {  	[tilespmem:v6+s25+$0x0] =	vst.idx.add.f32.msk vm3, v7;
	v7 =	vsub.f32 $0.0e+00, v58  }
0x162: {  	v59, _, _ =	vpop (xrf2);
	[tilespmem:v5+s26+$0x0] =	vst.idx.add.f32.msk vm2, v58  }
0x163: {  	[tilespmem:v6+s26+$0x0] =	vst.idx.add.f32.msk vm3, v7;
	v7 =	vsub.f32 $0.0e+00, v59  }
0x164: {  	v60, _, _ =	vpop (xrf2);
	[tilespmem:v5+s28+$0x0] =	vst.idx.add.f32.msk vm2, v59  }
0x165: {  	[tilespmem:v6+s28+$0x0] =	vst.idx.add.f32.msk vm3, v7;
	v7 =	vsub.f32 $0.0e+00, v60  }
0x166: {  	v61, _, _ =	vpop (xrf2);
	[tilespmem:v5+s29+$0x0] =	vst.idx.add.f32.msk vm2, v60  }
0x167: {  	[tilespmem:v6+s29+$0x0] =	vst.idx.add.f32.msk vm3, v7;
	v7 =	vsub.f32 $0.0e+00, v61  }
0x168: {  	p0 =	sne.s32 s17, $0x1FC0;
	v62, _, _ =	vpop (xrf2);
	[tilespmem:v5+s30+$0x0] =	vst.idx.add.f32.msk vm2, v61  }
.Ltmp3:
0x169: {  	[tilespmem:v6+s30+$0x0] =	vst.idx.add.f32.msk vm3, v7;
	v7 =	vsub.f32 $0.0e+00, v62;
	(pc) =	sbr.rel @p0 .LBB2_4-.Ltmp3, $4  }
0x16a: {  	v63, _, _ =	vpop (xrf2);
	[tilespmem:v5+s13+$0x0] =	vst.idx.add.f32.msk vm2, v62  }
0x16b: {  	[tilespmem:v6+s13+$0x0] =	vst.idx.add.f32.msk vm3, v7;
	v7 =	vsub.f32 $0.0e+00, v63  }
0x16c: {  	[tilespmem:v5+s6+$0x0] =	vst.idx.add.f32.msk vm2, v63  }
0x16d: {  	s2 =	sadd.s32 $0x10, s2;
	s17 =	sadd.s32 $0x40, s17;
	[tilespmem:v6+s6+$0x0] =	vst.idx.add.f32.msk vm3, v7  }
0x16e: {  	s15 =	sadd.s32 $0x1, s15  }
0x16f: {  	p0 =	sne.s32 s15, s1  }
.Ltmp4:
0x170: {  	_ = 	snop;
	(pc) =	sbr.rel @p0 .LBB2_3-.Ltmp4, $4  }
.Ltmp5:
0x171: {  	_ = 	snop;
	(pc) =	sbr.rel @!p0 .LBB2_6-.Ltmp5, $4  }
0x172: {  	_ = 	snop  }
0x173: {  	_ = 	snop  }
0x174: {  	s14 =	sadd.s32 $0x800, s14  }
0x175: {  	_ = 	snop  }
.LBB2_7:
0x176: {  	_ =	sfence.sel $0x180000  }
0x177: {  	[bflag:$0x0] =	sbarrier.arrive $0xFFFF  }
0x178: {  	_ =	strace $0x90000047  }
0x179: {  	s0 =	stileid.u32;
	[bflag:$0x2] =	sbarrier.arrive $0xFFFF  }
0x17a: {  	p0 =	sne.s32 s0, $0x0;
	s0 =	rddreg [dreg:$0x4]  }
0x17b: {  	s0 =	sadd.s32 @!p0 $0x100000, s0  }
0x17c: {  	[sflag:s0] =	ssyncadd.tile.s32 @!p0 $0x1;
	_ =	shalt  }
.Lfunc_end2:
_tile_overlayer_lowered:
.L_overlay_start_2:
0x17d: {  	(tag) =	ssettag $0x2  }
0x17e: {  	s0 =	rddreg [dreg:$0x0];
	s2 =	stileid.u32  }
0x17f: {  	s1 =	rddreg [dreg:$0x1];
	p0 =	sne.s32 s2, $0x0  }
0x180: {  	s3 =	rddreg [dreg:$0x2];
	[bflag:$0x3] =	sbarrier.arrive $0xFFFF;
	s2 =	simm.s32 @!p0 $0x1C02  }
0x181: {  	[timem:s3], [sflag:s2] =	dma.local @!p0 [hbm:s0], s1  }
0x182: {  	s0 =	simm.s32 @!p0 $0x2  }
0x183: {  	_ =	swait.ge @!p0 [sflag:s0], s1  }
0x184: {  	s1 =	ssub.s32 @!p0 $0x0, s1;
	[sflag:s0] =	ssyncset.done @!p0 $0x0  }
0x185: {  	[sflag:s0] =	ssyncadd.s32 @!p0 s1  }
0x186: {  	[bflag:$0x3] =	sbarrier.arrive $0xFFFF  }
0x187: {  	_ =	shalt  }

</sc_bundles>
